<compile_context>
chip_gen: v7x
topology: tpu7x:2x2x1
jax: 0.10.2.dev20260603
libtpu: 0.0.44.dev20260713+nightly
codegen_flags: <defaults>
</compile_context>

<pallas_src>
import functools

import jax
import jax.numpy as jnp
from jax import lax
from jax.experimental import pallas as pl
from jax.experimental.pallas import tpu as pltpu
from jax.experimental.pallas import tpu_sc as plsc

VOCAB = 1000000
EMBED_DIM = 64

NC = 2
NS = 16
NW = NC * NS

IDX_W = 512
CHUNK = 512
K = CHUNK // IDX_W


def _make_lookup(B):
    assert B % (NW * CHUNK) == 0
    b_per_w = B // NW
    n_steps = b_per_w // CHUNK
    assert n_steps >= 4 and n_steps % 2 == 0
    mesh = plsc.VectorSubcoreMesh(core_axis_name="c", subcore_axis_name="s")

    @functools.partial(
        pl.kernel,
        mesh=mesh,
        compiler_params=pltpu.CompilerParams(use_tc_tiling_on_sc=False),
        out_type=jax.ShapeDtypeStruct((B, EMBED_DIM), jnp.float32),
        scratch_types=[
            pltpu.VMEM((b_per_w,), jnp.int32),
            pltpu.VMEM((CHUNK, EMBED_DIM), jnp.float32),
            pltpu.VMEM((CHUNK, EMBED_DIM), jnp.float32),
            pltpu.SemaphoreType.DMA,
            pltpu.SemaphoreType.DMA,
            pltpu.SemaphoreType.DMA,
            pltpu.SemaphoreType.DMA,
        ],
    )
    def lookup(table_hbm, x_hbm, out_hbm, idx_all, rows0, rows1,
               sg0, sg1, so0, so1):
        wid = lax.axis_index("s") * NC + lax.axis_index("c")
        base = pl.multiple_of(wid * b_per_w, CHUNK)
        rows = (rows0, rows1)
        sem_g = (sg0, sg1)
        sem_o = (so0, so1)

        pltpu.sync_copy(x_hbm.at[pl.ds(base, b_per_w)], idx_all)

        def fire(c, s):
            off = pl.multiple_of(c * CHUNK, CHUNK)
            for j in range(CHUNK // 16):
                iv = idx_all[pl.ds(off + j * 16, 16)]
                pltpu.async_copy(
                    table_hbm.at[iv],
                    rows[s].at[pl.ds(j * 16, 16)],
                    sem_g[s],
                )

        def drain_g(s):
            pltpu.make_async_copy(
                table_hbm.at[pl.ds(0, CHUNK)], rows[s], sem_g[s]).wait()

        def start_out(c, s):
            off = pl.multiple_of(base + c * CHUNK, CHUNK)
            pltpu.async_copy(rows[s], out_hbm.at[pl.ds(off, CHUNK)], sem_o[s])

        def wait_out(s):
            pltpu.make_async_copy(
                rows[s], out_hbm.at[pl.ds(0, CHUNK)], sem_o[s]).wait()

        fire(0, 0)
        fire(1, 1)
        drain_g(0)
        start_out(0, 0)

        def pair(k, carry):
            for d in range(2):
                c = 2 * k + 1 + d
                s = (1 + d) % 2
                o = 1 - s
                wait_out(o)
                fire(c + 1, o)
                drain_g(s)
                start_out(c, s)
            return carry

        lax.fori_loop(0, (n_steps - 2) // 2, pair, 0)

        drain_g(1)
        start_out(n_steps - 1, 1)
        wait_out(0)
        wait_out(1)

    return lookup


def kernel(x, table):
    B = x.shape[0] * x.shape[1]
    out = _make_lookup(B)(table, x.reshape(B))
    return out.reshape(x.shape[0], x.shape[1], EMBED_DIM)

# --- scband reference (transcript-rebuilt; emitter-appended) ---
"""Pipeline reference for scband-word-embedder-91079076479692 (READ-ONLY COPY).

The authoritative reference and input builder live on the scoring server;
editing this copy changes nothing except your own understanding.
"""

import jax, jax.numpy as jnp
import numpy as np

VOCAB = 1000000
EMBED_DIM = 64
PADDING_IDX = 0

def setup_inputs(seed: int = 0) -> dict:
    key = jax.random.key(seed)
    k_idx, k_tab = jax.random.split(key)
    x = jax.random.randint(k_idx, (4096, 200), 0, VOCAB, dtype=jnp.int64 if jax.config.jax_enable_x64 else jnp.int32).astype(jnp.int32)
    table = jax.random.normal(k_tab, (VOCAB, EMBED_DIM), dtype=jnp.float32)
    # nn.Embedding zero-initializes the padding row
    table = table.at[PADDING_IDX].set(0.0)
    return {"x": x, "table": table}

def reference(x, table):
    # nn.Embedding with padding_idx: padding row is held at zero and
    # receives no gradient; emulate by zeroing the row before lookup.
    t = table.at[PADDING_IDX].set(0.0)
    return jnp.take(t, x, axis=0)

if __name__ == "__main__":
    import jax
    _d = setup_inputs()
    print(jax.jit(kernel)(*tuple(_d.values())))

</pallas_src>

<mosaic_0001>
#map = affine_map<(d0, d1) -> (0, 0)>
#map1 = affine_map<(d0, d1) -> (0)>
module attributes {stable_mosaic.version = 14 : i64} {
  func.func @lookup(%arg0: i32, %arg1: i32, %arg2: memref<1000000x64xf32, #tpu.memory_space<hbm>>, %arg3: memref<819200xi32, #tpu.memory_space<hbm>>, %arg4: memref<819200x64xf32, #tpu.memory_space<hbm>>, %arg5: memref<25600xi32, #tpu.memory_space<vmem>>, %arg6: memref<512x64xf32, #tpu.memory_space<vmem>>, %arg7: memref<512x64xf32, #tpu.memory_space<vmem>>, %arg8: memref<!tpu.dma_semaphore, #tpu.memory_space<semaphore_mem>>, %arg9: memref<!tpu.dma_semaphore, #tpu.memory_space<semaphore_mem>>, %arg10: memref<!tpu.dma_semaphore, #tpu.memory_space<semaphore_mem>>, %arg11: memref<!tpu.dma_semaphore, #tpu.memory_space<semaphore_mem>>) attributes {dimension_semantics = [#tpu.dimension_semantics<core_parallel>, #tpu.dimension_semantics<subcore_parallel>], iteration_bounds = array<i64: 2, 16>, scalar_prefetch = 0 : i64, scratch_operands = 7 : i64, tpu.core_type = #tpu.core_type<sc_vector_subcore>, window_params = [{transform_indices = #map}, {transform_indices = #map1}, {transform_indices = #map}]} {
    %mul3A = arith.constant 2 : i32
    %mul3A_0 = arith.muli %arg1, %mul3A : i32
    %add3A = arith.addi %mul3A_0, %arg0 : i32
    %mul3A_1 = arith.constant 25600 : i32
    %mul3A_2 = arith.muli %add3A, %mul3A_1 : i32
    %multiple_of3A = tpu.assume_multiple %mul3A_2, 512 : i32
    "tpu.region"() ({
      %run_scoped3A = tpu.sem_alloc : memref<!tpu.dma_semaphore, #tpu.memory_space<semaphore_mem>>
      %dma_start3A_751 = tpu.memref_slice %arg3[%multiple_of3A] : memref<819200xi32, #tpu.memory_space<hbm>> -> memref<25600xi32, #tpu.memory_space<hbm>>
      %dma_start3A_752 = tpu.memref_slice %arg3[%multiple_of3A] : memref<819200xi32, #tpu.memory_space<hbm>> -> memref<25600xi32, #tpu.memory_space<hbm>>
      tpu.enqueue_dma source(%dma_start3A_752 : memref<25600xi32, #tpu.memory_space<hbm>>) target(%arg5 : memref<25600xi32, #tpu.memory_space<vmem>>) target_semaphore(%run_scoped3A : memref<!tpu.dma_semaphore, #tpu.memory_space<semaphore_mem>>)
      %dma_wait3A_753 = tpu.memref_slice %arg3[%multiple_of3A] : memref<819200xi32, #tpu.memory_space<hbm>> -> memref<25600xi32, #tpu.memory_space<hbm>>
      %dma_wait3A_754 = tpu.memref_slice %arg3[%multiple_of3A] : memref<819200xi32, #tpu.memory_space<hbm>> -> memref<25600xi32, #tpu.memory_space<hbm>>
      tpu.wait_dma2 semaphore(%run_scoped3A : memref<!tpu.dma_semaphore, #tpu.memory_space<semaphore_mem>>) src(%dma_wait3A_754 : memref<25600xi32, #tpu.memory_space<hbm>>) dst(%arg5 : memref<25600xi32, #tpu.memory_space<vmem>>)
      tpu.yield
    }) : () -> ()
    %multiple_of3A_3 = arith.constant 0 : i32
    %multiple_of3A_4 = tpu.assume_multiple %multiple_of3A_3, 512 : i32
    %add3A_5 = arith.constant 0 : i32
    %add3A_6 = arith.addi %multiple_of3A_4, %add3A_5 : i32
    %get3A = arith.index_cast %add3A_6 : i32 to index
    %get3A_7 = tpu.vector_load %arg5[%get3A] {strides = array<i32>} : memref<25600xi32, #tpu.memory_space<vmem>>, vector<16xi32>,
    %get3A_8 = vector.shape_cast %get3A_7 : vector<16xi32> to vector<16xi32>
    %dma_start3A = arith.constant 0 : i32
    %dma_start3A_9 = arith.constant 0 : i32
    %dma_start3A_10 = tpu.memref_slice %arg6[%dma_start3A, %dma_start3A_9] : memref<512x64xf32, #tpu.memory_space<vmem>> -> memref<16x64xf32, #tpu.memory_space<vmem>>
    %dma_start3A_11 = arith.constant 0 : i32
    %dma_start3A_12 = arith.constant 0 : i32
    %dma_start3A_13 = tpu.memref_slice %arg2[%dma_start3A_11, %dma_start3A_12] : memref<1000000x64xf32, #tpu.memory_space<hbm>> -> memref<1000000x64xf32, #tpu.memory_space<hbm>>
    tpu.enqueue_indirect_dma source(%dma_start3A_13 : memref<1000000x64xf32, #tpu.memory_space<hbm>>) target(%dma_start3A_10 : memref<16x64xf32, #tpu.memory_space<vmem>>) offsets(%get3A_8 : vector<16xi32>) semaphore(%arg8 : memref<!tpu.dma_semaphore, #tpu.memory_space<semaphore_mem>>)
    %add3A_14 = arith.constant 16 : i32
    %add3A_15 = arith.addi %multiple_of3A_4, %add3A_14 : i32
    %get3A_16 = arith.index_cast %add3A_15 : i32 to index
    %get3A_17 = tpu.vector_load %arg5[%get3A_16] {strides = array<i32>} : memref<25600xi32, #tpu.memory_space<vmem>>, vector<16xi32>,
    %get3A_18 = vector.shape_cast %get3A_17 : vector<16xi32> to vector<16xi32>
    %dma_start3A_19 = arith.constant 16 : i32
    %dma_start3A_20 = arith.constant 0 : i32
    %dma_start3A_21 = tpu.memref_slice %arg6[%dma_start3A_19, %dma_start3A_20] : memref<512x64xf32, #tpu.memory_space<vmem>> -> memref<16x64xf32, #tpu.memory_space<vmem>>
    %dma_start3A_22 = arith.constant 0 : i32
    %dma_start3A_23 = arith.constant 0 : i32
    %dma_start3A_24 = tpu.memref_slice %arg2[%dma_start3A_22, %dma_start3A_23] : memref<1000000x64xf32, #tpu.memory_space<hbm>> -> memref<1000000x64xf32, #tpu.memory_space<hbm>>
    tpu.enqueue_indirect_dma source(%dma_start3A_24 : memref<1000000x64xf32, #tpu.memory_space<hbm>>) target(%dma_start3A_21 : memref<16x64xf32, #tpu.memory_space<vmem>>) offsets(%get3A_18 : vector<16xi32>) semaphore(%arg8 : memref<!tpu.dma_semaphore, #tpu.memory_space<semaphore_mem>>)
    %add3A_25 = arith.constant 32 : i32
    %add3A_26 = arith.addi %multiple_of3A_4, %add3A_25 : i32
    %get3A_27 = arith.index_cast %add3A_26 : i32 to index
    %get3A_28 = tpu.vector_load %arg5[%get3A_27] {strides = array<i32>} : memref<25600xi32, #tpu.memory_space<vmem>>, vector<16xi32>,
    %get3A_29 = vector.shape_cast %get3A_28 : vector<16xi32> to vector<16xi32>
    %dma_start3A_30 = arith.constant 32 : i32
    %dma_start3A_31 = arith.constant 0 : i32
    %dma_start3A_32 = tpu.memref_slice %arg6[%dma_start3A_30, %dma_start3A_31] : memref<512x64xf32, #tpu.memory_space<vmem>> -> memref<16x64xf32, #tpu.memory_space<vmem>>
    %dma_start3A_33 = arith.constant 0 : i32
    %dma_start3A_34 = arith.constant 0 : i32
    %dma_start3A_35 = tpu.memref_slice %arg2[%dma_start3A_33, %dma_start3A_34] : memref<1000000x64xf32, #tpu.memory_space<hbm>> -> memref<1000000x64xf32, #tpu.memory_space<hbm>>
    tpu.enqueue_indirect_dma source(%dma_start3A_35 : memref<1000000x64xf32, #tpu.memory_space<hbm>>) target(%dma_start3A_32 : memref<16x64xf32, #tpu.memory_space<vmem>>) offsets(%get3A_29 : vector<16xi32>) semaphore(%arg8 : memref<!tpu.dma_semaphore, #tpu.memory_space<semaphore_mem>>)
    %add3A_36 = arith.constant 48 : i32
    %add3A_37 = arith.addi %multiple_of3A_4, %add3A_36 : i32
    %get3A_38 = arith.index_cast %add3A_37 : i32 to index
    %get3A_39 = tpu.vector_load %arg5[%get3A_38] {strides = array<i32>} : memref<25600xi32, #tpu.memory_space<vmem>>, vector<16xi32>,
    %get3A_40 = vector.shape_cast %get3A_39 : vector<16xi32> to vector<16xi32>
    %dma_start3A_41 = arith.constant 48 : i32
    %dma_start3A_42 = arith.constant 0 : i32
    %dma_start3A_43 = tpu.memref_slice %arg6[%dma_start3A_41, %dma_start3A_42] : memref<512x64xf32, #tpu.memory_space<vmem>> -> memref<16x64xf32, #tpu.memory_space<vmem>>
    %dma_start3A_44 = arith.constant 0 : i32
    %dma_start3A_45 = arith.constant 0 : i32
    %dma_start3A_46 = tpu.memref_slice %arg2[%dma_start3A_44, %dma_start3A_45] : memref<1000000x64xf32, #tpu.memory_space<hbm>> -> memref<1000000x64xf32, #tpu.memory_space<hbm>>
    tpu.enqueue_indirect_dma source(%dma_start3A_46 : memref<1000000x64xf32, #tpu.memory_space<hbm>>) target(%dma_start3A_43 : memref<16x64xf32, #tpu.memory_space<vmem>>) offsets(%get3A_40 : vector<16xi32>) semaphore(%arg8 : memref<!tpu.dma_semaphore, #tpu.memory_space<semaphore_mem>>)
    %add3A_47 = arith.constant 64 : i32
    %add3A_48 = arith.addi %multiple_of3A_4, %add3A_47 : i32
    %get3A_49 = arith.index_cast %add3A_48 : i32 to index
    %get3A_50 = tpu.vector_load %arg5[%get3A_49] {strides = array<i32>} : memref<25600xi32, #tpu.memory_space<vmem>>, vector<16xi32>,
    %get3A_51 = vector.shape_cast %get3A_50 : vector<16xi32> to vector<16xi32>
    %dma_start3A_52 = arith.constant 64 : i32
    %dma_start3A_53 = arith.constant 0 : i32
    %dma_start3A_54 = tpu.memref_slice %arg6[%dma_start3A_52, %dma_start3A_53] : memref<512x64xf32, #tpu.memory_space<vmem>> -> memref<16x64xf32, #tpu.memory_space<vmem>>
    %dma_start3A_55 = arith.constant 0 : i32
    %dma_start3A_56 = arith.constant 0 : i32
    %dma_start3A_57 = tpu.memref_slice %arg2[%dma_start3A_55, %dma_start3A_56] : memref<1000000x64xf32, #tpu.memory_space<hbm>> -> memref<1000000x64xf32, #tpu.memory_space<hbm>>
    tpu.enqueue_indirect_dma source(%dma_start3A_57 : memref<1000000x64xf32, #tpu.memory_space<hbm>>) target(%dma_start3A_54 : memref<16x64xf32, #tpu.memory_space<vmem>>) offsets(%get3A_51 : vector<16xi32>) semaphore(%arg8 : memref<!tpu.dma_semaphore, #tpu.memory_space<semaphore_mem>>)
    %add3A_58 = arith.constant 80 : i32
    %add3A_59 = arith.addi %multiple_of3A_4, %add3A_58 : i32
    %get3A_60 = arith.index_cast %add3A_59 : i32 to index
    %get3A_61 = tpu.vector_load %arg5[%get3A_60] {strides = array<i32>} : memref<25600xi32, #tpu.memory_space<vmem>>, vector<16xi32>,
    %get3A_62 = vector.shape_cast %get3A_61 : vector<16xi32> to vector<16xi32>
    %dma_start3A_63 = arith.constant 80 : i32
    %dma_start3A_64 = arith.constant 0 : i32
    %dma_start3A_65 = tpu.memref_slice %arg6[%dma_start3A_63, %dma_start3A_64] : memref<512x64xf32, #tpu.memory_space<vmem>> -> memref<16x64xf32, #tpu.memory_space<vmem>>
    %dma_start3A_66 = arith.constant 0 : i32
    %dma_start3A_67 = arith.constant 0 : i32
    %dma_start3A_68 = tpu.memref_slice %arg2[%dma_start3A_66, %dma_start3A_67] : memref<1000000x64xf32, #tpu.memory_space<hbm>> -> memref<1000000x64xf32, #tpu.memory_space<hbm>>
    tpu.enqueue_indirect_dma source(%dma_start3A_68 : memref<1000000x64xf32, #tpu.memory_space<hbm>>) target(%dma_start3A_65 : memref<16x64xf32, #tpu.memory_space<vmem>>) offsets(%get3A_62 : vector<16xi32>) semaphore(%arg8 : memref<!tpu.dma_semaphore, #tpu.memory_space<semaphore_mem>>)
    %add3A_69 = arith.constant 96 : i32
    %add3A_70 = arith.addi %multiple_of3A_4, %add3A_69 : i32
    %get3A_71 = arith.index_cast %add3A_70 : i32 to index
    %get3A_72 = tpu.vector_load %arg5[%get3A_71] {strides = array<i32>} : memref<25600xi32, #tpu.memory_space<vmem>>, vector<16xi32>,
    %get3A_73 = vector.shape_cast %get3A_72 : vector<16xi32> to vector<16xi32>
    %dma_start3A_74 = arith.constant 96 : i32
    %dma_start3A_75 = arith.constant 0 : i32
    %dma_start3A_76 = tpu.memref_slice %arg6[%dma_start3A_74, %dma_start3A_75] : memref<512x64xf32, #tpu.memory_space<vmem>> -> memref<16x64xf32, #tpu.memory_space<vmem>>
    %dma_start3A_77 = arith.constant 0 : i32
    %dma_start3A_78 = arith.constant 0 : i32
    %dma_start3A_79 = tpu.memref_slice %arg2[%dma_start3A_77, %dma_start3A_78] : memref<1000000x64xf32, #tpu.memory_space<hbm>> -> memref<1000000x64xf32, #tpu.memory_space<hbm>>
    tpu.enqueue_indirect_dma source(%dma_start3A_79 : memref<1000000x64xf32, #tpu.memory_space<hbm>>) target(%dma_start3A_76 : memref<16x64xf32, #tpu.memory_space<vmem>>) offsets(%get3A_73 : vector<16xi32>) semaphore(%arg8 : memref<!tpu.dma_semaphore, #tpu.memory_space<semaphore_mem>>)
    %add3A_80 = arith.constant 112 : i32
    %add3A_81 = arith.addi %multiple_of3A_4, %add3A_80 : i32
    %get3A_82 = arith.index_cast %add3A_81 : i32 to index
    %get3A_83 = tpu.vector_load %arg5[%get3A_82] {strides = array<i32>} : memref<25600xi32, #tpu.memory_space<vmem>>, vector<16xi32>,
    %get3A_84 = vector.shape_cast %get3A_83 : vector<16xi32> to vector<16xi32>
    %dma_start3A_85 = arith.constant 112 : i32
    %dma_start3A_86 = arith.constant 0 : i32
    %dma_start3A_87 = tpu.memref_slice %arg6[%dma_start3A_85, %dma_start3A_86] : memref<512x64xf32, #tpu.memory_space<vmem>> -> memref<16x64xf32, #tpu.memory_space<vmem>>
    %dma_start3A_88 = arith.constant 0 : i32
    %dma_start3A_89 = arith.constant 0 : i32
    %dma_start3A_90 = tpu.memref_slice %arg2[%dma_start3A_88, %dma_start3A_89] : memref<1000000x64xf32, #tpu.memory_space<hbm>> -> memref<1000000x64xf32, #tpu.memory_space<hbm>>
    tpu.enqueue_indirect_dma source(%dma_start3A_90 : memref<1000000x64xf32, #tpu.memory_space<hbm>>) target(%dma_start3A_87 : memref<16x64xf32, #tpu.memory_space<vmem>>) offsets(%get3A_84 : vector<16xi32>) semaphore(%arg8 : memref<!tpu.dma_semaphore, #tpu.memory_space<semaphore_mem>>)
    %add3A_91 = arith.constant 128 : i32
    %add3A_92 = arith.addi %multiple_of3A_4, %add3A_91 : i32
    %get3A_93 = arith.index_cast %add3A_92 : i32 to index
    %get3A_94 = tpu.vector_load %arg5[%get3A_93] {strides = array<i32>} : memref<25600xi32, #tpu.memory_space<vmem>>, vector<16xi32>,
    %get3A_95 = vector.shape_cast %get3A_94 : vector<16xi32> to vector<16xi32>
    %dma_start3A_96 = arith.constant 128 : i32
    %dma_start3A_97 = arith.constant 0 : i32
    %dma_start3A_98 = tpu.memref_slice %arg6[%dma_start3A_96, %dma_start3A_97] : memref<512x64xf32, #tpu.memory_space<vmem>> -> memref<16x64xf32, #tpu.memory_space<vmem>>
    %dma_start3A_99 = arith.constant 0 : i32
    %dma_start3A_100 = arith.constant 0 : i32
    %dma_start3A_101 = tpu.memref_slice %arg2[%dma_start3A_99, %dma_start3A_100] : memref<1000000x64xf32, #tpu.memory_space<hbm>> -> memref<1000000x64xf32, #tpu.memory_space<hbm>>
    tpu.enqueue_indirect_dma source(%dma_start3A_101 : memref<1000000x64xf32, #tpu.memory_space<hbm>>) target(%dma_start3A_98 : memref<16x64xf32, #tpu.memory_space<vmem>>) offsets(%get3A_95 : vector<16xi32>) semaphore(%arg8 : memref<!tpu.dma_semaphore, #tpu.memory_space<semaphore_mem>>)
    %add3A_102 = arith.constant 144 : i32
    %add3A_103 = arith.addi %multiple_of3A_4, %add3A_102 : i32
    %get3A_104 = arith.index_cast %add3A_103 : i32 to index
    %get3A_105 = tpu.vector_load %arg5[%get3A_104] {strides = array<i32>} : memref<25600xi32, #tpu.memory_space<vmem>>, vector<16xi32>,
    %get3A_106 = vector.shape_cast %get3A_105 : vector<16xi32> to vector<16xi32>
    %dma_start3A_107 = arith.constant 144 : i32
    %dma_start3A_108 = arith.constant 0 : i32
    %dma_start3A_109 = tpu.memref_slice %arg6[%dma_start3A_107, %dma_start3A_108] : memref<512x64xf32, #tpu.memory_space<vmem>> -> memref<16x64xf32, #tpu.memory_space<vmem>>
    %dma_start3A_110 = arith.constant 0 : i32
    %dma_start3A_111 = arith.constant 0 : i32
    %dma_start3A_112 = tpu.memref_slice %arg2[%dma_start3A_110, %dma_start3A_111] : memref<1000000x64xf32, #tpu.memory_space<hbm>> -> memref<1000000x64xf32, #tpu.memory_space<hbm>>
    tpu.enqueue_indirect_dma source(%dma_start3A_112 : memref<1000000x64xf32, #tpu.memory_space<hbm>>) target(%dma_start3A_109 : memref<16x64xf32, #tpu.memory_space<vmem>>) offsets(%get3A_106 : vector<16xi32>) semaphore(%arg8 : memref<!tpu.dma_semaphore, #tpu.memory_space<semaphore_mem>>)
    %add3A_113 = arith.constant 160 : i32
    %add3A_114 = arith.addi %multiple_of3A_4, %add3A_113 : i32
    %get3A_115 = arith.index_cast %add3A_114 : i32 to index
    %get3A_116 = tpu.vector_load %arg5[%get3A_115] {strides = array<i32>} : memref<25600xi32, #tpu.memory_space<vmem>>, vector<16xi32>,
    %get3A_117 = vector.shape_cast %get3A_116 : vector<16xi32> to vector<16xi32>
    %dma_start3A_118 = arith.constant 160 : i32
    %dma_start3A_119 = arith.constant 0 : i32
    %dma_start3A_120 = tpu.memref_slice %arg6[%dma_start3A_118, %dma_start3A_119] : memref<512x64xf32, #tpu.memory_space<vmem>> -> memref<16x64xf32, #tpu.memory_space<vmem>>
    %dma_start3A_121 = arith.constant 0 : i32
    %dma_start3A_122 = arith.constant 0 : i32
    %dma_start3A_123 = tpu.memref_slice %arg2[%dma_start3A_121, %dma_start3A_122] : memref<1000000x64xf32, #tpu.memory_space<hbm>> -> memref<1000000x64xf32, #tpu.memory_space<hbm>>
    tpu.enqueue_indirect_dma source(%dma_start3A_123 : memref<1000000x64xf32, #tpu.memory_space<hbm>>) target(%dma_start3A_120 : memref<16x64xf32, #tpu.memory_space<vmem>>) offsets(%get3A_117 : vector<16xi32>) semaphore(%arg8 : memref<!tpu.dma_semaphore, #tpu.memory_space<semaphore_mem>>)
    %add3A_124 = arith.constant 176 : i32
    %add3A_125 = arith.addi %multiple_of3A_4, %add3A_124 : i32
    %get3A_126 = arith.index_cast %add3A_125 : i32 to index
    %get3A_127 = tpu.vector_load %arg5[%get3A_126] {strides = array<i32>} : memref<25600xi32, #tpu.memory_space<vmem>>, vector<16xi32>,
    %get3A_128 = vector.shape_cast %get3A_127 : vector<16xi32> to vector<16xi32>
    %dma_start3A_129 = arith.constant 176 : i32
    %dma_start3A_130 = arith.constant 0 : i32
    %dma_start3A_131 = tpu.memref_slice %arg6[%dma_start3A_129, %dma_start3A_130] : memref<512x64xf32, #tpu.memory_space<vmem>> -> memref<16x64xf32, #tpu.memory_space<vmem>>
    %dma_start3A_132 = arith.constant 0 : i32
    %dma_start3A_133 = arith.constant 0 : i32
    %dma_start3A_134 = tpu.memref_slice %arg2[%dma_start3A_132, %dma_start3A_133] : memref<1000000x64xf32, #tpu.memory_space<hbm>> -> memref<1000000x64xf32, #tpu.memory_space<hbm>>
    tpu.enqueue_indirect_dma source(%dma_start3A_134 : memref<1000000x64xf32, #tpu.memory_space<hbm>>) target(%dma_start3A_131 : memref<16x64xf32, #tpu.memory_space<vmem>>) offsets(%get3A_128 : vector<16xi32>) semaphore(%arg8 : memref<!tpu.dma_semaphore, #tpu.memory_space<semaphore_mem>>)
    %add3A_135 = arith.constant 192 : i32
    %add3A_136 = arith.addi %multiple_of3A_4, %add3A_135 : i32
    %get3A_137 = arith.index_cast %add3A_136 : i32 to index
    %get3A_138 = tpu.vector_load %arg5[%get3A_137] {strides = array<i32>} : memref<25600xi32, #tpu.memory_space<vmem>>, vector<16xi32>,
    %get3A_139 = vector.shape_cast %get3A_138 : vector<16xi32> to vector<16xi32>
    %dma_start3A_140 = arith.constant 192 : i32
    %dma_start3A_141 = arith.constant 0 : i32
    %dma_start3A_142 = tpu.memref_slice %arg6[%dma_start3A_140, %dma_start3A_141] : memref<512x64xf32, #tpu.memory_space<vmem>> -> memref<16x64xf32, #tpu.memory_space<vmem>>
    %dma_start3A_143 = arith.constant 0 : i32
    %dma_start3A_144 = arith.constant 0 : i32
    %dma_start3A_145 = tpu.memref_slice %arg2[%dma_start3A_143, %dma_start3A_144] : memref<1000000x64xf32, #tpu.memory_space<hbm>> -> memref<1000000x64xf32, #tpu.memory_space<hbm>>
    tpu.enqueue_indirect_dma source(%dma_start3A_145 : memref<1000000x64xf32, #tpu.memory_space<hbm>>) target(%dma_start3A_142 : memref<16x64xf32, #tpu.memory_space<vmem>>) offsets(%get3A_139 : vector<16xi32>) semaphore(%arg8 : memref<!tpu.dma_semaphore, #tpu.memory_space<semaphore_mem>>)
    %add3A_146 = arith.constant 208 : i32
    %add3A_147 = arith.addi %multiple_of3A_4, %add3A_146 : i32
    %get3A_148 = arith.index_cast %add3A_147 : i32 to index
    %get3A_149 = tpu.vector_load %arg5[%get3A_148] {strides = array<i32>} : memref<25600xi32, #tpu.memory_space<vmem>>, vector<16xi32>,
    %get3A_150 = vector.shape_cast %get3A_149 : vector<16xi32> to vector<16xi32>
    %dma_start3A_151 = arith.constant 208 : i32
    %dma_start3A_152 = arith.constant 0 : i32
    %dma_start3A_153 = tpu.memref_slice %arg6[%dma_start3A_151, %dma_start3A_152] : memref<512x64xf32, #tpu.memory_space<vmem>> -> memref<16x64xf32, #tpu.memory_space<vmem>>
    %dma_start3A_154 = arith.constant 0 : i32
    %dma_start3A_155 = arith.constant 0 : i32
    %dma_start3A_156 = tpu.memref_slice %arg2[%dma_start3A_154, %dma_start3A_155] : memref<1000000x64xf32, #tpu.memory_space<hbm>> -> memref<1000000x64xf32, #tpu.memory_space<hbm>>
    tpu.enqueue_indirect_dma source(%dma_start3A_156 : memref<1000000x64xf32, #tpu.memory_space<hbm>>) target(%dma_start3A_153 : memref<16x64xf32, #tpu.memory_space<vmem>>) offsets(%get3A_150 : vector<16xi32>) semaphore(%arg8 : memref<!tpu.dma_semaphore, #tpu.memory_space<semaphore_mem>>)
    %add3A_157 = arith.constant 224 : i32
    %add3A_158 = arith.addi %multiple_of3A_4, %add3A_157 : i32
    %get3A_159 = arith.index_cast %add3A_158 : i32 to index
    %get3A_160 = tpu.vector_load %arg5[%get3A_159] {strides = array<i32>} : memref<25600xi32, #tpu.memory_space<vmem>>, vector<16xi32>,
    %get3A_161 = vector.shape_cast %get3A_160 : vector<16xi32> to vector<16xi32>
    %dma_start3A_162 = arith.constant 224 : i32
    %dma_start3A_163 = arith.constant 0 : i32
    %dma_start3A_164 = tpu.memref_slice %arg6[%dma_start3A_162, %dma_start3A_163] : memref<512x64xf32, #tpu.memory_space<vmem>> -> memref<16x64xf32, #tpu.memory_space<vmem>>
    %dma_start3A_165 = arith.constant 0 : i32
    %dma_start3A_166 = arith.constant 0 : i32
    %dma_start3A_167 = tpu.memref_slice %arg2[%dma_start3A_165, %dma_start3A_166] : memref<1000000x64xf32, #tpu.memory_space<hbm>> -> memref<1000000x64xf32, #tpu.memory_space<hbm>>
    tpu.enqueue_indirect_dma source(%dma_start3A_167 : memref<1000000x64xf32, #tpu.memory_space<hbm>>) target(%dma_start3A_164 : memref<16x64xf32, #tpu.memory_space<vmem>>) offsets(%get3A_161 : vector<16xi32>) semaphore(%arg8 : memref<!tpu.dma_semaphore, #tpu.memory_space<semaphore_mem>>)
    %add3A_168 = arith.constant 240 : i32
    %add3A_169 = arith.addi %multiple_of3A_4, %add3A_168 : i32
    %get3A_170 = arith.index_cast %add3A_169 : i32 to index
    %get3A_171 = tpu.vector_load %arg5[%get3A_170] {strides = array<i32>} : memref<25600xi32, #tpu.memory_space<vmem>>, vector<16xi32>,
    %get3A_172 = vector.shape_cast %get3A_171 : vector<16xi32> to vector<16xi32>
    %dma_start3A_173 = arith.constant 240 : i32
    %dma_start3A_174 = arith.constant 0 : i32
    %dma_start3A_175 = tpu.memref_slice %arg6[%dma_start3A_173, %dma_start3A_174] : memref<512x64xf32, #tpu.memory_space<vmem>> -> memref<16x64xf32, #tpu.memory_space<vmem>>
    %dma_start3A_176 = arith.constant 0 : i32
    %dma_start3A_177 = arith.constant 0 : i32
    %dma_start3A_178 = tpu.memref_slice %arg2[%dma_start3A_176, %dma_start3A_177] : memref<1000000x64xf32, #tpu.memory_space<hbm>> -> memref<1000000x64xf32, #tpu.memory_space<hbm>>
    tpu.enqueue_indirect_dma source(%dma_start3A_178 : memref<1000000x64xf32, #tpu.memory_space<hbm>>) target(%dma_start3A_175 : memref<16x64xf32, #tpu.memory_space<vmem>>) offsets(%get3A_172 : vector<16xi32>) semaphore(%arg8 : memref<!tpu.dma_semaphore, #tpu.memory_space<semaphore_mem>>)
    %add3A_179 = arith.constant 256 : i32
    %add3A_180 = arith.addi %multiple_of3A_4, %add3A_179 : i32
    %get3A_181 = arith.index_cast %add3A_180 : i32 to index
    %get3A_182 = tpu.vector_load %arg5[%get3A_181] {strides = array<i32>} : memref<25600xi32, #tpu.memory_space<vmem>>, vector<16xi32>,
    %get3A_183 = vector.shape_cast %get3A_182 : vector<16xi32> to vector<16xi32>
    %dma_start3A_184 = arith.constant 256 : i32
    %dma_start3A_185 = arith.constant 0 : i32
    %dma_start3A_186 = tpu.memref_slice %arg6[%dma_start3A_184, %dma_start3A_185] : memref<512x64xf32, #tpu.memory_space<vmem>> -> memref<16x64xf32, #tpu.memory_space<vmem>>
    %dma_start3A_187 = arith.constant 0 : i32
    %dma_start3A_188 = arith.constant 0 : i32
    %dma_start3A_189 = tpu.memref_slice %arg2[%dma_start3A_187, %dma_start3A_188] : memref<1000000x64xf32, #tpu.memory_space<hbm>> -> memref<1000000x64xf32, #tpu.memory_space<hbm>>
    tpu.enqueue_indirect_dma source(%dma_start3A_189 : memref<1000000x64xf32, #tpu.memory_space<hbm>>) target(%dma_start3A_186 : memref<16x64xf32, #tpu.memory_space<vmem>>) offsets(%get3A_183 : vector<16xi32>) semaphore(%arg8 : memref<!tpu.dma_semaphore, #tpu.memory_space<semaphore_mem>>)
    %add3A_190 = arith.constant 272 : i32
    %add3A_191 = arith.addi %multiple_of3A_4, %add3A_190 : i32
    %get3A_192 = arith.index_cast %add3A_191 : i32 to index
    %get3A_193 = tpu.vector_load %arg5[%get3A_192] {strides = array<i32>} : memref<25600xi32, #tpu.memory_space<vmem>>, vector<16xi32>,
    %get3A_194 = vector.shape_cast %get3A_193 : vector<16xi32> to vector<16xi32>
    %dma_start3A_195 = arith.constant 272 : i32
    %dma_start3A_196 = arith.constant 0 : i32
    %dma_start3A_197 = tpu.memref_slice %arg6[%dma_start3A_195, %dma_start3A_196] : memref<512x64xf32, #tpu.memory_space<vmem>> -> memref<16x64xf32, #tpu.memory_space<vmem>>
    %dma_start3A_198 = arith.constant 0 : i32
    %dma_start3A_199 = arith.constant 0 : i32
    %dma_start3A_200 = tpu.memref_slice %arg2[%dma_start3A_198, %dma_start3A_199] : memref<1000000x64xf32, #tpu.memory_space<hbm>> -> memref<1000000x64xf32, #tpu.memory_space<hbm>>
    tpu.enqueue_indirect_dma source(%dma_start3A_200 : memref<1000000x64xf32, #tpu.memory_space<hbm>>) target(%dma_start3A_197 : memref<16x64xf32, #tpu.memory_space<vmem>>) offsets(%get3A_194 : vector<16xi32>) semaphore(%arg8 : memref<!tpu.dma_semaphore, #tpu.memory_space<semaphore_mem>>)
    %add3A_201 = arith.constant 288 : i32
    %add3A_202 = arith.addi %multiple_of3A_4, %add3A_201 : i32
    %get3A_203 = arith.index_cast %add3A_202 : i32 to index
    %get3A_204 = tpu.vector_load %arg5[%get3A_203] {strides = array<i32>} : memref<25600xi32, #tpu.memory_space<vmem>>, vector<16xi32>,
    %get3A_205 = vector.shape_cast %get3A_204 : vector<16xi32> to vector<16xi32>
    %dma_start3A_206 = arith.constant 288 : i32
    %dma_start3A_207 = arith.constant 0 : i32
    %dma_start3A_208 = tpu.memref_slice %arg6[%dma_start3A_206, %dma_start3A_207] : memref<512x64xf32, #tpu.memory_space<vmem>> -> memref<16x64xf32, #tpu.memory_space<vmem>>
    %dma_start3A_209 = arith.constant 0 : i32
    %dma_start3A_210 = arith.constant 0 : i32
    %dma_start3A_211 = tpu.memref_slice %arg2[%dma_start3A_209, %dma_start3A_210] : memref<1000000x64xf32, #tpu.memory_space<hbm>> -> memref<1000000x64xf32, #tpu.memory_space<hbm>>
    tpu.enqueue_indirect_dma source(%dma_start3A_211 : memref<1000000x64xf32, #tpu.memory_space<hbm>>) target(%dma_start3A_208 : memref<16x64xf32, #tpu.memory_space<vmem>>) offsets(%get3A_205 : vector<16xi32>) semaphore(%arg8 : memref<!tpu.dma_semaphore, #tpu.memory_space<semaphore_mem>>)
    %add3A_212 = arith.constant 304 : i32
    %add3A_213 = arith.addi %multiple_of3A_4, %add3A_212 : i32
    %get3A_214 = arith.index_cast %add3A_213 : i32 to index
    %get3A_215 = tpu.vector_load %arg5[%get3A_214] {strides = array<i32>} : memref<25600xi32, #tpu.memory_space<vmem>>, vector<16xi32>,
    %get3A_216 = vector.shape_cast %get3A_215 : vector<16xi32> to vector<16xi32>
    %dma_start3A_217 = arith.constant 304 : i32
    %dma_start3A_218 = arith.constant 0 : i32
    %dma_start3A_219 = tpu.memref_slice %arg6[%dma_start3A_217, %dma_start3A_218] : memref<512x64xf32, #tpu.memory_space<vmem>> -> memref<16x64xf32, #tpu.memory_space<vmem>>
    %dma_start3A_220 = arith.constant 0 : i32
    %dma_start3A_221 = arith.constant 0 : i32
    %dma_start3A_222 = tpu.memref_slice %arg2[%dma_start3A_220, %dma_start3A_221] : memref<1000000x64xf32, #tpu.memory_space<hbm>> -> memref<1000000x64xf32, #tpu.memory_space<hbm>>
    tpu.enqueue_indirect_dma source(%dma_start3A_222 : memref<1000000x64xf32, #tpu.memory_space<hbm>>) target(%dma_start3A_219 : memref<16x64xf32, #tpu.memory_space<vmem>>) offsets(%get3A_216 : vector<16xi32>) semaphore(%arg8 : memref<!tpu.dma_semaphore, #tpu.memory_space<semaphore_mem>>)
    %add3A_223 = arith.constant 320 : i32
    %add3A_224 = arith.addi %multiple_of3A_4, %add3A_223 : i32
    %get3A_225 = arith.index_cast %add3A_224 : i32 to index
    %get3A_226 = tpu.vector_load %arg5[%get3A_225] {strides = array<i32>} : memref<25600xi32, #tpu.memory_space<vmem>>, vector<16xi32>,
    %get3A_227 = vector.shape_cast %get3A_226 : vector<16xi32> to vector<16xi32>
    %dma_start3A_228 = arith.constant 320 : i32
    %dma_start3A_229 = arith.constant 0 : i32
    %dma_start3A_230 = tpu.memref_slice %arg6[%dma_start3A_228, %dma_start3A_229] : memref<512x64xf32, #tpu.memory_space<vmem>> -> memref<16x64xf32, #tpu.memory_space<vmem>>
    %dma_start3A_231 = arith.constant 0 : i32
    %dma_start3A_232 = arith.constant 0 : i32
    %dma_start3A_233 = tpu.memref_slice %arg2[%dma_start3A_231, %dma_start3A_232] : memref<1000000x64xf32, #tpu.memory_space<hbm>> -> memref<1000000x64xf32, #tpu.memory_space<hbm>>
    tpu.enqueue_indirect_dma source(%dma_start3A_233 : memref<1000000x64xf32, #tpu.memory_space<hbm>>) target(%dma_start3A_230 : memref<16x64xf32, #tpu.memory_space<vmem>>) offsets(%get3A_227 : vector<16xi32>) semaphore(%arg8 : memref<!tpu.dma_semaphore, #tpu.memory_space<semaphore_mem>>)
    %add3A_234 = arith.constant 336 : i32
    %add3A_235 = arith.addi %multiple_of3A_4, %add3A_234 : i32
    %get3A_236 = arith.index_cast %add3A_235 : i32 to index
    %get3A_237 = tpu.vector_load %arg5[%get3A_236] {strides = array<i32>} : memref<25600xi32, #tpu.memory_space<vmem>>, vector<16xi32>,
    %get3A_238 = vector.shape_cast %get3A_237 : vector<16xi32> to vector<16xi32>
    %dma_start3A_239 = arith.constant 336 : i32
    %dma_start3A_240 = arith.constant 0 : i32
    %dma_start3A_241 = tpu.memref_slice %arg6[%dma_start3A_239, %dma_start3A_240] : memref<512x64xf32, #tpu.memory_space<vmem>> -> memref<16x64xf32, #tpu.memory_space<vmem>>
    %dma_start3A_242 = arith.constant 0 : i32
    %dma_start3A_243 = arith.constant 0 : i32
    %dma_start3A_244 = tpu.memref_slice %arg2[%dma_start3A_242, %dma_start3A_243] : memref<1000000x64xf32, #tpu.memory_space<hbm>> -> memref<1000000x64xf32, #tpu.memory_space<hbm>>
    tpu.enqueue_indirect_dma source(%dma_start3A_244 : memref<1000000x64xf32, #tpu.memory_space<hbm>>) target(%dma_start3A_241 : memref<16x64xf32, #tpu.memory_space<vmem>>) offsets(%get3A_238 : vector<16xi32>) semaphore(%arg8 : memref<!tpu.dma_semaphore, #tpu.memory_space<semaphore_mem>>)
    %add3A_245 = arith.constant 352 : i32
    %add3A_246 = arith.addi %multiple_of3A_4, %add3A_245 : i32
    %get3A_247 = arith.index_cast %add3A_246 : i32 to index
    %get3A_248 = tpu.vector_load %arg5[%get3A_247] {strides = array<i32>} : memref<25600xi32, #tpu.memory_space<vmem>>, vector<16xi32>,
    %get3A_249 = vector.shape_cast %get3A_248 : vector<16xi32> to vector<16xi32>
    %dma_start3A_250 = arith.constant 352 : i32
    %dma_start3A_251 = arith.constant 0 : i32
    %dma_start3A_252 = tpu.memref_slice %arg6[%dma_start3A_250, %dma_start3A_251] : memref<512x64xf32, #tpu.memory_space<vmem>> -> memref<16x64xf32, #tpu.memory_space<vmem>>
    %dma_start3A_253 = arith.constant 0 : i32
    %dma_start3A_254 = arith.constant 0 : i32
    %dma_start3A_255 = tpu.memref_slice %arg2[%dma_start3A_253, %dma_start3A_254] : memref<1000000x64xf32, #tpu.memory_space<hbm>> -> memref<1000000x64xf32, #tpu.memory_space<hbm>>
    tpu.enqueue_indirect_dma source(%dma_start3A_255 : memref<1000000x64xf32, #tpu.memory_space<hbm>>) target(%dma_start3A_252 : memref<16x64xf32, #tpu.memory_space<vmem>>) offsets(%get3A_249 : vector<16xi32>) semaphore(%arg8 : memref<!tpu.dma_semaphore, #tpu.memory_space<semaphore_mem>>)
    %add3A_256 = arith.constant 368 : i32
    %add3A_257 = arith.addi %multiple_of3A_4, %add3A_256 : i32
    %get3A_258 = arith.index_cast %add3A_257 : i32 to index
    %get3A_259 = tpu.vector_load %arg5[%get3A_258] {strides = array<i32>} : memref<25600xi32, #tpu.memory_space<vmem>>, vector<16xi32>,
    %get3A_260 = vector.shape_cast %get3A_259 : vector<16xi32> to vector<16xi32>
    %dma_start3A_261 = arith.constant 368 : i32
    %dma_start3A_262 = arith.constant 0 : i32
    %dma_start3A_263 = tpu.memref_slice %arg6[%dma_start3A_261, %dma_start3A_262] : memref<512x64xf32, #tpu.memory_space<vmem>> -> memref<16x64xf32, #tpu.memory_space<vmem>>
    %dma_start3A_264 = arith.constant 0 : i32
    %dma_start3A_265 = arith.constant 0 : i32
    %dma_start3A_266 = tpu.memref_slice %arg2[%dma_start3A_264, %dma_start3A_265] : memref<1000000x64xf32, #tpu.memory_space<hbm>> -> memref<1000000x64xf32, #tpu.memory_space<hbm>>
    tpu.enqueue_indirect_dma source(%dma_start3A_266 : memref<1000000x64xf32, #tpu.memory_space<hbm>>) target(%dma_start3A_263 : memref<16x64xf32, #tpu.memory_space<vmem>>) offsets(%get3A_260 : vector<16xi32>) semaphore(%arg8 : memref<!tpu.dma_semaphore, #tpu.memory_space<semaphore_mem>>)
    %add3A_267 = arith.constant 384 : i32
    %add3A_268 = arith.addi %multiple_of3A_4, %add3A_267 : i32
    %get3A_269 = arith.index_cast %add3A_268 : i32 to index
    %get3A_270 = tpu.vector_load %arg5[%get3A_269] {strides = array<i32>} : memref<25600xi32, #tpu.memory_space<vmem>>, vector<16xi32>,
    %get3A_271 = vector.shape_cast %get3A_270 : vector<16xi32> to vector<16xi32>
    %dma_start3A_272 = arith.constant 384 : i32
    %dma_start3A_273 = arith.constant 0 : i32
    %dma_start3A_274 = tpu.memref_slice %arg6[%dma_start3A_272, %dma_start3A_273] : memref<512x64xf32, #tpu.memory_space<vmem>> -> memref<16x64xf32, #tpu.memory_space<vmem>>
    %dma_start3A_275 = arith.constant 0 : i32
    %dma_start3A_276 = arith.constant 0 : i32
    %dma_start3A_277 = tpu.memref_slice %arg2[%dma_start3A_275, %dma_start3A_276] : memref<1000000x64xf32, #tpu.memory_space<hbm>> -> memref<1000000x64xf32, #tpu.memory_space<hbm>>
    tpu.enqueue_indirect_dma source(%dma_start3A_277 : memref<1000000x64xf32, #tpu.memory_space<hbm>>) target(%dma_start3A_274 : memref<16x64xf32, #tpu.memory_space<vmem>>) offsets(%get3A_271 : vector<16xi32>) semaphore(%arg8 : memref<!tpu.dma_semaphore, #tpu.memory_space<semaphore_mem>>)
    %add3A_278 = arith.constant 400 : i32
    %add3A_279 = arith.addi %multiple_of3A_4, %add3A_278 : i32
    %get3A_280 = arith.index_cast %add3A_279 : i32 to index
    %get3A_281 = tpu.vector_load %arg5[%get3A_280] {strides = array<i32>} : memref<25600xi32, #tpu.memory_space<vmem>>, vector<16xi32>,
    %get3A_282 = vector.shape_cast %get3A_281 : vector<16xi32> to vector<16xi32>
    %dma_start3A_283 = arith.constant 400 : i32
    %dma_start3A_284 = arith.constant 0 : i32
    %dma_start3A_285 = tpu.memref_slice %arg6[%dma_start3A_283, %dma_start3A_284] : memref<512x64xf32, #tpu.memory_space<vmem>> -> memref<16x64xf32, #tpu.memory_space<vmem>>
    %dma_start3A_286 = arith.constant 0 : i32
    %dma_start3A_287 = arith.constant 0 : i32
    %dma_start3A_288 = tpu.memref_slice %arg2[%dma_start3A_286, %dma_start3A_287] : memref<1000000x64xf32, #tpu.memory_space<hbm>> -> memref<1000000x64xf32, #tpu.memory_space<hbm>>
    tpu.enqueue_indirect_dma source(%dma_start3A_288 : memref<1000000x64xf32, #tpu.memory_space<hbm>>) target(%dma_start3A_285 : memref<16x64xf32, #tpu.memory_space<vmem>>) offsets(%get3A_282 : vector<16xi32>) semaphore(%arg8 : memref<!tpu.dma_semaphore, #tpu.memory_space<semaphore_mem>>)
    %add3A_289 = arith.constant 416 : i32
    %add3A_290 = arith.addi %multiple_of3A_4, %add3A_289 : i32
    %get3A_291 = arith.index_cast %add3A_290 : i32 to index
    %get3A_292 = tpu.vector_load %arg5[%get3A_291] {strides = array<i32>} : memref<25600xi32, #tpu.memory_space<vmem>>, vector<16xi32>,
    %get3A_293 = vector.shape_cast %get3A_292 : vector<16xi32> to vector<16xi32>
    %dma_start3A_294 = arith.constant 416 : i32
    %dma_start3A_295 = arith.constant 0 : i32
    %dma_start3A_296 = tpu.memref_slice %arg6[%dma_start3A_294, %dma_start3A_295] : memref<512x64xf32, #tpu.memory_space<vmem>> -> memref<16x64xf32, #tpu.memory_space<vmem>>
    %dma_start3A_297 = arith.constant 0 : i32
    %dma_start3A_298 = arith.constant 0 : i32
    %dma_start3A_299 = tpu.memref_slice %arg2[%dma_start3A_297, %dma_start3A_298] : memref<1000000x64xf32, #tpu.memory_space<hbm>> -> memref<1000000x64xf32, #tpu.memory_space<hbm>>
    tpu.enqueue_indirect_dma source(%dma_start3A_299 : memref<1000000x64xf32, #tpu.memory_space<hbm>>) target(%dma_start3A_296 : memref<16x64xf32, #tpu.memory_space<vmem>>) offsets(%get3A_293 : vector<16xi32>) semaphore(%arg8 : memref<!tpu.dma_semaphore, #tpu.memory_space<semaphore_mem>>)
    %add3A_300 = arith.constant 432 : i32
    %add3A_301 = arith.addi %multiple_of3A_4, %add3A_300 : i32
    %get3A_302 = arith.index_cast %add3A_301 : i32 to index
    %get3A_303 = tpu.vector_load %arg5[%get3A_302] {strides = array<i32>} : memref<25600xi32, #tpu.memory_space<vmem>>, vector<16xi32>,
    %get3A_304 = vector.shape_cast %get3A_303 : vector<16xi32> to vector<16xi32>
    %dma_start3A_305 = arith.constant 432 : i32
    %dma_start3A_306 = arith.constant 0 : i32
    %dma_start3A_307 = tpu.memref_slice %arg6[%dma_start3A_305, %dma_start3A_306] : memref<512x64xf32, #tpu.memory_space<vmem>> -> memref<16x64xf32, #tpu.memory_space<vmem>>
    %dma_start3A_308 = arith.constant 0 : i32
    %dma_start3A_309 = arith.constant 0 : i32
    %dma_start3A_310 = tpu.memref_slice %arg2[%dma_start3A_308, %dma_start3A_309] : memref<1000000x64xf32, #tpu.memory_space<hbm>> -> memref<1000000x64xf32, #tpu.memory_space<hbm>>
    tpu.enqueue_indirect_dma source(%dma_start3A_310 : memref<1000000x64xf32, #tpu.memory_space<hbm>>) target(%dma_start3A_307 : memref<16x64xf32, #tpu.memory_space<vmem>>) offsets(%get3A_304 : vector<16xi32>) semaphore(%arg8 : memref<!tpu.dma_semaphore, #tpu.memory_space<semaphore_mem>>)
    %add3A_311 = arith.constant 448 : i32
    %add3A_312 = arith.addi %multiple_of3A_4, %add3A_311 : i32
    %get3A_313 = arith.index_cast %add3A_312 : i32 to index
    %get3A_314 = tpu.vector_load %arg5[%get3A_313] {strides = array<i32>} : memref<25600xi32, #tpu.memory_space<vmem>>, vector<16xi32>,
    %get3A_315 = vector.shape_cast %get3A_314 : vector<16xi32> to vector<16xi32>
    %dma_start3A_316 = arith.constant 448 : i32
    %dma_start3A_317 = arith.constant 0 : i32
    %dma_start3A_318 = tpu.memref_slice %arg6[%dma_start3A_316, %dma_start3A_317] : memref<512x64xf32, #tpu.memory_space<vmem>> -> memref<16x64xf32, #tpu.memory_space<vmem>>
    %dma_start3A_319 = arith.constant 0 : i32
    %dma_start3A_320 = arith.constant 0 : i32
    %dma_start3A_321 = tpu.memref_slice %arg2[%dma_start3A_319, %dma_start3A_320] : memref<1000000x64xf32, #tpu.memory_space<hbm>> -> memref<1000000x64xf32, #tpu.memory_space<hbm>>
    tpu.enqueue_indirect_dma source(%dma_start3A_321 : memref<1000000x64xf32, #tpu.memory_space<hbm>>) target(%dma_start3A_318 : memref<16x64xf32, #tpu.memory_space<vmem>>) offsets(%get3A_315 : vector<16xi32>) semaphore(%arg8 : memref<!tpu.dma_semaphore, #tpu.memory_space<semaphore_mem>>)
    %add3A_322 = arith.constant 464 : i32
    %add3A_323 = arith.addi %multiple_of3A_4, %add3A_322 : i32
    %get3A_324 = arith.index_cast %add3A_323 : i32 to index
    %get3A_325 = tpu.vector_load %arg5[%get3A_324] {strides = array<i32>} : memref<25600xi32, #tpu.memory_space<vmem>>, vector<16xi32>,
    %get3A_326 = vector.shape_cast %get3A_325 : vector<16xi32> to vector<16xi32>
    %dma_start3A_327 = arith.constant 464 : i32
    %dma_start3A_328 = arith.constant 0 : i32
    %dma_start3A_329 = tpu.memref_slice %arg6[%dma_start3A_327, %dma_start3A_328] : memref<512x64xf32, #tpu.memory_space<vmem>> -> memref<16x64xf32, #tpu.memory_space<vmem>>
    %dma_start3A_330 = arith.constant 0 : i32
    %dma_start3A_331 = arith.constant 0 : i32
    %dma_start3A_332 = tpu.memref_slice %arg2[%dma_start3A_330, %dma_start3A_331] : memref<1000000x64xf32, #tpu.memory_space<hbm>> -> memref<1000000x64xf32, #tpu.memory_space<hbm>>
    tpu.enqueue_indirect_dma source(%dma_start3A_332 : memref<1000000x64xf32, #tpu.memory_space<hbm>>) target(%dma_start3A_329 : memref<16x64xf32, #tpu.memory_space<vmem>>) offsets(%get3A_326 : vector<16xi32>) semaphore(%arg8 : memref<!tpu.dma_semaphore, #tpu.memory_space<semaphore_mem>>)
    %add3A_333 = arith.constant 480 : i32
    %add3A_334 = arith.addi %multiple_of3A_4, %add3A_333 : i32
    %get3A_335 = arith.index_cast %add3A_334 : i32 to index
    %get3A_336 = tpu.vector_load %arg5[%get3A_335] {strides = array<i32>} : memref<25600xi32, #tpu.memory_space<vmem>>, vector<16xi32>,
    %get3A_337 = vector.shape_cast %get3A_336 : vector<16xi32> to vector<16xi32>
    %dma_start3A_338 = arith.constant 480 : i32
    %dma_start3A_339 = arith.constant 0 : i32
    %dma_start3A_340 = tpu.memref_slice %arg6[%dma_start3A_338, %dma_start3A_339] : memref<512x64xf32, #tpu.memory_space<vmem>> -> memref<16x64xf32, #tpu.memory_space<vmem>>
    %dma_start3A_341 = arith.constant 0 : i32
    %dma_start3A_342 = arith.constant 0 : i32
    %dma_start3A_343 = tpu.memref_slice %arg2[%dma_start3A_341, %dma_start3A_342] : memref<1000000x64xf32, #tpu.memory_space<hbm>> -> memref<1000000x64xf32, #tpu.memory_space<hbm>>
    tpu.enqueue_indirect_dma source(%dma_start3A_343 : memref<1000000x64xf32, #tpu.memory_space<hbm>>) target(%dma_start3A_340 : memref<16x64xf32, #tpu.memory_space<vmem>>) offsets(%get3A_337 : vector<16xi32>) semaphore(%arg8 : memref<!tpu.dma_semaphore, #tpu.memory_space<semaphore_mem>>)
    %add3A_344 = arith.constant 496 : i32
    %add3A_345 = arith.addi %multiple_of3A_4, %add3A_344 : i32
    %get3A_346 = arith.index_cast %add3A_345 : i32 to index
    %get3A_347 = tpu.vector_load %arg5[%get3A_346] {strides = array<i32>} : memref<25600xi32, #tpu.memory_space<vmem>>, vector<16xi32>,
    %get3A_348 = vector.shape_cast %get3A_347 : vector<16xi32> to vector<16xi32>
    %dma_start3A_349 = arith.constant 496 : i32
    %dma_start3A_350 = arith.constant 0 : i32
    %dma_start3A_351 = tpu.memref_slice %arg6[%dma_start3A_349, %dma_start3A_350] : memref<512x64xf32, #tpu.memory_space<vmem>> -> memref<16x64xf32, #tpu.memory_space<vmem>>
    %dma_start3A_352 = arith.constant 0 : i32
    %dma_start3A_353 = arith.constant 0 : i32
    %dma_start3A_354 = tpu.memref_slice %arg2[%dma_start3A_352, %dma_start3A_353] : memref<1000000x64xf32, #tpu.memory_space<hbm>> -> memref<1000000x64xf32, #tpu.memory_space<hbm>>
    tpu.enqueue_indirect_dma source(%dma_start3A_354 : memref<1000000x64xf32, #tpu.memory_space<hbm>>) target(%dma_start3A_351 : memref<16x64xf32, #tpu.memory_space<vmem>>) offsets(%get3A_348 : vector<16xi32>) semaphore(%arg8 : memref<!tpu.dma_semaphore, #tpu.memory_space<semaphore_mem>>)
    %multiple_of3A_355 = arith.constant 512 : i32
    %multiple_of3A_356 = tpu.assume_multiple %multiple_of3A_355, 512 : i32
    %add3A_357 = arith.constant 0 : i32
    %add3A_358 = arith.addi %multiple_of3A_356, %add3A_357 : i32
    %get3A_359 = arith.index_cast %add3A_358 : i32 to index
    %get3A_360 = tpu.vector_load %arg5[%get3A_359] {strides = array<i32>} : memref<25600xi32, #tpu.memory_space<vmem>>, vector<16xi32>,
    %get3A_361 = vector.shape_cast %get3A_360 : vector<16xi32> to vector<16xi32>
    %dma_start3A_362 = arith.constant 0 : i32
    %dma_start3A_363 = arith.constant 0 : i32
    %dma_start3A_364 = tpu.memref_slice %arg7[%dma_start3A_362, %dma_start3A_363] : memref<512x64xf32, #tpu.memory_space<vmem>> -> memref<16x64xf32, #tpu.memory_space<vmem>>
    %dma_start3A_365 = arith.constant 0 : i32
    %dma_start3A_366 = arith.constant 0 : i32
    %dma_start3A_367 = tpu.memref_slice %arg2[%dma_start3A_365, %dma_start3A_366] : memref<1000000x64xf32, #tpu.memory_space<hbm>> -> memref<1000000x64xf32, #tpu.memory_space<hbm>>
    tpu.enqueue_indirect_dma source(%dma_start3A_367 : memref<1000000x64xf32, #tpu.memory_space<hbm>>) target(%dma_start3A_364 : memref<16x64xf32, #tpu.memory_space<vmem>>) offsets(%get3A_361 : vector<16xi32>) semaphore(%arg9 : memref<!tpu.dma_semaphore, #tpu.memory_space<semaphore_mem>>)
    %add3A_368 = arith.constant 16 : i32
    %add3A_369 = arith.addi %multiple_of3A_356, %add3A_368 : i32
    %get3A_370 = arith.index_cast %add3A_369 : i32 to index
    %get3A_371 = tpu.vector_load %arg5[%get3A_370] {strides = array<i32>} : memref<25600xi32, #tpu.memory_space<vmem>>, vector<16xi32>,
    %get3A_372 = vector.shape_cast %get3A_371 : vector<16xi32> to vector<16xi32>
    %dma_start3A_373 = arith.constant 16 : i32
    %dma_start3A_374 = arith.constant 0 : i32
    %dma_start3A_375 = tpu.memref_slice %arg7[%dma_start3A_373, %dma_start3A_374] : memref<512x64xf32, #tpu.memory_space<vmem>> -> memref<16x64xf32, #tpu.memory_space<vmem>>
    %dma_start3A_376 = arith.constant 0 : i32
    %dma_start3A_377 = arith.constant 0 : i32
    %dma_start3A_378 = tpu.memref_slice %arg2[%dma_start3A_376, %dma_start3A_377] : memref<1000000x64xf32, #tpu.memory_space<hbm>> -> memref<1000000x64xf32, #tpu.memory_space<hbm>>
    tpu.enqueue_indirect_dma source(%dma_start3A_378 : memref<1000000x64xf32, #tpu.memory_space<hbm>>) target(%dma_start3A_375 : memref<16x64xf32, #tpu.memory_space<vmem>>) offsets(%get3A_372 : vector<16xi32>) semaphore(%arg9 : memref<!tpu.dma_semaphore, #tpu.memory_space<semaphore_mem>>)
    %add3A_379 = arith.constant 32 : i32
    %add3A_380 = arith.addi %multiple_of3A_356, %add3A_379 : i32
    %get3A_381 = arith.index_cast %add3A_380 : i32 to index
    %get3A_382 = tpu.vector_load %arg5[%get3A_381] {strides = array<i32>} : memref<25600xi32, #tpu.memory_space<vmem>>, vector<16xi32>,
    %get3A_383 = vector.shape_cast %get3A_382 : vector<16xi32> to vector<16xi32>
    %dma_start3A_384 = arith.constant 32 : i32
    %dma_start3A_385 = arith.constant 0 : i32
    %dma_start3A_386 = tpu.memref_slice %arg7[%dma_start3A_384, %dma_start3A_385] : memref<512x64xf32, #tpu.memory_space<vmem>> -> memref<16x64xf32, #tpu.memory_space<vmem>>
    %dma_start3A_387 = arith.constant 0 : i32
    %dma_start3A_388 = arith.constant 0 : i32
    %dma_start3A_389 = tpu.memref_slice %arg2[%dma_start3A_387, %dma_start3A_388] : memref<1000000x64xf32, #tpu.memory_space<hbm>> -> memref<1000000x64xf32, #tpu.memory_space<hbm>>
    tpu.enqueue_indirect_dma source(%dma_start3A_389 : memref<1000000x64xf32, #tpu.memory_space<hbm>>) target(%dma_start3A_386 : memref<16x64xf32, #tpu.memory_space<vmem>>) offsets(%get3A_383 : vector<16xi32>) semaphore(%arg9 : memref<!tpu.dma_semaphore, #tpu.memory_space<semaphore_mem>>)
    %add3A_390 = arith.constant 48 : i32
    %add3A_391 = arith.addi %multiple_of3A_356, %add3A_390 : i32
    %get3A_392 = arith.index_cast %add3A_391 : i32 to index
    %get3A_393 = tpu.vector_load %arg5[%get3A_392] {strides = array<i32>} : memref<25600xi32, #tpu.memory_space<vmem>>, vector<16xi32>,
    %get3A_394 = vector.shape_cast %get3A_393 : vector<16xi32> to vector<16xi32>
    %dma_start3A_395 = arith.constant 48 : i32
    %dma_start3A_396 = arith.constant 0 : i32
    %dma_start3A_397 = tpu.memref_slice %arg7[%dma_start3A_395, %dma_start3A_396] : memref<512x64xf32, #tpu.memory_space<vmem>> -> memref<16x64xf32, #tpu.memory_space<vmem>>
    %dma_start3A_398 = arith.constant 0 : i32
    %dma_start3A_399 = arith.constant 0 : i32
    %dma_start3A_400 = tpu.memref_slice %arg2[%dma_start3A_398, %dma_start3A_399] : memref<1000000x64xf32, #tpu.memory_space<hbm>> -> memref<1000000x64xf32, #tpu.memory_space<hbm>>
    tpu.enqueue_indirect_dma source(%dma_start3A_400 : memref<1000000x64xf32, #tpu.memory_space<hbm>>) target(%dma_start3A_397 : memref<16x64xf32, #tpu.memory_space<vmem>>) offsets(%get3A_394 : vector<16xi32>) semaphore(%arg9 : memref<!tpu.dma_semaphore, #tpu.memory_space<semaphore_mem>>)
    %add3A_401 = arith.constant 64 : i32
    %add3A_402 = arith.addi %multiple_of3A_356, %add3A_401 : i32
    %get3A_403 = arith.index_cast %add3A_402 : i32 to index
    %get3A_404 = tpu.vector_load %arg5[%get3A_403] {strides = array<i32>} : memref<25600xi32, #tpu.memory_space<vmem>>, vector<16xi32>,
    %get3A_405 = vector.shape_cast %get3A_404 : vector<16xi32> to vector<16xi32>
    %dma_start3A_406 = arith.constant 64 : i32
    %dma_start3A_407 = arith.constant 0 : i32
    %dma_start3A_408 = tpu.memref_slice %arg7[%dma_start3A_406, %dma_start3A_407] : memref<512x64xf32, #tpu.memory_space<vmem>> -> memref<16x64xf32, #tpu.memory_space<vmem>>
    %dma_start3A_409 = arith.constant 0 : i32
    %dma_start3A_410 = arith.constant 0 : i32
    %dma_start3A_411 = tpu.memref_slice %arg2[%dma_start3A_409, %dma_start3A_410] : memref<1000000x64xf32, #tpu.memory_space<hbm>> -> memref<1000000x64xf32, #tpu.memory_space<hbm>>
    tpu.enqueue_indirect_dma source(%dma_start3A_411 : memref<1000000x64xf32, #tpu.memory_space<hbm>>) target(%dma_start3A_408 : memref<16x64xf32, #tpu.memory_space<vmem>>) offsets(%get3A_405 : vector<16xi32>) semaphore(%arg9 : memref<!tpu.dma_semaphore, #tpu.memory_space<semaphore_mem>>)
    %add3A_412 = arith.constant 80 : i32
    %add3A_413 = arith.addi %multiple_of3A_356, %add3A_412 : i32
    %get3A_414 = arith.index_cast %add3A_413 : i32 to index
    %get3A_415 = tpu.vector_load %arg5[%get3A_414] {strides = array<i32>} : memref<25600xi32, #tpu.memory_space<vmem>>, vector<16xi32>,
    %get3A_416 = vector.shape_cast %get3A_415 : vector<16xi32> to vector<16xi32>
    %dma_start3A_417 = arith.constant 80 : i32
    %dma_start3A_418 = arith.constant 0 : i32
    %dma_start3A_419 = tpu.memref_slice %arg7[%dma_start3A_417, %dma_start3A_418] : memref<512x64xf32, #tpu.memory_space<vmem>> -> memref<16x64xf32, #tpu.memory_space<vmem>>
    %dma_start3A_420 = arith.constant 0 : i32
    %dma_start3A_421 = arith.constant 0 : i32
    %dma_start3A_422 = tpu.memref_slice %arg2[%dma_start3A_420, %dma_start3A_421] : memref<1000000x64xf32, #tpu.memory_space<hbm>> -> memref<1000000x64xf32, #tpu.memory_space<hbm>>
    tpu.enqueue_indirect_dma source(%dma_start3A_422 : memref<1000000x64xf32, #tpu.memory_space<hbm>>) target(%dma_start3A_419 : memref<16x64xf32, #tpu.memory_space<vmem>>) offsets(%get3A_416 : vector<16xi32>) semaphore(%arg9 : memref<!tpu.dma_semaphore, #tpu.memory_space<semaphore_mem>>)
    %add3A_423 = arith.constant 96 : i32
    %add3A_424 = arith.addi %multiple_of3A_356, %add3A_423 : i32
    %get3A_425 = arith.index_cast %add3A_424 : i32 to index
    %get3A_426 = tpu.vector_load %arg5[%get3A_425] {strides = array<i32>} : memref<25600xi32, #tpu.memory_space<vmem>>, vector<16xi32>,
    %get3A_427 = vector.shape_cast %get3A_426 : vector<16xi32> to vector<16xi32>
    %dma_start3A_428 = arith.constant 96 : i32
    %dma_start3A_429 = arith.constant 0 : i32
    %dma_start3A_430 = tpu.memref_slice %arg7[%dma_start3A_428, %dma_start3A_429] : memref<512x64xf32, #tpu.memory_space<vmem>> -> memref<16x64xf32, #tpu.memory_space<vmem>>
    %dma_start3A_431 = arith.constant 0 : i32
    %dma_start3A_432 = arith.constant 0 : i32
    %dma_start3A_433 = tpu.memref_slice %arg2[%dma_start3A_431, %dma_start3A_432] : memref<1000000x64xf32, #tpu.memory_space<hbm>> -> memref<1000000x64xf32, #tpu.memory_space<hbm>>
    tpu.enqueue_indirect_dma source(%dma_start3A_433 : memref<1000000x64xf32, #tpu.memory_space<hbm>>) target(%dma_start3A_430 : memref<16x64xf32, #tpu.memory_space<vmem>>) offsets(%get3A_427 : vector<16xi32>) semaphore(%arg9 : memref<!tpu.dma_semaphore, #tpu.memory_space<semaphore_mem>>)
    %add3A_434 = arith.constant 112 : i32
    %add3A_435 = arith.addi %multiple_of3A_356, %add3A_434 : i32
    %get3A_436 = arith.index_cast %add3A_435 : i32 to index
    %get3A_437 = tpu.vector_load %arg5[%get3A_436] {strides = array<i32>} : memref<25600xi32, #tpu.memory_space<vmem>>, vector<16xi32>,
    %get3A_438 = vector.shape_cast %get3A_437 : vector<16xi32> to vector<16xi32>
    %dma_start3A_439 = arith.constant 112 : i32
    %dma_start3A_440 = arith.constant 0 : i32
    %dma_start3A_441 = tpu.memref_slice %arg7[%dma_start3A_439, %dma_start3A_440] : memref<512x64xf32, #tpu.memory_space<vmem>> -> memref<16x64xf32, #tpu.memory_space<vmem>>
    %dma_start3A_442 = arith.constant 0 : i32
    %dma_start3A_443 = arith.constant 0 : i32
    %dma_start3A_444 = tpu.memref_slice %arg2[%dma_start3A_442, %dma_start3A_443] : memref<1000000x64xf32, #tpu.memory_space<hbm>> -> memref<1000000x64xf32, #tpu.memory_space<hbm>>
    tpu.enqueue_indirect_dma source(%dma_start3A_444 : memref<1000000x64xf32, #tpu.memory_space<hbm>>) target(%dma_start3A_441 : memref<16x64xf32, #tpu.memory_space<vmem>>) offsets(%get3A_438 : vector<16xi32>) semaphore(%arg9 : memref<!tpu.dma_semaphore, #tpu.memory_space<semaphore_mem>>)
    %add3A_445 = arith.constant 128 : i32
    %add3A_446 = arith.addi %multiple_of3A_356, %add3A_445 : i32
    %get3A_447 = arith.index_cast %add3A_446 : i32 to index
    %get3A_448 = tpu.vector_load %arg5[%get3A_447] {strides = array<i32>} : memref<25600xi32, #tpu.memory_space<vmem>>, vector<16xi32>,
    %get3A_449 = vector.shape_cast %get3A_448 : vector<16xi32> to vector<16xi32>
    %dma_start3A_450 = arith.constant 128 : i32
    %dma_start3A_451 = arith.constant 0 : i32
    %dma_start3A_452 = tpu.memref_slice %arg7[%dma_start3A_450, %dma_start3A_451] : memref<512x64xf32, #tpu.memory_space<vmem>> -> memref<16x64xf32, #tpu.memory_space<vmem>>
    %dma_start3A_453 = arith.constant 0 : i32
    %dma_start3A_454 = arith.constant 0 : i32
    %dma_start3A_455 = tpu.memref_slice %arg2[%dma_start3A_453, %dma_start3A_454] : memref<1000000x64xf32, #tpu.memory_space<hbm>> -> memref<1000000x64xf32, #tpu.memory_space<hbm>>
    tpu.enqueue_indirect_dma source(%dma_start3A_455 : memref<1000000x64xf32, #tpu.memory_space<hbm>>) target(%dma_start3A_452 : memref<16x64xf32, #tpu.memory_space<vmem>>) offsets(%get3A_449 : vector<16xi32>) semaphore(%arg9 : memref<!tpu.dma_semaphore, #tpu.memory_space<semaphore_mem>>)
    %add3A_456 = arith.constant 144 : i32
    %add3A_457 = arith.addi %multiple_of3A_356, %add3A_456 : i32
    %get3A_458 = arith.index_cast %add3A_457 : i32 to index
    %get3A_459 = tpu.vector_load %arg5[%get3A_458] {strides = array<i32>} : memref<25600xi32, #tpu.memory_space<vmem>>, vector<16xi32>,
    %get3A_460 = vector.shape_cast %get3A_459 : vector<16xi32> to vector<16xi32>
    %dma_start3A_461 = arith.constant 144 : i32
    %dma_start3A_462 = arith.constant 0 : i32
    %dma_start3A_463 = tpu.memref_slice %arg7[%dma_start3A_461, %dma_start3A_462] : memref<512x64xf32, #tpu.memory_space<vmem>> -> memref<16x64xf32, #tpu.memory_space<vmem>>
    %dma_start3A_464 = arith.constant 0 : i32
    %dma_start3A_465 = arith.constant 0 : i32
    %dma_start3A_466 = tpu.memref_slice %arg2[%dma_start3A_464, %dma_start3A_465] : memref<1000000x64xf32, #tpu.memory_space<hbm>> -> memref<1000000x64xf32, #tpu.memory_space<hbm>>
    tpu.enqueue_indirect_dma source(%dma_start3A_466 : memref<1000000x64xf32, #tpu.memory_space<hbm>>) target(%dma_start3A_463 : memref<16x64xf32, #tpu.memory_space<vmem>>) offsets(%get3A_460 : vector<16xi32>) semaphore(%arg9 : memref<!tpu.dma_semaphore, #tpu.memory_space<semaphore_mem>>)
    %add3A_467 = arith.constant 160 : i32
    %add3A_468 = arith.addi %multiple_of3A_356, %add3A_467 : i32
    %get3A_469 = arith.index_cast %add3A_468 : i32 to index
    %get3A_470 = tpu.vector_load %arg5[%get3A_469] {strides = array<i32>} : memref<25600xi32, #tpu.memory_space<vmem>>, vector<16xi32>,
    %get3A_471 = vector.shape_cast %get3A_470 : vector<16xi32> to vector<16xi32>
    %dma_start3A_472 = arith.constant 160 : i32
    %dma_start3A_473 = arith.constant 0 : i32
    %dma_start3A_474 = tpu.memref_slice %arg7[%dma_start3A_472, %dma_start3A_473] : memref<512x64xf32, #tpu.memory_space<vmem>> -> memref<16x64xf32, #tpu.memory_space<vmem>>
    %dma_start3A_475 = arith.constant 0 : i32
    %dma_start3A_476 = arith.constant 0 : i32
    %dma_start3A_477 = tpu.memref_slice %arg2[%dma_start3A_475, %dma_start3A_476] : memref<1000000x64xf32, #tpu.memory_space<hbm>> -> memref<1000000x64xf32, #tpu.memory_space<hbm>>
    tpu.enqueue_indirect_dma source(%dma_start3A_477 : memref<1000000x64xf32, #tpu.memory_space<hbm>>) target(%dma_start3A_474 : memref<16x64xf32, #tpu.memory_space<vmem>>) offsets(%get3A_471 : vector<16xi32>) semaphore(%arg9 : memref<!tpu.dma_semaphore, #tpu.memory_space<semaphore_mem>>)
    %add3A_478 = arith.constant 176 : i32
    %add3A_479 = arith.addi %multiple_of3A_356, %add3A_478 : i32
    %get3A_480 = arith.index_cast %add3A_479 : i32 to index
    %get3A_481 = tpu.vector_load %arg5[%get3A_480] {strides = array<i32>} : memref<25600xi32, #tpu.memory_space<vmem>>, vector<16xi32>,
    %get3A_482 = vector.shape_cast %get3A_481 : vector<16xi32> to vector<16xi32>
    %dma_start3A_483 = arith.constant 176 : i32
    %dma_start3A_484 = arith.constant 0 : i32
    %dma_start3A_485 = tpu.memref_slice %arg7[%dma_start3A_483, %dma_start3A_484] : memref<512x64xf32, #tpu.memory_space<vmem>> -> memref<16x64xf32, #tpu.memory_space<vmem>>
    %dma_start3A_486 = arith.constant 0 : i32
    %dma_start3A_487 = arith.constant 0 : i32
    %dma_start3A_488 = tpu.memref_slice %arg2[%dma_start3A_486, %dma_start3A_487] : memref<1000000x64xf32, #tpu.memory_space<hbm>> -> memref<1000000x64xf32, #tpu.memory_space<hbm>>
    tpu.enqueue_indirect_dma source(%dma_start3A_488 : memref<1000000x64xf32, #tpu.memory_space<hbm>>) target(%dma_start3A_485 : memref<16x64xf32, #tpu.memory_space<vmem>>) offsets(%get3A_482 : vector<16xi32>) semaphore(%arg9 : memref<!tpu.dma_semaphore, #tpu.memory_space<semaphore_mem>>)
    %add3A_489 = arith.constant 192 : i32
    %add3A_490 = arith.addi %multiple_of3A_356, %add3A_489 : i32
    %get3A_491 = arith.index_cast %add3A_490 : i32 to index
    %get3A_492 = tpu.vector_load %arg5[%get3A_491] {strides = array<i32>} : memref<25600xi32, #tpu.memory_space<vmem>>, vector<16xi32>,
    %get3A_493 = vector.shape_cast %get3A_492 : vector<16xi32> to vector<16xi32>
    %dma_start3A_494 = arith.constant 192 : i32
    %dma_start3A_495 = arith.constant 0 : i32
    %dma_start3A_496 = tpu.memref_slice %arg7[%dma_start3A_494, %dma_start3A_495] : memref<512x64xf32, #tpu.memory_space<vmem>> -> memref<16x64xf32, #tpu.memory_space<vmem>>
    %dma_start3A_497 = arith.constant 0 : i32
    %dma_start3A_498 = arith.constant 0 : i32
    %dma_start3A_499 = tpu.memref_slice %arg2[%dma_start3A_497, %dma_start3A_498] : memref<1000000x64xf32, #tpu.memory_space<hbm>> -> memref<1000000x64xf32, #tpu.memory_space<hbm>>
    tpu.enqueue_indirect_dma source(%dma_start3A_499 : memref<1000000x64xf32, #tpu.memory_space<hbm>>) target(%dma_start3A_496 : memref<16x64xf32, #tpu.memory_space<vmem>>) offsets(%get3A_493 : vector<16xi32>) semaphore(%arg9 : memref<!tpu.dma_semaphore, #tpu.memory_space<semaphore_mem>>)
    %add3A_500 = arith.constant 208 : i32
    %add3A_501 = arith.addi %multiple_of3A_356, %add3A_500 : i32
    %get3A_502 = arith.index_cast %add3A_501 : i32 to index
    %get3A_503 = tpu.vector_load %arg5[%get3A_502] {strides = array<i32>} : memref<25600xi32, #tpu.memory_space<vmem>>, vector<16xi32>,
    %get3A_504 = vector.shape_cast %get3A_503 : vector<16xi32> to vector<16xi32>
    %dma_start3A_505 = arith.constant 208 : i32
    %dma_start3A_506 = arith.constant 0 : i32
    %dma_start3A_507 = tpu.memref_slice %arg7[%dma_start3A_505, %dma_start3A_506] : memref<512x64xf32, #tpu.memory_space<vmem>> -> memref<16x64xf32, #tpu.memory_space<vmem>>
    %dma_start3A_508 = arith.constant 0 : i32
    %dma_start3A_509 = arith.constant 0 : i32
    %dma_start3A_510 = tpu.memref_slice %arg2[%dma_start3A_508, %dma_start3A_509] : memref<1000000x64xf32, #tpu.memory_space<hbm>> -> memref<1000000x64xf32, #tpu.memory_space<hbm>>
    tpu.enqueue_indirect_dma source(%dma_start3A_510 : memref<1000000x64xf32, #tpu.memory_space<hbm>>) target(%dma_start3A_507 : memref<16x64xf32, #tpu.memory_space<vmem>>) offsets(%get3A_504 : vector<16xi32>) semaphore(%arg9 : memref<!tpu.dma_semaphore, #tpu.memory_space<semaphore_mem>>)
    %add3A_511 = arith.constant 224 : i32
    %add3A_512 = arith.addi %multiple_of3A_356, %add3A_511 : i32
    %get3A_513 = arith.index_cast %add3A_512 : i32 to index
    %get3A_514 = tpu.vector_load %arg5[%get3A_513] {strides = array<i32>} : memref<25600xi32, #tpu.memory_space<vmem>>, vector<16xi32>,
    %get3A_515 = vector.shape_cast %get3A_514 : vector<16xi32> to vector<16xi32>
    %dma_start3A_516 = arith.constant 224 : i32
    %dma_start3A_517 = arith.constant 0 : i32
    %dma_start3A_518 = tpu.memref_slice %arg7[%dma_start3A_516, %dma_start3A_517] : memref<512x64xf32, #tpu.memory_space<vmem>> -> memref<16x64xf32, #tpu.memory_space<vmem>>
    %dma_start3A_519 = arith.constant 0 : i32
    %dma_start3A_520 = arith.constant 0 : i32
    %dma_start3A_521 = tpu.memref_slice %arg2[%dma_start3A_519, %dma_start3A_520] : memref<1000000x64xf32, #tpu.memory_space<hbm>> -> memref<1000000x64xf32, #tpu.memory_space<hbm>>
    tpu.enqueue_indirect_dma source(%dma_start3A_521 : memref<1000000x64xf32, #tpu.memory_space<hbm>>) target(%dma_start3A_518 : memref<16x64xf32, #tpu.memory_space<vmem>>) offsets(%get3A_515 : vector<16xi32>) semaphore(%arg9 : memref<!tpu.dma_semaphore, #tpu.memory_space<semaphore_mem>>)
    %add3A_522 = arith.constant 240 : i32
    %add3A_523 = arith.addi %multiple_of3A_356, %add3A_522 : i32
    %get3A_524 = arith.index_cast %add3A_523 : i32 to index
    %get3A_525 = tpu.vector_load %arg5[%get3A_524] {strides = array<i32>} : memref<25600xi32, #tpu.memory_space<vmem>>, vector<16xi32>,
    %get3A_526 = vector.shape_cast %get3A_525 : vector<16xi32> to vector<16xi32>
    %dma_start3A_527 = arith.constant 240 : i32
    %dma_start3A_528 = arith.constant 0 : i32
    %dma_start3A_529 = tpu.memref_slice %arg7[%dma_start3A_527, %dma_start3A_528] : memref<512x64xf32, #tpu.memory_space<vmem>> -> memref<16x64xf32, #tpu.memory_space<vmem>>
    %dma_start3A_530 = arith.constant 0 : i32
    %dma_start3A_531 = arith.constant 0 : i32
    %dma_start3A_532 = tpu.memref_slice %arg2[%dma_start3A_530, %dma_start3A_531] : memref<1000000x64xf32, #tpu.memory_space<hbm>> -> memref<1000000x64xf32, #tpu.memory_space<hbm>>
    tpu.enqueue_indirect_dma source(%dma_start3A_532 : memref<1000000x64xf32, #tpu.memory_space<hbm>>) target(%dma_start3A_529 : memref<16x64xf32, #tpu.memory_space<vmem>>) offsets(%get3A_526 : vector<16xi32>) semaphore(%arg9 : memref<!tpu.dma_semaphore, #tpu.memory_space<semaphore_mem>>)
    %add3A_533 = arith.constant 256 : i32
    %add3A_534 = arith.addi %multiple_of3A_356, %add3A_533 : i32
    %get3A_535 = arith.index_cast %add3A_534 : i32 to index
    %get3A_536 = tpu.vector_load %arg5[%get3A_535] {strides = array<i32>} : memref<25600xi32, #tpu.memory_space<vmem>>, vector<16xi32>,
    %get3A_537 = vector.shape_cast %get3A_536 : vector<16xi32> to vector<16xi32>
    %dma_start3A_538 = arith.constant 256 : i32
    %dma_start3A_539 = arith.constant 0 : i32
    %dma_start3A_540 = tpu.memref_slice %arg7[%dma_start3A_538, %dma_start3A_539] : memref<512x64xf32, #tpu.memory_space<vmem>> -> memref<16x64xf32, #tpu.memory_space<vmem>>
    %dma_start3A_541 = arith.constant 0 : i32
    %dma_start3A_542 = arith.constant 0 : i32
    %dma_start3A_543 = tpu.memref_slice %arg2[%dma_start3A_541, %dma_start3A_542] : memref<1000000x64xf32, #tpu.memory_space<hbm>> -> memref<1000000x64xf32, #tpu.memory_space<hbm>>
    tpu.enqueue_indirect_dma source(%dma_start3A_543 : memref<1000000x64xf32, #tpu.memory_space<hbm>>) target(%dma_start3A_540 : memref<16x64xf32, #tpu.memory_space<vmem>>) offsets(%get3A_537 : vector<16xi32>) semaphore(%arg9 : memref<!tpu.dma_semaphore, #tpu.memory_space<semaphore_mem>>)
    %add3A_544 = arith.constant 272 : i32
    %add3A_545 = arith.addi %multiple_of3A_356, %add3A_544 : i32
    %get3A_546 = arith.index_cast %add3A_545 : i32 to index
    %get3A_547 = tpu.vector_load %arg5[%get3A_546] {strides = array<i32>} : memref<25600xi32, #tpu.memory_space<vmem>>, vector<16xi32>,
    %get3A_548 = vector.shape_cast %get3A_547 : vector<16xi32> to vector<16xi32>
    %dma_start3A_549 = arith.constant 272 : i32
    %dma_start3A_550 = arith.constant 0 : i32
    %dma_start3A_551 = tpu.memref_slice %arg7[%dma_start3A_549, %dma_start3A_550] : memref<512x64xf32, #tpu.memory_space<vmem>> -> memref<16x64xf32, #tpu.memory_space<vmem>>
    %dma_start3A_552 = arith.constant 0 : i32
    %dma_start3A_553 = arith.constant 0 : i32
    %dma_start3A_554 = tpu.memref_slice %arg2[%dma_start3A_552, %dma_start3A_553] : memref<1000000x64xf32, #tpu.memory_space<hbm>> -> memref<1000000x64xf32, #tpu.memory_space<hbm>>
    tpu.enqueue_indirect_dma source(%dma_start3A_554 : memref<1000000x64xf32, #tpu.memory_space<hbm>>) target(%dma_start3A_551 : memref<16x64xf32, #tpu.memory_space<vmem>>) offsets(%get3A_548 : vector<16xi32>) semaphore(%arg9 : memref<!tpu.dma_semaphore, #tpu.memory_space<semaphore_mem>>)
    %add3A_555 = arith.constant 288 : i32
    %add3A_556 = arith.addi %multiple_of3A_356, %add3A_555 : i32
    %get3A_557 = arith.index_cast %add3A_556 : i32 to index
    %get3A_558 = tpu.vector_load %arg5[%get3A_557] {strides = array<i32>} : memref<25600xi32, #tpu.memory_space<vmem>>, vector<16xi32>,
    %get3A_559 = vector.shape_cast %get3A_558 : vector<16xi32> to vector<16xi32>
    %dma_start3A_560 = arith.constant 288 : i32
    %dma_start3A_561 = arith.constant 0 : i32
    %dma_start3A_562 = tpu.memref_slice %arg7[%dma_start3A_560, %dma_start3A_561] : memref<512x64xf32, #tpu.memory_space<vmem>> -> memref<16x64xf32, #tpu.memory_space<vmem>>
    %dma_start3A_563 = arith.constant 0 : i32
    %dma_start3A_564 = arith.constant 0 : i32
    %dma_start3A_565 = tpu.memref_slice %arg2[%dma_start3A_563, %dma_start3A_564] : memref<1000000x64xf32, #tpu.memory_space<hbm>> -> memref<1000000x64xf32, #tpu.memory_space<hbm>>
    tpu.enqueue_indirect_dma source(%dma_start3A_565 : memref<1000000x64xf32, #tpu.memory_space<hbm>>) target(%dma_start3A_562 : memref<16x64xf32, #tpu.memory_space<vmem>>) offsets(%get3A_559 : vector<16xi32>) semaphore(%arg9 : memref<!tpu.dma_semaphore, #tpu.memory_space<semaphore_mem>>)
    %add3A_566 = arith.constant 304 : i32
    %add3A_567 = arith.addi %multiple_of3A_356, %add3A_566 : i32
    %get3A_568 = arith.index_cast %add3A_567 : i32 to index
    %get3A_569 = tpu.vector_load %arg5[%get3A_568] {strides = array<i32>} : memref<25600xi32, #tpu.memory_space<vmem>>, vector<16xi32>,
    %get3A_570 = vector.shape_cast %get3A_569 : vector<16xi32> to vector<16xi32>
    %dma_start3A_571 = arith.constant 304 : i32
    %dma_start3A_572 = arith.constant 0 : i32
    %dma_start3A_573 = tpu.memref_slice %arg7[%dma_start3A_571, %dma_start3A_572] : memref<512x64xf32, #tpu.memory_space<vmem>> -> memref<16x64xf32, #tpu.memory_space<vmem>>
    %dma_start3A_574 = arith.constant 0 : i32
    %dma_start3A_575 = arith.constant 0 : i32
    %dma_start3A_576 = tpu.memref_slice %arg2[%dma_start3A_574, %dma_start3A_575] : memref<1000000x64xf32, #tpu.memory_space<hbm>> -> memref<1000000x64xf32, #tpu.memory_space<hbm>>
    tpu.enqueue_indirect_dma source(%dma_start3A_576 : memref<1000000x64xf32, #tpu.memory_space<hbm>>) target(%dma_start3A_573 : memref<16x64xf32, #tpu.memory_space<vmem>>) offsets(%get3A_570 : vector<16xi32>) semaphore(%arg9 : memref<!tpu.dma_semaphore, #tpu.memory_space<semaphore_mem>>)
    %add3A_577 = arith.constant 320 : i32
    %add3A_578 = arith.addi %multiple_of3A_356, %add3A_577 : i32
    %get3A_579 = arith.index_cast %add3A_578 : i32 to index
    %get3A_580 = tpu.vector_load %arg5[%get3A_579] {strides = array<i32>} : memref<25600xi32, #tpu.memory_space<vmem>>, vector<16xi32>,
    %get3A_581 = vector.shape_cast %get3A_580 : vector<16xi32> to vector<16xi32>
    %dma_start3A_582 = arith.constant 320 : i32
    %dma_start3A_583 = arith.constant 0 : i32
    %dma_start3A_584 = tpu.memref_slice %arg7[%dma_start3A_582, %dma_start3A_583] : memref<512x64xf32, #tpu.memory_space<vmem>> -> memref<16x64xf32, #tpu.memory_space<vmem>>
    %dma_start3A_585 = arith.constant 0 : i32
    %dma_start3A_586 = arith.constant 0 : i32
    %dma_start3A_587 = tpu.memref_slice %arg2[%dma_start3A_585, %dma_start3A_586] : memref<1000000x64xf32, #tpu.memory_space<hbm>> -> memref<1000000x64xf32, #tpu.memory_space<hbm>>
    tpu.enqueue_indirect_dma source(%dma_start3A_587 : memref<1000000x64xf32, #tpu.memory_space<hbm>>) target(%dma_start3A_584 : memref<16x64xf32, #tpu.memory_space<vmem>>) offsets(%get3A_581 : vector<16xi32>) semaphore(%arg9 : memref<!tpu.dma_semaphore, #tpu.memory_space<semaphore_mem>>)
    %add3A_588 = arith.constant 336 : i32
    %add3A_589 = arith.addi %multiple_of3A_356, %add3A_588 : i32
    %get3A_590 = arith.index_cast %add3A_589 : i32 to index
    %get3A_591 = tpu.vector_load %arg5[%get3A_590] {strides = array<i32>} : memref<25600xi32, #tpu.memory_space<vmem>>, vector<16xi32>,
    %get3A_592 = vector.shape_cast %get3A_591 : vector<16xi32> to vector<16xi32>
    %dma_start3A_593 = arith.constant 336 : i32
    %dma_start3A_594 = arith.constant 0 : i32
    %dma_start3A_595 = tpu.memref_slice %arg7[%dma_start3A_593, %dma_start3A_594] : memref<512x64xf32, #tpu.memory_space<vmem>> -> memref<16x64xf32, #tpu.memory_space<vmem>>
    %dma_start3A_596 = arith.constant 0 : i32
    %dma_start3A_597 = arith.constant 0 : i32
    %dma_start3A_598 = tpu.memref_slice %arg2[%dma_start3A_596, %dma_start3A_597] : memref<1000000x64xf32, #tpu.memory_space<hbm>> -> memref<1000000x64xf32, #tpu.memory_space<hbm>>
    tpu.enqueue_indirect_dma source(%dma_start3A_598 : memref<1000000x64xf32, #tpu.memory_space<hbm>>) target(%dma_start3A_595 : memref<16x64xf32, #tpu.memory_space<vmem>>) offsets(%get3A_592 : vector<16xi32>) semaphore(%arg9 : memref<!tpu.dma_semaphore, #tpu.memory_space<semaphore_mem>>)
    %add3A_599 = arith.constant 352 : i32
    %add3A_600 = arith.addi %multiple_of3A_356, %add3A_599 : i32
    %get3A_601 = arith.index_cast %add3A_600 : i32 to index
    %get3A_602 = tpu.vector_load %arg5[%get3A_601] {strides = array<i32>} : memref<25600xi32, #tpu.memory_space<vmem>>, vector<16xi32>,
    %get3A_603 = vector.shape_cast %get3A_602 : vector<16xi32> to vector<16xi32>
    %dma_start3A_604 = arith.constant 352 : i32
    %dma_start3A_605 = arith.constant 0 : i32
    %dma_start3A_606 = tpu.memref_slice %arg7[%dma_start3A_604, %dma_start3A_605] : memref<512x64xf32, #tpu.memory_space<vmem>> -> memref<16x64xf32, #tpu.memory_space<vmem>>
    %dma_start3A_607 = arith.constant 0 : i32
    %dma_start3A_608 = arith.constant 0 : i32
    %dma_start3A_609 = tpu.memref_slice %arg2[%dma_start3A_607, %dma_start3A_608] : memref<1000000x64xf32, #tpu.memory_space<hbm>> -> memref<1000000x64xf32, #tpu.memory_space<hbm>>
    tpu.enqueue_indirect_dma source(%dma_start3A_609 : memref<1000000x64xf32, #tpu.memory_space<hbm>>) target(%dma_start3A_606 : memref<16x64xf32, #tpu.memory_space<vmem>>) offsets(%get3A_603 : vector<16xi32>) semaphore(%arg9 : memref<!tpu.dma_semaphore, #tpu.memory_space<semaphore_mem>>)
    %add3A_610 = arith.constant 368 : i32
    %add3A_611 = arith.addi %multiple_of3A_356, %add3A_610 : i32
    %get3A_612 = arith.index_cast %add3A_611 : i32 to index
    %get3A_613 = tpu.vector_load %arg5[%get3A_612] {strides = array<i32>} : memref<25600xi32, #tpu.memory_space<vmem>>, vector<16xi32>,
    %get3A_614 = vector.shape_cast %get3A_613 : vector<16xi32> to vector<16xi32>
    %dma_start3A_615 = arith.constant 368 : i32
    %dma_start3A_616 = arith.constant 0 : i32
    %dma_start3A_617 = tpu.memref_slice %arg7[%dma_start3A_615, %dma_start3A_616] : memref<512x64xf32, #tpu.memory_space<vmem>> -> memref<16x64xf32, #tpu.memory_space<vmem>>
    %dma_start3A_618 = arith.constant 0 : i32
    %dma_start3A_619 = arith.constant 0 : i32
    %dma_start3A_620 = tpu.memref_slice %arg2[%dma_start3A_618, %dma_start3A_619] : memref<1000000x64xf32, #tpu.memory_space<hbm>> -> memref<1000000x64xf32, #tpu.memory_space<hbm>>
    tpu.enqueue_indirect_dma source(%dma_start3A_620 : memref<1000000x64xf32, #tpu.memory_space<hbm>>) target(%dma_start3A_617 : memref<16x64xf32, #tpu.memory_space<vmem>>) offsets(%get3A_614 : vector<16xi32>) semaphore(%arg9 : memref<!tpu.dma_semaphore, #tpu.memory_space<semaphore_mem>>)
    %add3A_621 = arith.constant 384 : i32
    %add3A_622 = arith.addi %multiple_of3A_356, %add3A_621 : i32
    %get3A_623 = arith.index_cast %add3A_622 : i32 to index
    %get3A_624 = tpu.vector_load %arg5[%get3A_623] {strides = array<i32>} : memref<25600xi32, #tpu.memory_space<vmem>>, vector<16xi32>,
    %get3A_625 = vector.shape_cast %get3A_624 : vector<16xi32> to vector<16xi32>
    %dma_start3A_626 = arith.constant 384 : i32
    %dma_start3A_627 = arith.constant 0 : i32
    %dma_start3A_628 = tpu.memref_slice %arg7[%dma_start3A_626, %dma_start3A_627] : memref<512x64xf32, #tpu.memory_space<vmem>> -> memref<16x64xf32, #tpu.memory_space<vmem>>
    %dma_start3A_629 = arith.constant 0 : i32
    %dma_start3A_630 = arith.constant 0 : i32
    %dma_start3A_631 = tpu.memref_slice %arg2[%dma_start3A_629, %dma_start3A_630] : memref<1000000x64xf32, #tpu.memory_space<hbm>> -> memref<1000000x64xf32, #tpu.memory_space<hbm>>
    tpu.enqueue_indirect_dma source(%dma_start3A_631 : memref<1000000x64xf32, #tpu.memory_space<hbm>>) target(%dma_start3A_628 : memref<16x64xf32, #tpu.memory_space<vmem>>) offsets(%get3A_625 : vector<16xi32>) semaphore(%arg9 : memref<!tpu.dma_semaphore, #tpu.memory_space<semaphore_mem>>)
    %add3A_632 = arith.constant 400 : i32
    %add3A_633 = arith.addi %multiple_of3A_356, %add3A_632 : i32
    %get3A_634 = arith.index_cast %add3A_633 : i32 to index
    %get3A_635 = tpu.vector_load %arg5[%get3A_634] {strides = array<i32>} : memref<25600xi32, #tpu.memory_space<vmem>>, vector<16xi32>,
    %get3A_636 = vector.shape_cast %get3A_635 : vector<16xi32> to vector<16xi32>
    %dma_start3A_637 = arith.constant 400 : i32
    %dma_start3A_638 = arith.constant 0 : i32
    %dma_start3A_639 = tpu.memref_slice %arg7[%dma_start3A_637, %dma_start3A_638] : memref<512x64xf32, #tpu.memory_space<vmem>> -> memref<16x64xf32, #tpu.memory_space<vmem>>
    %dma_start3A_640 = arith.constant 0 : i32
    %dma_start3A_641 = arith.constant 0 : i32
    %dma_start3A_642 = tpu.memref_slice %arg2[%dma_start3A_640, %dma_start3A_641] : memref<1000000x64xf32, #tpu.memory_space<hbm>> -> memref<1000000x64xf32, #tpu.memory_space<hbm>>
    tpu.enqueue_indirect_dma source(%dma_start3A_642 : memref<1000000x64xf32, #tpu.memory_space<hbm>>) target(%dma_start3A_639 : memref<16x64xf32, #tpu.memory_space<vmem>>) offsets(%get3A_636 : vector<16xi32>) semaphore(%arg9 : memref<!tpu.dma_semaphore, #tpu.memory_space<semaphore_mem>>)
    %add3A_643 = arith.constant 416 : i32
    %add3A_644 = arith.addi %multiple_of3A_356, %add3A_643 : i32
    %get3A_645 = arith.index_cast %add3A_644 : i32 to index
    %get3A_646 = tpu.vector_load %arg5[%get3A_645] {strides = array<i32>} : memref<25600xi32, #tpu.memory_space<vmem>>, vector<16xi32>,
    %get3A_647 = vector.shape_cast %get3A_646 : vector<16xi32> to vector<16xi32>
    %dma_start3A_648 = arith.constant 416 : i32
    %dma_start3A_649 = arith.constant 0 : i32
    %dma_start3A_650 = tpu.memref_slice %arg7[%dma_start3A_648, %dma_start3A_649] : memref<512x64xf32, #tpu.memory_space<vmem>> -> memref<16x64xf32, #tpu.memory_space<vmem>>
    %dma_start3A_651 = arith.constant 0 : i32
    %dma_start3A_652 = arith.constant 0 : i32
    %dma_start3A_653 = tpu.memref_slice %arg2[%dma_start3A_651, %dma_start3A_652] : memref<1000000x64xf32, #tpu.memory_space<hbm>> -> memref<1000000x64xf32, #tpu.memory_space<hbm>>
    tpu.enqueue_indirect_dma source(%dma_start3A_653 : memref<1000000x64xf32, #tpu.memory_space<hbm>>) target(%dma_start3A_650 : memref<16x64xf32, #tpu.memory_space<vmem>>) offsets(%get3A_647 : vector<16xi32>) semaphore(%arg9 : memref<!tpu.dma_semaphore, #tpu.memory_space<semaphore_mem>>)
    %add3A_654 = arith.constant 432 : i32
    %add3A_655 = arith.addi %multiple_of3A_356, %add3A_654 : i32
    %get3A_656 = arith.index_cast %add3A_655 : i32 to index
    %get3A_657 = tpu.vector_load %arg5[%get3A_656] {strides = array<i32>} : memref<25600xi32, #tpu.memory_space<vmem>>, vector<16xi32>,
    %get3A_658 = vector.shape_cast %get3A_657 : vector<16xi32> to vector<16xi32>
    %dma_start3A_659 = arith.constant 432 : i32
    %dma_start3A_660 = arith.constant 0 : i32
    %dma_start3A_661 = tpu.memref_slice %arg7[%dma_start3A_659, %dma_start3A_660] : memref<512x64xf32, #tpu.memory_space<vmem>> -> memref<16x64xf32, #tpu.memory_space<vmem>>
    %dma_start3A_662 = arith.constant 0 : i32
    %dma_start3A_663 = arith.constant 0 : i32
    %dma_start3A_664 = tpu.memref_slice %arg2[%dma_start3A_662, %dma_start3A_663] : memref<1000000x64xf32, #tpu.memory_space<hbm>> -> memref<1000000x64xf32, #tpu.memory_space<hbm>>
    tpu.enqueue_indirect_dma source(%dma_start3A_664 : memref<1000000x64xf32, #tpu.memory_space<hbm>>) target(%dma_start3A_661 : memref<16x64xf32, #tpu.memory_space<vmem>>) offsets(%get3A_658 : vector<16xi32>) semaphore(%arg9 : memref<!tpu.dma_semaphore, #tpu.memory_space<semaphore_mem>>)
    %add3A_665 = arith.constant 448 : i32
    %add3A_666 = arith.addi %multiple_of3A_356, %add3A_665 : i32
    %get3A_667 = arith.index_cast %add3A_666 : i32 to index
    %get3A_668 = tpu.vector_load %arg5[%get3A_667] {strides = array<i32>} : memref<25600xi32, #tpu.memory_space<vmem>>, vector<16xi32>,
    %get3A_669 = vector.shape_cast %get3A_668 : vector<16xi32> to vector<16xi32>
    %dma_start3A_670 = arith.constant 448 : i32
    %dma_start3A_671 = arith.constant 0 : i32
    %dma_start3A_672 = tpu.memref_slice %arg7[%dma_start3A_670, %dma_start3A_671] : memref<512x64xf32, #tpu.memory_space<vmem>> -> memref<16x64xf32, #tpu.memory_space<vmem>>
    %dma_start3A_673 = arith.constant 0 : i32
    %dma_start3A_674 = arith.constant 0 : i32
    %dma_start3A_675 = tpu.memref_slice %arg2[%dma_start3A_673, %dma_start3A_674] : memref<1000000x64xf32, #tpu.memory_space<hbm>> -> memref<1000000x64xf32, #tpu.memory_space<hbm>>
    tpu.enqueue_indirect_dma source(%dma_start3A_675 : memref<1000000x64xf32, #tpu.memory_space<hbm>>) target(%dma_start3A_672 : memref<16x64xf32, #tpu.memory_space<vmem>>) offsets(%get3A_669 : vector<16xi32>) semaphore(%arg9 : memref<!tpu.dma_semaphore, #tpu.memory_space<semaphore_mem>>)
    %add3A_676 = arith.constant 464 : i32
    %add3A_677 = arith.addi %multiple_of3A_356, %add3A_676 : i32
    %get3A_678 = arith.index_cast %add3A_677 : i32 to index
    %get3A_679 = tpu.vector_load %arg5[%get3A_678] {strides = array<i32>} : memref<25600xi32, #tpu.memory_space<vmem>>, vector<16xi32>,
    %get3A_680 = vector.shape_cast %get3A_679 : vector<16xi32> to vector<16xi32>
    %dma_start3A_681 = arith.constant 464 : i32
    %dma_start3A_682 = arith.constant 0 : i32
    %dma_start3A_683 = tpu.memref_slice %arg7[%dma_start3A_681, %dma_start3A_682] : memref<512x64xf32, #tpu.memory_space<vmem>> -> memref<16x64xf32, #tpu.memory_space<vmem>>
    %dma_start3A_684 = arith.constant 0 : i32
    %dma_start3A_685 = arith.constant 0 : i32
    %dma_start3A_686 = tpu.memref_slice %arg2[%dma_start3A_684, %dma_start3A_685] : memref<1000000x64xf32, #tpu.memory_space<hbm>> -> memref<1000000x64xf32, #tpu.memory_space<hbm>>
    tpu.enqueue_indirect_dma source(%dma_start3A_686 : memref<1000000x64xf32, #tpu.memory_space<hbm>>) target(%dma_start3A_683 : memref<16x64xf32, #tpu.memory_space<vmem>>) offsets(%get3A_680 : vector<16xi32>) semaphore(%arg9 : memref<!tpu.dma_semaphore, #tpu.memory_space<semaphore_mem>>)
    %add3A_687 = arith.constant 480 : i32
    %add3A_688 = arith.addi %multiple_of3A_356, %add3A_687 : i32
    %get3A_689 = arith.index_cast %add3A_688 : i32 to index
    %get3A_690 = tpu.vector_load %arg5[%get3A_689] {strides = array<i32>} : memref<25600xi32, #tpu.memory_space<vmem>>, vector<16xi32>,
    %get3A_691 = vector.shape_cast %get3A_690 : vector<16xi32> to vector<16xi32>
    %dma_start3A_692 = arith.constant 480 : i32
    %dma_start3A_693 = arith.constant 0 : i32
    %dma_start3A_694 = tpu.memref_slice %arg7[%dma_start3A_692, %dma_start3A_693] : memref<512x64xf32, #tpu.memory_space<vmem>> -> memref<16x64xf32, #tpu.memory_space<vmem>>
    %dma_start3A_695 = arith.constant 0 : i32
    %dma_start3A_696 = arith.constant 0 : i32
    %dma_start3A_697 = tpu.memref_slice %arg2[%dma_start3A_695, %dma_start3A_696] : memref<1000000x64xf32, #tpu.memory_space<hbm>> -> memref<1000000x64xf32, #tpu.memory_space<hbm>>
    tpu.enqueue_indirect_dma source(%dma_start3A_697 : memref<1000000x64xf32, #tpu.memory_space<hbm>>) target(%dma_start3A_694 : memref<16x64xf32, #tpu.memory_space<vmem>>) offsets(%get3A_691 : vector<16xi32>) semaphore(%arg9 : memref<!tpu.dma_semaphore, #tpu.memory_space<semaphore_mem>>)
    %add3A_698 = arith.constant 496 : i32
    %add3A_699 = arith.addi %multiple_of3A_356, %add3A_698 : i32
    %get3A_700 = arith.index_cast %add3A_699 : i32 to index
    %get3A_701 = tpu.vector_load %arg5[%get3A_700] {strides = array<i32>} : memref<25600xi32, #tpu.memory_space<vmem>>, vector<16xi32>,
    %get3A_702 = vector.shape_cast %get3A_701 : vector<16xi32> to vector<16xi32>
    %dma_start3A_703 = arith.constant 496 : i32
    %dma_start3A_704 = arith.constant 0 : i32
    %dma_start3A_705 = tpu.memref_slice %arg7[%dma_start3A_703, %dma_start3A_704] : memref<512x64xf32, #tpu.memory_space<vmem>> -> memref<16x64xf32, #tpu.memory_space<vmem>>
    %dma_start3A_706 = arith.constant 0 : i32
    %dma_start3A_707 = arith.constant 0 : i32
    %dma_start3A_708 = tpu.memref_slice %arg2[%dma_start3A_706, %dma_start3A_707] : memref<1000000x64xf32, #tpu.memory_space<hbm>> -> memref<1000000x64xf32, #tpu.memory_space<hbm>>
    tpu.enqueue_indirect_dma source(%dma_start3A_708 : memref<1000000x64xf32, #tpu.memory_space<hbm>>) target(%dma_start3A_705 : memref<16x64xf32, #tpu.memory_space<vmem>>) offsets(%get3A_702 : vector<16xi32>) semaphore(%arg9 : memref<!tpu.dma_semaphore, #tpu.memory_space<semaphore_mem>>)
    %dma_wait3A = arith.constant 0 : i32
    %dma_wait3A_709 = arith.constant 0 : i32
    %dma_wait3A_710 = tpu.memref_slice %arg2[%dma_wait3A, %dma_wait3A_709] : memref<1000000x64xf32, #tpu.memory_space<hbm>> -> memref<512x64xf32, #tpu.memory_space<hbm>>
    %dma_wait3A_711 = arith.constant 0 : i32
    %dma_wait3A_712 = arith.constant 0 : i32
    %dma_wait3A_713 = tpu.memref_slice %arg2[%dma_wait3A_711, %dma_wait3A_712] : memref<1000000x64xf32, #tpu.memory_space<hbm>> -> memref<512x64xf32, #tpu.memory_space<hbm>>
    tpu.wait_dma2 semaphore(%arg8 : memref<!tpu.dma_semaphore, #tpu.memory_space<semaphore_mem>>) src(%dma_wait3A_713 : memref<512x64xf32, #tpu.memory_space<hbm>>) dst(%arg6 : memref<512x64xf32, #tpu.memory_space<vmem>>)
    %add3A_714 = arith.constant 0 : i32
    %add3A_715 = arith.addi %multiple_of3A, %add3A_714 : i32
    %multiple_of3A_716 = tpu.assume_multiple %add3A_715, 512 : i32
    %dma_start3A_717 = arith.constant 0 : i32
    %dma_start3A_718 = tpu.memref_slice %arg4[%multiple_of3A_716, %dma_start3A_717] : memref<819200x64xf32, #tpu.memory_space<hbm>> -> memref<512x64xf32, #tpu.memory_space<hbm>>
    %dma_start3A_719 = arith.constant 0 : i32
    %dma_start3A_720 = tpu.memref_slice %arg4[%multiple_of3A_716, %dma_start3A_719] : memref<819200x64xf32, #tpu.memory_space<hbm>> -> memref<512x64xf32, #tpu.memory_space<hbm>>
    tpu.enqueue_dma source(%arg6 : memref<512x64xf32, #tpu.memory_space<vmem>>) target(%dma_start3A_720 : memref<512x64xf32, #tpu.memory_space<hbm>>) target_semaphore(%arg10 : memref<!tpu.dma_semaphore, #tpu.memory_space<semaphore_mem>>)
    %scan3A = arith.constant 0 : i32
    %scan3A_721 = arith.constant 0 : i32
    %scan3A_722 = arith.constant 24 : i32
    %scan3A_723 = arith.addi %scan3A_721, %scan3A_722 : i32
    %scan3A_724 = arith.constant 1 : i32
    scf.for %scan3A_751 = %scan3A_721 to %scan3A_723 step %scan3A_724  : i32 {
      %mul3A_752 = arith.constant 2 : i32
      %mul3A_753 = arith.muli %mul3A_752, %scan3A_751 : i32
      %add3A_754 = arith.constant 1 : i32
      %add3A_755 = arith.addi %mul3A_753, %add3A_754 : i32
      %add3A_756 = arith.constant 0 : i32
      %add3A_757 = arith.addi %add3A_755, %add3A_756 : i32
      %dma_wait3A_758 = arith.constant 0 : i32
      %dma_wait3A_759 = arith.constant 0 : i32
      %dma_wait3A_760 = tpu.memref_slice %arg4[%dma_wait3A_758, %dma_wait3A_759] : memref<819200x64xf32, #tpu.memory_space<hbm>> -> memref<512x64xf32, #tpu.memory_space<hbm>>
      %dma_wait3A_761 = arith.constant 0 : i32
      %dma_wait3A_762 = arith.constant 0 : i32
      %dma_wait3A_763 = tpu.memref_slice %arg4[%dma_wait3A_761, %dma_wait3A_762] : memref<819200x64xf32, #tpu.memory_space<hbm>> -> memref<512x64xf32, #tpu.memory_space<hbm>>
      tpu.wait_dma2 semaphore(%arg10 : memref<!tpu.dma_semaphore, #tpu.memory_space<semaphore_mem>>) src(%arg6 : memref<512x64xf32, #tpu.memory_space<vmem>>) dst(%dma_wait3A_763 : memref<512x64xf32, #tpu.memory_space<hbm>>)
      %add3A_764 = arith.constant 1 : i32
      %add3A_765 = arith.addi %add3A_757, %add3A_764 : i32
      %mul3A_766 = arith.constant 512 : i32
      %mul3A_767 = arith.muli %add3A_765, %mul3A_766 : i32
      %multiple_of3A_768 = tpu.assume_multiple %mul3A_767, 512 : i32
      %add3A_769 = arith.constant 0 : i32
      %add3A_770 = arith.addi %multiple_of3A_768, %add3A_769 : i32
      %get3A_771 = arith.index_cast %add3A_770 : i32 to index
      %get3A_772 = tpu.vector_load %arg5[%get3A_771] {strides = array<i32>} : memref<25600xi32, #tpu.memory_space<vmem>>, vector<16xi32>,
      %get3A_773 = vector.shape_cast %get3A_772 : vector<16xi32> to vector<16xi32>
      %dma_start3A_774 = arith.constant 0 : i32
      %dma_start3A_775 = arith.constant 0 : i32
      %dma_start3A_776 = tpu.memref_slice %arg6[%dma_start3A_774, %dma_start3A_775] : memref<512x64xf32, #tpu.memory_space<vmem>> -> memref<16x64xf32, #tpu.memory_space<vmem>>
      %dma_start3A_777 = arith.constant 0 : i32
      %dma_start3A_778 = arith.constant 0 : i32
      %dma_start3A_779 = tpu.memref_slice %arg2[%dma_start3A_777, %dma_start3A_778] : memref<1000000x64xf32, #tpu.memory_space<hbm>> -> memref<1000000x64xf32, #tpu.memory_space<hbm>>
      tpu.enqueue_indirect_dma source(%dma_start3A_779 : memref<1000000x64xf32, #tpu.memory_space<hbm>>) target(%dma_start3A_776 : memref<16x64xf32, #tpu.memory_space<vmem>>) offsets(%get3A_773 : vector<16xi32>) semaphore(%arg8 : memref<!tpu.dma_semaphore, #tpu.memory_space<semaphore_mem>>)
      %add3A_780 = arith.constant 16 : i32
      %add3A_781 = arith.addi %multiple_of3A_768, %add3A_780 : i32
      %get3A_782 = arith.index_cast %add3A_781 : i32 to index
      %get3A_783 = tpu.vector_load %arg5[%get3A_782] {strides = array<i32>} : memref<25600xi32, #tpu.memory_space<vmem>>, vector<16xi32>,
      %get3A_784 = vector.shape_cast %get3A_783 : vector<16xi32> to vector<16xi32>
      %dma_start3A_785 = arith.constant 16 : i32
      %dma_start3A_786 = arith.constant 0 : i32
      %dma_start3A_787 = tpu.memref_slice %arg6[%dma_start3A_785, %dma_start3A_786] : memref<512x64xf32, #tpu.memory_space<vmem>> -> memref<16x64xf32, #tpu.memory_space<vmem>>
      %dma_start3A_788 = arith.constant 0 : i32
      %dma_start3A_789 = arith.constant 0 : i32
      %dma_start3A_790 = tpu.memref_slice %arg2[%dma_start3A_788, %dma_start3A_789] : memref<1000000x64xf32, #tpu.memory_space<hbm>> -> memref<1000000x64xf32, #tpu.memory_space<hbm>>
      tpu.enqueue_indirect_dma source(%dma_start3A_790 : memref<1000000x64xf32, #tpu.memory_space<hbm>>) target(%dma_start3A_787 : memref<16x64xf32, #tpu.memory_space<vmem>>) offsets(%get3A_784 : vector<16xi32>) semaphore(%arg8 : memref<!tpu.dma_semaphore, #tpu.memory_space<semaphore_mem>>)
      %add3A_791 = arith.constant 32 : i32
      %add3A_792 = arith.addi %multiple_of3A_768, %add3A_791 : i32
      %get3A_793 = arith.index_cast %add3A_792 : i32 to index
      %get3A_794 = tpu.vector_load %arg5[%get3A_793] {strides = array<i32>} : memref<25600xi32, #tpu.memory_space<vmem>>, vector<16xi32>,
      %get3A_795 = vector.shape_cast %get3A_794 : vector<16xi32> to vector<16xi32>
      %dma_start3A_796 = arith.constant 32 : i32
      %dma_start3A_797 = arith.constant 0 : i32
      %dma_start3A_798 = tpu.memref_slice %arg6[%dma_start3A_796, %dma_start3A_797] : memref<512x64xf32, #tpu.memory_space<vmem>> -> memref<16x64xf32, #tpu.memory_space<vmem>>
      %dma_start3A_799 = arith.constant 0 : i32
      %dma_start3A_800 = arith.constant 0 : i32
      %dma_start3A_801 = tpu.memref_slice %arg2[%dma_start3A_799, %dma_start3A_800] : memref<1000000x64xf32, #tpu.memory_space<hbm>> -> memref<1000000x64xf32, #tpu.memory_space<hbm>>
      tpu.enqueue_indirect_dma source(%dma_start3A_801 : memref<1000000x64xf32, #tpu.memory_space<hbm>>) target(%dma_start3A_798 : memref<16x64xf32, #tpu.memory_space<vmem>>) offsets(%get3A_795 : vector<16xi32>) semaphore(%arg8 : memref<!tpu.dma_semaphore, #tpu.memory_space<semaphore_mem>>)
      %add3A_802 = arith.constant 48 : i32
      %add3A_803 = arith.addi %multiple_of3A_768, %add3A_802 : i32
      %get3A_804 = arith.index_cast %add3A_803 : i32 to index
      %get3A_805 = tpu.vector_load %arg5[%get3A_804] {strides = array<i32>} : memref<25600xi32, #tpu.memory_space<vmem>>, vector<16xi32>,
      %get3A_806 = vector.shape_cast %get3A_805 : vector<16xi32> to vector<16xi32>
      %dma_start3A_807 = arith.constant 48 : i32
      %dma_start3A_808 = arith.constant 0 : i32
      %dma_start3A_809 = tpu.memref_slice %arg6[%dma_start3A_807, %dma_start3A_808] : memref<512x64xf32, #tpu.memory_space<vmem>> -> memref<16x64xf32, #tpu.memory_space<vmem>>
      %dma_start3A_810 = arith.constant 0 : i32
      %dma_start3A_811 = arith.constant 0 : i32
      %dma_start3A_812 = tpu.memref_slice %arg2[%dma_start3A_810, %dma_start3A_811] : memref<1000000x64xf32, #tpu.memory_space<hbm>> -> memref<1000000x64xf32, #tpu.memory_space<hbm>>
      tpu.enqueue_indirect_dma source(%dma_start3A_812 : memref<1000000x64xf32, #tpu.memory_space<hbm>>) target(%dma_start3A_809 : memref<16x64xf32, #tpu.memory_space<vmem>>) offsets(%get3A_806 : vector<16xi32>) semaphore(%arg8 : memref<!tpu.dma_semaphore, #tpu.memory_space<semaphore_mem>>)
      %add3A_813 = arith.constant 64 : i32
      %add3A_814 = arith.addi %multiple_of3A_768, %add3A_813 : i32
      %get3A_815 = arith.index_cast %add3A_814 : i32 to index
      %get3A_816 = tpu.vector_load %arg5[%get3A_815] {strides = array<i32>} : memref<25600xi32, #tpu.memory_space<vmem>>, vector<16xi32>,
      %get3A_817 = vector.shape_cast %get3A_816 : vector<16xi32> to vector<16xi32>
      %dma_start3A_818 = arith.constant 64 : i32
      %dma_start3A_819 = arith.constant 0 : i32
      %dma_start3A_820 = tpu.memref_slice %arg6[%dma_start3A_818, %dma_start3A_819] : memref<512x64xf32, #tpu.memory_space<vmem>> -> memref<16x64xf32, #tpu.memory_space<vmem>>
      %dma_start3A_821 = arith.constant 0 : i32
      %dma_start3A_822 = arith.constant 0 : i32
      %dma_start3A_823 = tpu.memref_slice %arg2[%dma_start3A_821, %dma_start3A_822] : memref<1000000x64xf32, #tpu.memory_space<hbm>> -> memref<1000000x64xf32, #tpu.memory_space<hbm>>
      tpu.enqueue_indirect_dma source(%dma_start3A_823 : memref<1000000x64xf32, #tpu.memory_space<hbm>>) target(%dma_start3A_820 : memref<16x64xf32, #tpu.memory_space<vmem>>) offsets(%get3A_817 : vector<16xi32>) semaphore(%arg8 : memref<!tpu.dma_semaphore, #tpu.memory_space<semaphore_mem>>)
      %add3A_824 = arith.constant 80 : i32
      %add3A_825 = arith.addi %multiple_of3A_768, %add3A_824 : i32
      %get3A_826 = arith.index_cast %add3A_825 : i32 to index
      %get3A_827 = tpu.vector_load %arg5[%get3A_826] {strides = array<i32>} : memref<25600xi32, #tpu.memory_space<vmem>>, vector<16xi32>,
      %get3A_828 = vector.shape_cast %get3A_827 : vector<16xi32> to vector<16xi32>
      %dma_start3A_829 = arith.constant 80 : i32
      %dma_start3A_830 = arith.constant 0 : i32
      %dma_start3A_831 = tpu.memref_slice %arg6[%dma_start3A_829, %dma_start3A_830] : memref<512x64xf32, #tpu.memory_space<vmem>> -> memref<16x64xf32, #tpu.memory_space<vmem>>
      %dma_start3A_832 = arith.constant 0 : i32
      %dma_start3A_833 = arith.constant 0 : i32
      %dma_start3A_834 = tpu.memref_slice %arg2[%dma_start3A_832, %dma_start3A_833] : memref<1000000x64xf32, #tpu.memory_space<hbm>> -> memref<1000000x64xf32, #tpu.memory_space<hbm>>
      tpu.enqueue_indirect_dma source(%dma_start3A_834 : memref<1000000x64xf32, #tpu.memory_space<hbm>>) target(%dma_start3A_831 : memref<16x64xf32, #tpu.memory_space<vmem>>) offsets(%get3A_828 : vector<16xi32>) semaphore(%arg8 : memref<!tpu.dma_semaphore, #tpu.memory_space<semaphore_mem>>)
      %add3A_835 = arith.constant 96 : i32
      %add3A_836 = arith.addi %multiple_of3A_768, %add3A_835 : i32
      %get3A_837 = arith.index_cast %add3A_836 : i32 to index
      %get3A_838 = tpu.vector_load %arg5[%get3A_837] {strides = array<i32>} : memref<25600xi32, #tpu.memory_space<vmem>>, vector<16xi32>,
      %get3A_839 = vector.shape_cast %get3A_838 : vector<16xi32> to vector<16xi32>
      %dma_start3A_840 = arith.constant 96 : i32
      %dma_start3A_841 = arith.constant 0 : i32
      %dma_start3A_842 = tpu.memref_slice %arg6[%dma_start3A_840, %dma_start3A_841] : memref<512x64xf32, #tpu.memory_space<vmem>> -> memref<16x64xf32, #tpu.memory_space<vmem>>
      %dma_start3A_843 = arith.constant 0 : i32
      %dma_start3A_844 = arith.constant 0 : i32
      %dma_start3A_845 = tpu.memref_slice %arg2[%dma_start3A_843, %dma_start3A_844] : memref<1000000x64xf32, #tpu.memory_space<hbm>> -> memref<1000000x64xf32, #tpu.memory_space<hbm>>
      tpu.enqueue_indirect_dma source(%dma_start3A_845 : memref<1000000x64xf32, #tpu.memory_space<hbm>>) target(%dma_start3A_842 : memref<16x64xf32, #tpu.memory_space<vmem>>) offsets(%get3A_839 : vector<16xi32>) semaphore(%arg8 : memref<!tpu.dma_semaphore, #tpu.memory_space<semaphore_mem>>)
      %add3A_846 = arith.constant 112 : i32
      %add3A_847 = arith.addi %multiple_of3A_768, %add3A_846 : i32
      %get3A_848 = arith.index_cast %add3A_847 : i32 to index
      %get3A_849 = tpu.vector_load %arg5[%get3A_848] {strides = array<i32>} : memref<25600xi32, #tpu.memory_space<vmem>>, vector<16xi32>,
      %get3A_850 = vector.shape_cast %get3A_849 : vector<16xi32> to vector<16xi32>
      %dma_start3A_851 = arith.constant 112 : i32
      %dma_start3A_852 = arith.constant 0 : i32
      %dma_start3A_853 = tpu.memref_slice %arg6[%dma_start3A_851, %dma_start3A_852] : memref<512x64xf32, #tpu.memory_space<vmem>> -> memref<16x64xf32, #tpu.memory_space<vmem>>
      %dma_start3A_854 = arith.constant 0 : i32
      %dma_start3A_855 = arith.constant 0 : i32
      %dma_start3A_856 = tpu.memref_slice %arg2[%dma_start3A_854, %dma_start3A_855] : memref<1000000x64xf32, #tpu.memory_space<hbm>> -> memref<1000000x64xf32, #tpu.memory_space<hbm>>
      tpu.enqueue_indirect_dma source(%dma_start3A_856 : memref<1000000x64xf32, #tpu.memory_space<hbm>>) target(%dma_start3A_853 : memref<16x64xf32, #tpu.memory_space<vmem>>) offsets(%get3A_850 : vector<16xi32>) semaphore(%arg8 : memref<!tpu.dma_semaphore, #tpu.memory_space<semaphore_mem>>)
      %add3A_857 = arith.constant 128 : i32
      %add3A_858 = arith.addi %multiple_of3A_768, %add3A_857 : i32
      %get3A_859 = arith.index_cast %add3A_858 : i32 to index
      %get3A_860 = tpu.vector_load %arg5[%get3A_859] {strides = array<i32>} : memref<25600xi32, #tpu.memory_space<vmem>>, vector<16xi32>,
      %get3A_861 = vector.shape_cast %get3A_860 : vector<16xi32> to vector<16xi32>
      %dma_start3A_862 = arith.constant 128 : i32
      %dma_start3A_863 = arith.constant 0 : i32
      %dma_start3A_864 = tpu.memref_slice %arg6[%dma_start3A_862, %dma_start3A_863] : memref<512x64xf32, #tpu.memory_space<vmem>> -> memref<16x64xf32, #tpu.memory_space<vmem>>
      %dma_start3A_865 = arith.constant 0 : i32
      %dma_start3A_866 = arith.constant 0 : i32
      %dma_start3A_867 = tpu.memref_slice %arg2[%dma_start3A_865, %dma_start3A_866] : memref<1000000x64xf32, #tpu.memory_space<hbm>> -> memref<1000000x64xf32, #tpu.memory_space<hbm>>
      tpu.enqueue_indirect_dma source(%dma_start3A_867 : memref<1000000x64xf32, #tpu.memory_space<hbm>>) target(%dma_start3A_864 : memref<16x64xf32, #tpu.memory_space<vmem>>) offsets(%get3A_861 : vector<16xi32>) semaphore(%arg8 : memref<!tpu.dma_semaphore, #tpu.memory_space<semaphore_mem>>)
      %add3A_868 = arith.constant 144 : i32
      %add3A_869 = arith.addi %multiple_of3A_768, %add3A_868 : i32
      %get3A_870 = arith.index_cast %add3A_869 : i32 to index
      %get3A_871 = tpu.vector_load %arg5[%get3A_870] {strides = array<i32>} : memref<25600xi32, #tpu.memory_space<vmem>>, vector<16xi32>,
      %get3A_872 = vector.shape_cast %get3A_871 : vector<16xi32> to vector<16xi32>
      %dma_start3A_873 = arith.constant 144 : i32
      %dma_start3A_874 = arith.constant 0 : i32
      %dma_start3A_875 = tpu.memref_slice %arg6[%dma_start3A_873, %dma_start3A_874] : memref<512x64xf32, #tpu.memory_space<vmem>> -> memref<16x64xf32, #tpu.memory_space<vmem>>
      %dma_start3A_876 = arith.constant 0 : i32
      %dma_start3A_877 = arith.constant 0 : i32
      %dma_start3A_878 = tpu.memref_slice %arg2[%dma_start3A_876, %dma_start3A_877] : memref<1000000x64xf32, #tpu.memory_space<hbm>> -> memref<1000000x64xf32, #tpu.memory_space<hbm>>
      tpu.enqueue_indirect_dma source(%dma_start3A_878 : memref<1000000x64xf32, #tpu.memory_space<hbm>>) target(%dma_start3A_875 : memref<16x64xf32, #tpu.memory_space<vmem>>) offsets(%get3A_872 : vector<16xi32>) semaphore(%arg8 : memref<!tpu.dma_semaphore, #tpu.memory_space<semaphore_mem>>)
      %add3A_879 = arith.constant 160 : i32
      %add3A_880 = arith.addi %multiple_of3A_768, %add3A_879 : i32
      %get3A_881 = arith.index_cast %add3A_880 : i32 to index
      %get3A_882 = tpu.vector_load %arg5[%get3A_881] {strides = array<i32>} : memref<25600xi32, #tpu.memory_space<vmem>>, vector<16xi32>,
      %get3A_883 = vector.shape_cast %get3A_882 : vector<16xi32> to vector<16xi32>
      %dma_start3A_884 = arith.constant 160 : i32
      %dma_start3A_885 = arith.constant 0 : i32
      %dma_start3A_886 = tpu.memref_slice %arg6[%dma_start3A_884, %dma_start3A_885] : memref<512x64xf32, #tpu.memory_space<vmem>> -> memref<16x64xf32, #tpu.memory_space<vmem>>
      %dma_start3A_887 = arith.constant 0 : i32
      %dma_start3A_888 = arith.constant 0 : i32
      %dma_start3A_889 = tpu.memref_slice %arg2[%dma_start3A_887, %dma_start3A_888] : memref<1000000x64xf32, #tpu.memory_space<hbm>> -> memref<1000000x64xf32, #tpu.memory_space<hbm>>
      tpu.enqueue_indirect_dma source(%dma_start3A_889 : memref<1000000x64xf32, #tpu.memory_space<hbm>>) target(%dma_start3A_886 : memref<16x64xf32, #tpu.memory_space<vmem>>) offsets(%get3A_883 : vector<16xi32>) semaphore(%arg8 : memref<!tpu.dma_semaphore, #tpu.memory_space<semaphore_mem>>)
      %add3A_890 = arith.constant 176 : i32
      %add3A_891 = arith.addi %multiple_of3A_768, %add3A_890 : i32
      %get3A_892 = arith.index_cast %add3A_891 : i32 to index
      %get3A_893 = tpu.vector_load %arg5[%get3A_892] {strides = array<i32>} : memref<25600xi32, #tpu.memory_space<vmem>>, vector<16xi32>,
      %get3A_894 = vector.shape_cast %get3A_893 : vector<16xi32> to vector<16xi32>
      %dma_start3A_895 = arith.constant 176 : i32
      %dma_start3A_896 = arith.constant 0 : i32
      %dma_start3A_897 = tpu.memref_slice %arg6[%dma_start3A_895, %dma_start3A_896] : memref<512x64xf32, #tpu.memory_space<vmem>> -> memref<16x64xf32, #tpu.memory_space<vmem>>
      %dma_start3A_898 = arith.constant 0 : i32
      %dma_start3A_899 = arith.constant 0 : i32
      %dma_start3A_900 = tpu.memref_slice %arg2[%dma_start3A_898, %dma_start3A_899] : memref<1000000x64xf32, #tpu.memory_space<hbm>> -> memref<1000000x64xf32, #tpu.memory_space<hbm>>
      tpu.enqueue_indirect_dma source(%dma_start3A_900 : memref<1000000x64xf32, #tpu.memory_space<hbm>>) target(%dma_start3A_897 : memref<16x64xf32, #tpu.memory_space<vmem>>) offsets(%get3A_894 : vector<16xi32>) semaphore(%arg8 : memref<!tpu.dma_semaphore, #tpu.memory_space<semaphore_mem>>)
      %add3A_901 = arith.constant 192 : i32
      %add3A_902 = arith.addi %multiple_of3A_768, %add3A_901 : i32
      %get3A_903 = arith.index_cast %add3A_902 : i32 to index
      %get3A_904 = tpu.vector_load %arg5[%get3A_903] {strides = array<i32>} : memref<25600xi32, #tpu.memory_space<vmem>>, vector<16xi32>,
      %get3A_905 = vector.shape_cast %get3A_904 : vector<16xi32> to vector<16xi32>
      %dma_start3A_906 = arith.constant 192 : i32
      %dma_start3A_907 = arith.constant 0 : i32
      %dma_start3A_908 = tpu.memref_slice %arg6[%dma_start3A_906, %dma_start3A_907] : memref<512x64xf32, #tpu.memory_space<vmem>> -> memref<16x64xf32, #tpu.memory_space<vmem>>
      %dma_start3A_909 = arith.constant 0 : i32
      %dma_start3A_910 = arith.constant 0 : i32
      %dma_start3A_911 = tpu.memref_slice %arg2[%dma_start3A_909, %dma_start3A_910] : memref<1000000x64xf32, #tpu.memory_space<hbm>> -> memref<1000000x64xf32, #tpu.memory_space<hbm>>
      tpu.enqueue_indirect_dma source(%dma_start3A_911 : memref<1000000x64xf32, #tpu.memory_space<hbm>>) target(%dma_start3A_908 : memref<16x64xf32, #tpu.memory_space<vmem>>) offsets(%get3A_905 : vector<16xi32>) semaphore(%arg8 : memref<!tpu.dma_semaphore, #tpu.memory_space<semaphore_mem>>)
      %add3A_912 = arith.constant 208 : i32
      %add3A_913 = arith.addi %multiple_of3A_768, %add3A_912 : i32
      %get3A_914 = arith.index_cast %add3A_913 : i32 to index
      %get3A_915 = tpu.vector_load %arg5[%get3A_914] {strides = array<i32>} : memref<25600xi32, #tpu.memory_space<vmem>>, vector<16xi32>,
      %get3A_916 = vector.shape_cast %get3A_915 : vector<16xi32> to vector<16xi32>
      %dma_start3A_917 = arith.constant 208 : i32
      %dma_start3A_918 = arith.constant 0 : i32
      %dma_start3A_919 = tpu.memref_slice %arg6[%dma_start3A_917, %dma_start3A_918] : memref<512x64xf32, #tpu.memory_space<vmem>> -> memref<16x64xf32, #tpu.memory_space<vmem>>
      %dma_start3A_920 = arith.constant 0 : i32
      %dma_start3A_921 = arith.constant 0 : i32
      %dma_start3A_922 = tpu.memref_slice %arg2[%dma_start3A_920, %dma_start3A_921] : memref<1000000x64xf32, #tpu.memory_space<hbm>> -> memref<1000000x64xf32, #tpu.memory_space<hbm>>
      tpu.enqueue_indirect_dma source(%dma_start3A_922 : memref<1000000x64xf32, #tpu.memory_space<hbm>>) target(%dma_start3A_919 : memref<16x64xf32, #tpu.memory_space<vmem>>) offsets(%get3A_916 : vector<16xi32>) semaphore(%arg8 : memref<!tpu.dma_semaphore, #tpu.memory_space<semaphore_mem>>)
      %add3A_923 = arith.constant 224 : i32
      %add3A_924 = arith.addi %multiple_of3A_768, %add3A_923 : i32
      %get3A_925 = arith.index_cast %add3A_924 : i32 to index
      %get3A_926 = tpu.vector_load %arg5[%get3A_925] {strides = array<i32>} : memref<25600xi32, #tpu.memory_space<vmem>>, vector<16xi32>,
      %get3A_927 = vector.shape_cast %get3A_926 : vector<16xi32> to vector<16xi32>
      %dma_start3A_928 = arith.constant 224 : i32
      %dma_start3A_929 = arith.constant 0 : i32
      %dma_start3A_930 = tpu.memref_slice %arg6[%dma_start3A_928, %dma_start3A_929] : memref<512x64xf32, #tpu.memory_space<vmem>> -> memref<16x64xf32, #tpu.memory_space<vmem>>
      %dma_start3A_931 = arith.constant 0 : i32
      %dma_start3A_932 = arith.constant 0 : i32
      %dma_start3A_933 = tpu.memref_slice %arg2[%dma_start3A_931, %dma_start3A_932] : memref<1000000x64xf32, #tpu.memory_space<hbm>> -> memref<1000000x64xf32, #tpu.memory_space<hbm>>
      tpu.enqueue_indirect_dma source(%dma_start3A_933 : memref<1000000x64xf32, #tpu.memory_space<hbm>>) target(%dma_start3A_930 : memref<16x64xf32, #tpu.memory_space<vmem>>) offsets(%get3A_927 : vector<16xi32>) semaphore(%arg8 : memref<!tpu.dma_semaphore, #tpu.memory_space<semaphore_mem>>)
      %add3A_934 = arith.constant 240 : i32
      %add3A_935 = arith.addi %multiple_of3A_768, %add3A_934 : i32
      %get3A_936 = arith.index_cast %add3A_935 : i32 to index
      %get3A_937 = tpu.vector_load %arg5[%get3A_936] {strides = array<i32>} : memref<25600xi32, #tpu.memory_space<vmem>>, vector<16xi32>,
      %get3A_938 = vector.shape_cast %get3A_937 : vector<16xi32> to vector<16xi32>
      %dma_start3A_939 = arith.constant 240 : i32
      %dma_start3A_940 = arith.constant 0 : i32
      %dma_start3A_941 = tpu.memref_slice %arg6[%dma_start3A_939, %dma_start3A_940] : memref<512x64xf32, #tpu.memory_space<vmem>> -> memref<16x64xf32, #tpu.memory_space<vmem>>
      %dma_start3A_942 = arith.constant 0 : i32
      %dma_start3A_943 = arith.constant 0 : i32
      %dma_start3A_944 = tpu.memref_slice %arg2[%dma_start3A_942, %dma_start3A_943] : memref<1000000x64xf32, #tpu.memory_space<hbm>> -> memref<1000000x64xf32, #tpu.memory_space<hbm>>
      tpu.enqueue_indirect_dma source(%dma_start3A_944 : memref<1000000x64xf32, #tpu.memory_space<hbm>>) target(%dma_start3A_941 : memref<16x64xf32, #tpu.memory_space<vmem>>) offsets(%get3A_938 : vector<16xi32>) semaphore(%arg8 : memref<!tpu.dma_semaphore, #tpu.memory_space<semaphore_mem>>)
      %add3A_945 = arith.constant 256 : i32
      %add3A_946 = arith.addi %multiple_of3A_768, %add3A_945 : i32
      %get3A_947 = arith.index_cast %add3A_946 : i32 to index
      %get3A_948 = tpu.vector_load %arg5[%get3A_947] {strides = array<i32>} : memref<25600xi32, #tpu.memory_space<vmem>>, vector<16xi32>,
      %get3A_949 = vector.shape_cast %get3A_948 : vector<16xi32> to vector<16xi32>
      %dma_start3A_950 = arith.constant 256 : i32
      %dma_start3A_951 = arith.constant 0 : i32
      %dma_start3A_952 = tpu.memref_slice %arg6[%dma_start3A_950, %dma_start3A_951] : memref<512x64xf32, #tpu.memory_space<vmem>> -> memref<16x64xf32, #tpu.memory_space<vmem>>
      %dma_start3A_953 = arith.constant 0 : i32
      %dma_start3A_954 = arith.constant 0 : i32
      %dma_start3A_955 = tpu.memref_slice %arg2[%dma_start3A_953, %dma_start3A_954] : memref<1000000x64xf32, #tpu.memory_space<hbm>> -> memref<1000000x64xf32, #tpu.memory_space<hbm>>
      tpu.enqueue_indirect_dma source(%dma_start3A_955 : memref<1000000x64xf32, #tpu.memory_space<hbm>>) target(%dma_start3A_952 : memref<16x64xf32, #tpu.memory_space<vmem>>) offsets(%get3A_949 : vector<16xi32>) semaphore(%arg8 : memref<!tpu.dma_semaphore, #tpu.memory_space<semaphore_mem>>)
      %add3A_956 = arith.constant 272 : i32
      %add3A_957 = arith.addi %multiple_of3A_768, %add3A_956 : i32
      %get3A_958 = arith.index_cast %add3A_957 : i32 to index
      %get3A_959 = tpu.vector_load %arg5[%get3A_958] {strides = array<i32>} : memref<25600xi32, #tpu.memory_space<vmem>>, vector<16xi32>,
      %get3A_960 = vector.shape_cast %get3A_959 : vector<16xi32> to vector<16xi32>
      %dma_start3A_961 = arith.constant 272 : i32
      %dma_start3A_962 = arith.constant 0 : i32
      %dma_start3A_963 = tpu.memref_slice %arg6[%dma_start3A_961, %dma_start3A_962] : memref<512x64xf32, #tpu.memory_space<vmem>> -> memref<16x64xf32, #tpu.memory_space<vmem>>
      %dma_start3A_964 = arith.constant 0 : i32
      %dma_start3A_965 = arith.constant 0 : i32
      %dma_start3A_966 = tpu.memref_slice %arg2[%dma_start3A_964, %dma_start3A_965] : memref<1000000x64xf32, #tpu.memory_space<hbm>> -> memref<1000000x64xf32, #tpu.memory_space<hbm>>
      tpu.enqueue_indirect_dma source(%dma_start3A_966 : memref<1000000x64xf32, #tpu.memory_space<hbm>>) target(%dma_start3A_963 : memref<16x64xf32, #tpu.memory_space<vmem>>) offsets(%get3A_960 : vector<16xi32>) semaphore(%arg8 : memref<!tpu.dma_semaphore, #tpu.memory_space<semaphore_mem>>)
      %add3A_967 = arith.constant 288 : i32
      %add3A_968 = arith.addi %multiple_of3A_768, %add3A_967 : i32
      %get3A_969 = arith.index_cast %add3A_968 : i32 to index
      %get3A_970 = tpu.vector_load %arg5[%get3A_969] {strides = array<i32>} : memref<25600xi32, #tpu.memory_space<vmem>>, vector<16xi32>,
      %get3A_971 = vector.shape_cast %get3A_970 : vector<16xi32> to vector<16xi32>
      %dma_start3A_972 = arith.constant 288 : i32
      %dma_start3A_973 = arith.constant 0 : i32
      %dma_start3A_974 = tpu.memref_slice %arg6[%dma_start3A_972, %dma_start3A_973] : memref<512x64xf32, #tpu.memory_space<vmem>> -> memref<16x64xf32, #tpu.memory_space<vmem>>
      %dma_start3A_975 = arith.constant 0 : i32
      %dma_start3A_976 = arith.constant 0 : i32
      %dma_start3A_977 = tpu.memref_slice %arg2[%dma_start3A_975, %dma_start3A_976] : memref<1000000x64xf32, #tpu.memory_space<hbm>> -> memref<1000000x64xf32, #tpu.memory_space<hbm>>
      tpu.enqueue_indirect_dma source(%dma_start3A_977 : memref<1000000x64xf32, #tpu.memory_space<hbm>>) target(%dma_start3A_974 : memref<16x64xf32, #tpu.memory_space<vmem>>) offsets(%get3A_971 : vector<16xi32>) semaphore(%arg8 : memref<!tpu.dma_semaphore, #tpu.memory_space<semaphore_mem>>)
      %add3A_978 = arith.constant 304 : i32
      %add3A_979 = arith.addi %multiple_of3A_768, %add3A_978 : i32
      %get3A_980 = arith.index_cast %add3A_979 : i32 to index
      %get3A_981 = tpu.vector_load %arg5[%get3A_980] {strides = array<i32>} : memref<25600xi32, #tpu.memory_space<vmem>>, vector<16xi32>,
      %get3A_982 = vector.shape_cast %get3A_981 : vector<16xi32> to vector<16xi32>
      %dma_start3A_983 = arith.constant 304 : i32
      %dma_start3A_984 = arith.constant 0 : i32
      %dma_start3A_985 = tpu.memref_slice %arg6[%dma_start3A_983, %dma_start3A_984] : memref<512x64xf32, #tpu.memory_space<vmem>> -> memref<16x64xf32, #tpu.memory_space<vmem>>
      %dma_start3A_986 = arith.constant 0 : i32
      %dma_start3A_987 = arith.constant 0 : i32
      %dma_start3A_988 = tpu.memref_slice %arg2[%dma_start3A_986, %dma_start3A_987] : memref<1000000x64xf32, #tpu.memory_space<hbm>> -> memref<1000000x64xf32, #tpu.memory_space<hbm>>
      tpu.enqueue_indirect_dma source(%dma_start3A_988 : memref<1000000x64xf32, #tpu.memory_space<hbm>>) target(%dma_start3A_985 : memref<16x64xf32, #tpu.memory_space<vmem>>) offsets(%get3A_982 : vector<16xi32>) semaphore(%arg8 : memref<!tpu.dma_semaphore, #tpu.memory_space<semaphore_mem>>)
      %add3A_989 = arith.constant 320 : i32
      %add3A_990 = arith.addi %multiple_of3A_768, %add3A_989 : i32
      %get3A_991 = arith.index_cast %add3A_990 : i32 to index
      %get3A_992 = tpu.vector_load %arg5[%get3A_991] {strides = array<i32>} : memref<25600xi32, #tpu.memory_space<vmem>>, vector<16xi32>,
      %get3A_993 = vector.shape_cast %get3A_992 : vector<16xi32> to vector<16xi32>
      %dma_start3A_994 = arith.constant 320 : i32
      %dma_start3A_995 = arith.constant 0 : i32
      %dma_start3A_996 = tpu.memref_slice %arg6[%dma_start3A_994, %dma_start3A_995] : memref<512x64xf32, #tpu.memory_space<vmem>> -> memref<16x64xf32, #tpu.memory_space<vmem>>
      %dma_start3A_997 = arith.constant 0 : i32
      %dma_start3A_998 = arith.constant 0 : i32
      %dma_start3A_999 = tpu.memref_slice %arg2[%dma_start3A_997, %dma_start3A_998] : memref<1000000x64xf32, #tpu.memory_space<hbm>> -> memref<1000000x64xf32, #tpu.memory_space<hbm>>
      tpu.enqueue_indirect_dma source(%dma_start3A_999 : memref<1000000x64xf32, #tpu.memory_space<hbm>>) target(%dma_start3A_996 : memref<16x64xf32, #tpu.memory_space<vmem>>) offsets(%get3A_993 : vector<16xi32>) semaphore(%arg8 : memref<!tpu.dma_semaphore, #tpu.memory_space<semaphore_mem>>)
      %add3A_1000 = arith.constant 336 : i32
      %add3A_1001 = arith.addi %multiple_of3A_768, %add3A_1000 : i32
      %get3A_1002 = arith.index_cast %add3A_1001 : i32 to index
      %get3A_1003 = tpu.vector_load %arg5[%get3A_1002] {strides = array<i32>} : memref<25600xi32, #tpu.memory_space<vmem>>, vector<16xi32>,
      %get3A_1004 = vector.shape_cast %get3A_1003 : vector<16xi32> to vector<16xi32>
      %dma_start3A_1005 = arith.constant 336 : i32
      %dma_start3A_1006 = arith.constant 0 : i32
      %dma_start3A_1007 = tpu.memref_slice %arg6[%dma_start3A_1005, %dma_start3A_1006] : memref<512x64xf32, #tpu.memory_space<vmem>> -> memref<16x64xf32, #tpu.memory_space<vmem>>
      %dma_start3A_1008 = arith.constant 0 : i32
      %dma_start3A_1009 = arith.constant 0 : i32
      %dma_start3A_1010 = tpu.memref_slice %arg2[%dma_start3A_1008, %dma_start3A_1009] : memref<1000000x64xf32, #tpu.memory_space<hbm>> -> memref<1000000x64xf32, #tpu.memory_space<hbm>>
      tpu.enqueue_indirect_dma source(%dma_start3A_1010 : memref<1000000x64xf32, #tpu.memory_space<hbm>>) target(%dma_start3A_1007 : memref<16x64xf32, #tpu.memory_space<vmem>>) offsets(%get3A_1004 : vector<16xi32>) semaphore(%arg8 : memref<!tpu.dma_semaphore, #tpu.memory_space<semaphore_mem>>)
      %add3A_1011 = arith.constant 352 : i32
      %add3A_1012 = arith.addi %multiple_of3A_768, %add3A_1011 : i32
      %get3A_1013 = arith.index_cast %add3A_1012 : i32 to index
      %get3A_1014 = tpu.vector_load %arg5[%get3A_1013] {strides = array<i32>} : memref<25600xi32, #tpu.memory_space<vmem>>, vector<16xi32>,
      %get3A_1015 = vector.shape_cast %get3A_1014 : vector<16xi32> to vector<16xi32>
      %dma_start3A_1016 = arith.constant 352 : i32
      %dma_start3A_1017 = arith.constant 0 : i32
      %dma_start3A_1018 = tpu.memref_slice %arg6[%dma_start3A_1016, %dma_start3A_1017] : memref<512x64xf32, #tpu.memory_space<vmem>> -> memref<16x64xf32, #tpu.memory_space<vmem>>
      %dma_start3A_1019 = arith.constant 0 : i32
      %dma_start3A_1020 = arith.constant 0 : i32
      %dma_start3A_1021 = tpu.memref_slice %arg2[%dma_start3A_1019, %dma_start3A_1020] : memref<1000000x64xf32, #tpu.memory_space<hbm>> -> memref<1000000x64xf32, #tpu.memory_space<hbm>>
      tpu.enqueue_indirect_dma source(%dma_start3A_1021 : memref<1000000x64xf32, #tpu.memory_space<hbm>>) target(%dma_start3A_1018 : memref<16x64xf32, #tpu.memory_space<vmem>>) offsets(%get3A_1015 : vector<16xi32>) semaphore(%arg8 : memref<!tpu.dma_semaphore, #tpu.memory_space<semaphore_mem>>)
      %add3A_1022 = arith.constant 368 : i32
      %add3A_1023 = arith.addi %multiple_of3A_768, %add3A_1022 : i32
      %get3A_1024 = arith.index_cast %add3A_1023 : i32 to index
      %get3A_1025 = tpu.vector_load %arg5[%get3A_1024] {strides = array<i32>} : memref<25600xi32, #tpu.memory_space<vmem>>, vector<16xi32>,
      %get3A_1026 = vector.shape_cast %get3A_1025 : vector<16xi32> to vector<16xi32>
      %dma_start3A_1027 = arith.constant 368 : i32
      %dma_start3A_1028 = arith.constant 0 : i32
      %dma_start3A_1029 = tpu.memref_slice %arg6[%dma_start3A_1027, %dma_start3A_1028] : memref<512x64xf32, #tpu.memory_space<vmem>> -> memref<16x64xf32, #tpu.memory_space<vmem>>
      %dma_start3A_1030 = arith.constant 0 : i32
      %dma_start3A_1031 = arith.constant 0 : i32
      %dma_start3A_1032 = tpu.memref_slice %arg2[%dma_start3A_1030, %dma_start3A_1031] : memref<1000000x64xf32, #tpu.memory_space<hbm>> -> memref<1000000x64xf32, #tpu.memory_space<hbm>>
      tpu.enqueue_indirect_dma source(%dma_start3A_1032 : memref<1000000x64xf32, #tpu.memory_space<hbm>>) target(%dma_start3A_1029 : memref<16x64xf32, #tpu.memory_space<vmem>>) offsets(%get3A_1026 : vector<16xi32>) semaphore(%arg8 : memref<!tpu.dma_semaphore, #tpu.memory_space<semaphore_mem>>)
      %add3A_1033 = arith.constant 384 : i32
      %add3A_1034 = arith.addi %multiple_of3A_768, %add3A_1033 : i32
      %get3A_1035 = arith.index_cast %add3A_1034 : i32 to index
      %get3A_1036 = tpu.vector_load %arg5[%get3A_1035] {strides = array<i32>} : memref<25600xi32, #tpu.memory_space<vmem>>, vector<16xi32>,
      %get3A_1037 = vector.shape_cast %get3A_1036 : vector<16xi32> to vector<16xi32>
      %dma_start3A_1038 = arith.constant 384 : i32
      %dma_start3A_1039 = arith.constant 0 : i32
      %dma_start3A_1040 = tpu.memref_slice %arg6[%dma_start3A_1038, %dma_start3A_1039] : memref<512x64xf32, #tpu.memory_space<vmem>> -> memref<16x64xf32, #tpu.memory_space<vmem>>
      %dma_start3A_1041 = arith.constant 0 : i32
      %dma_start3A_1042 = arith.constant 0 : i32
      %dma_start3A_1043 = tpu.memref_slice %arg2[%dma_start3A_1041, %dma_start3A_1042] : memref<1000000x64xf32, #tpu.memory_space<hbm>> -> memref<1000000x64xf32, #tpu.memory_space<hbm>>
      tpu.enqueue_indirect_dma source(%dma_start3A_1043 : memref<1000000x64xf32, #tpu.memory_space<hbm>>) target(%dma_start3A_1040 : memref<16x64xf32, #tpu.memory_space<vmem>>) offsets(%get3A_1037 : vector<16xi32>) semaphore(%arg8 : memref<!tpu.dma_semaphore, #tpu.memory_space<semaphore_mem>>)
      %add3A_1044 = arith.constant 400 : i32
      %add3A_1045 = arith.addi %multiple_of3A_768, %add3A_1044 : i32
      %get3A_1046 = arith.index_cast %add3A_1045 : i32 to index
      %get3A_1047 = tpu.vector_load %arg5[%get3A_1046] {strides = array<i32>} : memref<25600xi32, #tpu.memory_space<vmem>>, vector<16xi32>,
      %get3A_1048 = vector.shape_cast %get3A_1047 : vector<16xi32> to vector<16xi32>
      %dma_start3A_1049 = arith.constant 400 : i32
      %dma_start3A_1050 = arith.constant 0 : i32
      %dma_start3A_1051 = tpu.memref_slice %arg6[%dma_start3A_1049, %dma_start3A_1050] : memref<512x64xf32, #tpu.memory_space<vmem>> -> memref<16x64xf32, #tpu.memory_space<vmem>>
      %dma_start3A_1052 = arith.constant 0 : i32
      %dma_start3A_1053 = arith.constant 0 : i32
      %dma_start3A_1054 = tpu.memref_slice %arg2[%dma_start3A_1052, %dma_start3A_1053] : memref<1000000x64xf32, #tpu.memory_space<hbm>> -> memref<1000000x64xf32, #tpu.memory_space<hbm>>
      tpu.enqueue_indirect_dma source(%dma_start3A_1054 : memref<1000000x64xf32, #tpu.memory_space<hbm>>) target(%dma_start3A_1051 : memref<16x64xf32, #tpu.memory_space<vmem>>) offsets(%get3A_1048 : vector<16xi32>) semaphore(%arg8 : memref<!tpu.dma_semaphore, #tpu.memory_space<semaphore_mem>>)
      %add3A_1055 = arith.constant 416 : i32
      %add3A_1056 = arith.addi %multiple_of3A_768, %add3A_1055 : i32
      %get3A_1057 = arith.index_cast %add3A_1056 : i32 to index
      %get3A_1058 = tpu.vector_load %arg5[%get3A_1057] {strides = array<i32>} : memref<25600xi32, #tpu.memory_space<vmem>>, vector<16xi32>,
      %get3A_1059 = vector.shape_cast %get3A_1058 : vector<16xi32> to vector<16xi32>
      %dma_start3A_1060 = arith.constant 416 : i32
      %dma_start3A_1061 = arith.constant 0 : i32
      %dma_start3A_1062 = tpu.memref_slice %arg6[%dma_start3A_1060, %dma_start3A_1061] : memref<512x64xf32, #tpu.memory_space<vmem>> -> memref<16x64xf32, #tpu.memory_space<vmem>>
      %dma_start3A_1063 = arith.constant 0 : i32
      %dma_start3A_1064 = arith.constant 0 : i32
      %dma_start3A_1065 = tpu.memref_slice %arg2[%dma_start3A_1063, %dma_start3A_1064] : memref<1000000x64xf32, #tpu.memory_space<hbm>> -> memref<1000000x64xf32, #tpu.memory_space<hbm>>
      tpu.enqueue_indirect_dma source(%dma_start3A_1065 : memref<1000000x64xf32, #tpu.memory_space<hbm>>) target(%dma_start3A_1062 : memref<16x64xf32, #tpu.memory_space<vmem>>) offsets(%get3A_1059 : vector<16xi32>) semaphore(%arg8 : memref<!tpu.dma_semaphore, #tpu.memory_space<semaphore_mem>>)
      %add3A_1066 = arith.constant 432 : i32
      %add3A_1067 = arith.addi %multiple_of3A_768, %add3A_1066 : i32
      %get3A_1068 = arith.index_cast %add3A_1067 : i32 to index
      %get3A_1069 = tpu.vector_load %arg5[%get3A_1068] {strides = array<i32>} : memref<25600xi32, #tpu.memory_space<vmem>>, vector<16xi32>,
      %get3A_1070 = vector.shape_cast %get3A_1069 : vector<16xi32> to vector<16xi32>
      %dma_start3A_1071 = arith.constant 432 : i32
      %dma_start3A_1072 = arith.constant 0 : i32
      %dma_start3A_1073 = tpu.memref_slice %arg6[%dma_start3A_1071, %dma_start3A_1072] : memref<512x64xf32, #tpu.memory_space<vmem>> -> memref<16x64xf32, #tpu.memory_space<vmem>>
      %dma_start3A_1074 = arith.constant 0 : i32
      %dma_start3A_1075 = arith.constant 0 : i32
      %dma_start3A_1076 = tpu.memref_slice %arg2[%dma_start3A_1074, %dma_start3A_1075] : memref<1000000x64xf32, #tpu.memory_space<hbm>> -> memref<1000000x64xf32, #tpu.memory_space<hbm>>
      tpu.enqueue_indirect_dma source(%dma_start3A_1076 : memref<1000000x64xf32, #tpu.memory_space<hbm>>) target(%dma_start3A_1073 : memref<16x64xf32, #tpu.memory_space<vmem>>) offsets(%get3A_1070 : vector<16xi32>) semaphore(%arg8 : memref<!tpu.dma_semaphore, #tpu.memory_space<semaphore_mem>>)
      %add3A_1077 = arith.constant 448 : i32
      %add3A_1078 = arith.addi %multiple_of3A_768, %add3A_1077 : i32
      %get3A_1079 = arith.index_cast %add3A_1078 : i32 to index
      %get3A_1080 = tpu.vector_load %arg5[%get3A_1079] {strides = array<i32>} : memref<25600xi32, #tpu.memory_space<vmem>>, vector<16xi32>,
      %get3A_1081 = vector.shape_cast %get3A_1080 : vector<16xi32> to vector<16xi32>
      %dma_start3A_1082 = arith.constant 448 : i32
      %dma_start3A_1083 = arith.constant 0 : i32
      %dma_start3A_1084 = tpu.memref_slice %arg6[%dma_start3A_1082, %dma_start3A_1083] : memref<512x64xf32, #tpu.memory_space<vmem>> -> memref<16x64xf32, #tpu.memory_space<vmem>>
      %dma_start3A_1085 = arith.constant 0 : i32
      %dma_start3A_1086 = arith.constant 0 : i32
      %dma_start3A_1087 = tpu.memref_slice %arg2[%dma_start3A_1085, %dma_start3A_1086] : memref<1000000x64xf32, #tpu.memory_space<hbm>> -> memref<1000000x64xf32, #tpu.memory_space<hbm>>
      tpu.enqueue_indirect_dma source(%dma_start3A_1087 : memref<1000000x64xf32, #tpu.memory_space<hbm>>) target(%dma_start3A_1084 : memref<16x64xf32, #tpu.memory_space<vmem>>) offsets(%get3A_1081 : vector<16xi32>) semaphore(%arg8 : memref<!tpu.dma_semaphore, #tpu.memory_space<semaphore_mem>>)
      %add3A_1088 = arith.constant 464 : i32
      %add3A_1089 = arith.addi %multiple_of3A_768, %add3A_1088 : i32
      %get3A_1090 = arith.index_cast %add3A_1089 : i32 to index
      %get3A_1091 = tpu.vector_load %arg5[%get3A_1090] {strides = array<i32>} : memref<25600xi32, #tpu.memory_space<vmem>>, vector<16xi32>,
      %get3A_1092 = vector.shape_cast %get3A_1091 : vector<16xi32> to vector<16xi32>
      %dma_start3A_1093 = arith.constant 464 : i32
      %dma_start3A_1094 = arith.constant 0 : i32
      %dma_start3A_1095 = tpu.memref_slice %arg6[%dma_start3A_1093, %dma_start3A_1094] : memref<512x64xf32, #tpu.memory_space<vmem>> -> memref<16x64xf32, #tpu.memory_space<vmem>>
      %dma_start3A_1096 = arith.constant 0 : i32
      %dma_start3A_1097 = arith.constant 0 : i32
      %dma_start3A_1098 = tpu.memref_slice %arg2[%dma_start3A_1096, %dma_start3A_1097] : memref<1000000x64xf32, #tpu.memory_space<hbm>> -> memref<1000000x64xf32, #tpu.memory_space<hbm>>
      tpu.enqueue_indirect_dma source(%dma_start3A_1098 : memref<1000000x64xf32, #tpu.memory_space<hbm>>) target(%dma_start3A_1095 : memref<16x64xf32, #tpu.memory_space<vmem>>) offsets(%get3A_1092 : vector<16xi32>) semaphore(%arg8 : memref<!tpu.dma_semaphore, #tpu.memory_space<semaphore_mem>>)
      %add3A_1099 = arith.constant 480 : i32
      %add3A_1100 = arith.addi %multiple_of3A_768, %add3A_1099 : i32
      %get3A_1101 = arith.index_cast %add3A_1100 : i32 to index
      %get3A_1102 = tpu.vector_load %arg5[%get3A_1101] {strides = array<i32>} : memref<25600xi32, #tpu.memory_space<vmem>>, vector<16xi32>,
      %get3A_1103 = vector.shape_cast %get3A_1102 : vector<16xi32> to vector<16xi32>
      %dma_start3A_1104 = arith.constant 480 : i32
      %dma_start3A_1105 = arith.constant 0 : i32
      %dma_start3A_1106 = tpu.memref_slice %arg6[%dma_start3A_1104, %dma_start3A_1105] : memref<512x64xf32, #tpu.memory_space<vmem>> -> memref<16x64xf32, #tpu.memory_space<vmem>>
      %dma_start3A_1107 = arith.constant 0 : i32
      %dma_start3A_1108 = arith.constant 0 : i32
      %dma_start3A_1109 = tpu.memref_slice %arg2[%dma_start3A_1107, %dma_start3A_1108] : memref<1000000x64xf32, #tpu.memory_space<hbm>> -> memref<1000000x64xf32, #tpu.memory_space<hbm>>
      tpu.enqueue_indirect_dma source(%dma_start3A_1109 : memref<1000000x64xf32, #tpu.memory_space<hbm>>) target(%dma_start3A_1106 : memref<16x64xf32, #tpu.memory_space<vmem>>) offsets(%get3A_1103 : vector<16xi32>) semaphore(%arg8 : memref<!tpu.dma_semaphore, #tpu.memory_space<semaphore_mem>>)
      %add3A_1110 = arith.constant 496 : i32
      %add3A_1111 = arith.addi %multiple_of3A_768, %add3A_1110 : i32
      %get3A_1112 = arith.index_cast %add3A_1111 : i32 to index
      %get3A_1113 = tpu.vector_load %arg5[%get3A_1112] {strides = array<i32>} : memref<25600xi32, #tpu.memory_space<vmem>>, vector<16xi32>,
      %get3A_1114 = vector.shape_cast %get3A_1113 : vector<16xi32> to vector<16xi32>
      %dma_start3A_1115 = arith.constant 496 : i32
      %dma_start3A_1116 = arith.constant 0 : i32
      %dma_start3A_1117 = tpu.memref_slice %arg6[%dma_start3A_1115, %dma_start3A_1116] : memref<512x64xf32, #tpu.memory_space<vmem>> -> memref<16x64xf32, #tpu.memory_space<vmem>>
      %dma_start3A_1118 = arith.constant 0 : i32
      %dma_start3A_1119 = arith.constant 0 : i32
      %dma_start3A_1120 = tpu.memref_slice %arg2[%dma_start3A_1118, %dma_start3A_1119] : memref<1000000x64xf32, #tpu.memory_space<hbm>> -> memref<1000000x64xf32, #tpu.memory_space<hbm>>
      tpu.enqueue_indirect_dma source(%dma_start3A_1120 : memref<1000000x64xf32, #tpu.memory_space<hbm>>) target(%dma_start3A_1117 : memref<16x64xf32, #tpu.memory_space<vmem>>) offsets(%get3A_1114 : vector<16xi32>) semaphore(%arg8 : memref<!tpu.dma_semaphore, #tpu.memory_space<semaphore_mem>>)
      %dma_wait3A_1121 = arith.constant 0 : i32
      %dma_wait3A_1122 = arith.constant 0 : i32
      %dma_wait3A_1123 = tpu.memref_slice %arg2[%dma_wait3A_1121, %dma_wait3A_1122] : memref<1000000x64xf32, #tpu.memory_space<hbm>> -> memref<512x64xf32, #tpu.memory_space<hbm>>
      %dma_wait3A_1124 = arith.constant 0 : i32
      %dma_wait3A_1125 = arith.constant 0 : i32
      %dma_wait3A_1126 = tpu.memref_slice %arg2[%dma_wait3A_1124, %dma_wait3A_1125] : memref<1000000x64xf32, #tpu.memory_space<hbm>> -> memref<512x64xf32, #tpu.memory_space<hbm>>
      tpu.wait_dma2 semaphore(%arg9 : memref<!tpu.dma_semaphore, #tpu.memory_space<semaphore_mem>>) src(%dma_wait3A_1126 : memref<512x64xf32, #tpu.memory_space<hbm>>) dst(%arg7 : memref<512x64xf32, #tpu.memory_space<vmem>>)
      %mul3A_1127 = arith.constant 512 : i32
      %mul3A_1128 = arith.muli %add3A_757, %mul3A_1127 : i32
      %add3A_1129 = arith.addi %multiple_of3A, %mul3A_1128 : i32
      %multiple_of3A_1130 = tpu.assume_multiple %add3A_1129, 512 : i32
      %dma_start3A_1131 = arith.constant 0 : i32
      %dma_start3A_1132 = tpu.memref_slice %arg4[%multiple_of3A_1130, %dma_start3A_1131] : memref<819200x64xf32, #tpu.memory_space<hbm>> -> memref<512x64xf32, #tpu.memory_space<hbm>>
      %dma_start3A_1133 = arith.constant 0 : i32
      %dma_start3A_1134 = tpu.memref_slice %arg4[%multiple_of3A_1130, %dma_start3A_1133] : memref<819200x64xf32, #tpu.memory_space<hbm>> -> memref<512x64xf32, #tpu.memory_space<hbm>>
      tpu.enqueue_dma source(%arg7 : memref<512x64xf32, #tpu.memory_space<vmem>>) target(%dma_start3A_1134 : memref<512x64xf32, #tpu.memory_space<hbm>>) target_semaphore(%arg11 : memref<!tpu.dma_semaphore, #tpu.memory_space<semaphore_mem>>)
      %mul3A_1135 = arith.constant 2 : i32
      %mul3A_1136 = arith.muli %mul3A_1135, %scan3A_751 : i32
      %add3A_1137 = arith.constant 1 : i32
      %add3A_1138 = arith.addi %mul3A_1136, %add3A_1137 : i32
      %add3A_1139 = arith.constant 1 : i32
      %add3A_1140 = arith.addi %add3A_1138, %add3A_1139 : i32
      %dma_wait3A_1141 = arith.constant 0 : i32
      %dma_wait3A_1142 = arith.constant 0 : i32
      %dma_wait3A_1143 = tpu.memref_slice %arg4[%dma_wait3A_1141, %dma_wait3A_1142] : memref<819200x64xf32, #tpu.memory_space<hbm>> -> memref<512x64xf32, #tpu.memory_space<hbm>>
      %dma_wait3A_1144 = arith.constant 0 : i32
      %dma_wait3A_1145 = arith.constant 0 : i32
      %dma_wait3A_1146 = tpu.memref_slice %arg4[%dma_wait3A_1144, %dma_wait3A_1145] : memref<819200x64xf32, #tpu.memory_space<hbm>> -> memref<512x64xf32, #tpu.memory_space<hbm>>
      tpu.wait_dma2 semaphore(%arg11 : memref<!tpu.dma_semaphore, #tpu.memory_space<semaphore_mem>>) src(%arg7 : memref<512x64xf32, #tpu.memory_space<vmem>>) dst(%dma_wait3A_1146 : memref<512x64xf32, #tpu.memory_space<hbm>>)
      %add3A_1147 = arith.constant 1 : i32
      %add3A_1148 = arith.addi %add3A_1140, %add3A_1147 : i32
      %mul3A_1149 = arith.constant 512 : i32
      %mul3A_1150 = arith.muli %add3A_1148, %mul3A_1149 : i32
      %multiple_of3A_1151 = tpu.assume_multiple %mul3A_1150, 512 : i32
      %add3A_1152 = arith.constant 0 : i32
      %add3A_1153 = arith.addi %multiple_of3A_1151, %add3A_1152 : i32
      %get3A_1154 = arith.index_cast %add3A_1153 : i32 to index
      %get3A_1155 = tpu.vector_load %arg5[%get3A_1154] {strides = array<i32>} : memref<25600xi32, #tpu.memory_space<vmem>>, vector<16xi32>,
      %get3A_1156 = vector.shape_cast %get3A_1155 : vector<16xi32> to vector<16xi32>
      %dma_start3A_1157 = arith.constant 0 : i32
      %dma_start3A_1158 = arith.constant 0 : i32
      %dma_start3A_1159 = tpu.memref_slice %arg7[%dma_start3A_1157, %dma_start3A_1158] : memref<512x64xf32, #tpu.memory_space<vmem>> -> memref<16x64xf32, #tpu.memory_space<vmem>>
      %dma_start3A_1160 = arith.constant 0 : i32
      %dma_start3A_1161 = arith.constant 0 : i32
      %dma_start3A_1162 = tpu.memref_slice %arg2[%dma_start3A_1160, %dma_start3A_1161] : memref<1000000x64xf32, #tpu.memory_space<hbm>> -> memref<1000000x64xf32, #tpu.memory_space<hbm>>
      tpu.enqueue_indirect_dma source(%dma_start3A_1162 : memref<1000000x64xf32, #tpu.memory_space<hbm>>) target(%dma_start3A_1159 : memref<16x64xf32, #tpu.memory_space<vmem>>) offsets(%get3A_1156 : vector<16xi32>) semaphore(%arg9 : memref<!tpu.dma_semaphore, #tpu.memory_space<semaphore_mem>>)
      %add3A_1163 = arith.constant 16 : i32
      %add3A_1164 = arith.addi %multiple_of3A_1151, %add3A_1163 : i32
      %get3A_1165 = arith.index_cast %add3A_1164 : i32 to index
      %get3A_1166 = tpu.vector_load %arg5[%get3A_1165] {strides = array<i32>} : memref<25600xi32, #tpu.memory_space<vmem>>, vector<16xi32>,
      %get3A_1167 = vector.shape_cast %get3A_1166 : vector<16xi32> to vector<16xi32>
      %dma_start3A_1168 = arith.constant 16 : i32
      %dma_start3A_1169 = arith.constant 0 : i32
      %dma_start3A_1170 = tpu.memref_slice %arg7[%dma_start3A_1168, %dma_start3A_1169] : memref<512x64xf32, #tpu.memory_space<vmem>> -> memref<16x64xf32, #tpu.memory_space<vmem>>
      %dma_start3A_1171 = arith.constant 0 : i32
      %dma_start3A_1172 = arith.constant 0 : i32
      %dma_start3A_1173 = tpu.memref_slice %arg2[%dma_start3A_1171, %dma_start3A_1172] : memref<1000000x64xf32, #tpu.memory_space<hbm>> -> memref<1000000x64xf32, #tpu.memory_space<hbm>>
      tpu.enqueue_indirect_dma source(%dma_start3A_1173 : memref<1000000x64xf32, #tpu.memory_space<hbm>>) target(%dma_start3A_1170 : memref<16x64xf32, #tpu.memory_space<vmem>>) offsets(%get3A_1167 : vector<16xi32>) semaphore(%arg9 : memref<!tpu.dma_semaphore, #tpu.memory_space<semaphore_mem>>)
      %add3A_1174 = arith.constant 32 : i32
      %add3A_1175 = arith.addi %multiple_of3A_1151, %add3A_1174 : i32
      %get3A_1176 = arith.index_cast %add3A_1175 : i32 to index
      %get3A_1177 = tpu.vector_load %arg5[%get3A_1176] {strides = array<i32>} : memref<25600xi32, #tpu.memory_space<vmem>>, vector<16xi32>,
      %get3A_1178 = vector.shape_cast %get3A_1177 : vector<16xi32> to vector<16xi32>
      %dma_start3A_1179 = arith.constant 32 : i32
      %dma_start3A_1180 = arith.constant 0 : i32
      %dma_start3A_1181 = tpu.memref_slice %arg7[%dma_start3A_1179, %dma_start3A_1180] : memref<512x64xf32, #tpu.memory_space<vmem>> -> memref<16x64xf32, #tpu.memory_space<vmem>>
      %dma_start3A_1182 = arith.constant 0 : i32
      %dma_start3A_1183 = arith.constant 0 : i32
      %dma_start3A_1184 = tpu.memref_slice %arg2[%dma_start3A_1182, %dma_start3A_1183] : memref<1000000x64xf32, #tpu.memory_space<hbm>> -> memref<1000000x64xf32, #tpu.memory_space<hbm>>
      tpu.enqueue_indirect_dma source(%dma_start3A_1184 : memref<1000000x64xf32, #tpu.memory_space<hbm>>) target(%dma_start3A_1181 : memref<16x64xf32, #tpu.memory_space<vmem>>) offsets(%get3A_1178 : vector<16xi32>) semaphore(%arg9 : memref<!tpu.dma_semaphore, #tpu.memory_space<semaphore_mem>>)
      %add3A_1185 = arith.constant 48 : i32
      %add3A_1186 = arith.addi %multiple_of3A_1151, %add3A_1185 : i32
      %get3A_1187 = arith.index_cast %add3A_1186 : i32 to index
      %get3A_1188 = tpu.vector_load %arg5[%get3A_1187] {strides = array<i32>} : memref<25600xi32, #tpu.memory_space<vmem>>, vector<16xi32>,
      %get3A_1189 = vector.shape_cast %get3A_1188 : vector<16xi32> to vector<16xi32>
      %dma_start3A_1190 = arith.constant 48 : i32
      %dma_start3A_1191 = arith.constant 0 : i32
      %dma_start3A_1192 = tpu.memref_slice %arg7[%dma_start3A_1190, %dma_start3A_1191] : memref<512x64xf32, #tpu.memory_space<vmem>> -> memref<16x64xf32, #tpu.memory_space<vmem>>
      %dma_start3A_1193 = arith.constant 0 : i32
      %dma_start3A_1194 = arith.constant 0 : i32
      %dma_start3A_1195 = tpu.memref_slice %arg2[%dma_start3A_1193, %dma_start3A_1194] : memref<1000000x64xf32, #tpu.memory_space<hbm>> -> memref<1000000x64xf32, #tpu.memory_space<hbm>>
      tpu.enqueue_indirect_dma source(%dma_start3A_1195 : memref<1000000x64xf32, #tpu.memory_space<hbm>>) target(%dma_start3A_1192 : memref<16x64xf32, #tpu.memory_space<vmem>>) offsets(%get3A_1189 : vector<16xi32>) semaphore(%arg9 : memref<!tpu.dma_semaphore, #tpu.memory_space<semaphore_mem>>)
      %add3A_1196 = arith.constant 64 : i32
      %add3A_1197 = arith.addi %multiple_of3A_1151, %add3A_1196 : i32
      %get3A_1198 = arith.index_cast %add3A_1197 : i32 to index
      %get3A_1199 = tpu.vector_load %arg5[%get3A_1198] {strides = array<i32>} : memref<25600xi32, #tpu.memory_space<vmem>>, vector<16xi32>,
      %get3A_1200 = vector.shape_cast %get3A_1199 : vector<16xi32> to vector<16xi32>
      %dma_start3A_1201 = arith.constant 64 : i32
      %dma_start3A_1202 = arith.constant 0 : i32
      %dma_start3A_1203 = tpu.memref_slice %arg7[%dma_start3A_1201, %dma_start3A_1202] : memref<512x64xf32, #tpu.memory_space<vmem>> -> memref<16x64xf32, #tpu.memory_space<vmem>>
      %dma_start3A_1204 = arith.constant 0 : i32
      %dma_start3A_1205 = arith.constant 0 : i32
      %dma_start3A_1206 = tpu.memref_slice %arg2[%dma_start3A_1204, %dma_start3A_1205] : memref<1000000x64xf32, #tpu.memory_space<hbm>> -> memref<1000000x64xf32, #tpu.memory_space<hbm>>
      tpu.enqueue_indirect_dma source(%dma_start3A_1206 : memref<1000000x64xf32, #tpu.memory_space<hbm>>) target(%dma_start3A_1203 : memref<16x64xf32, #tpu.memory_space<vmem>>) offsets(%get3A_1200 : vector<16xi32>) semaphore(%arg9 : memref<!tpu.dma_semaphore, #tpu.memory_space<semaphore_mem>>)
      %add3A_1207 = arith.constant 80 : i32
      %add3A_1208 = arith.addi %multiple_of3A_1151, %add3A_1207 : i32
      %get3A_1209 = arith.index_cast %add3A_1208 : i32 to index
      %get3A_1210 = tpu.vector_load %arg5[%get3A_1209] {strides = array<i32>} : memref<25600xi32, #tpu.memory_space<vmem>>, vector<16xi32>,
      %get3A_1211 = vector.shape_cast %get3A_1210 : vector<16xi32> to vector<16xi32>
      %dma_start3A_1212 = arith.constant 80 : i32
      %dma_start3A_1213 = arith.constant 0 : i32
      %dma_start3A_1214 = tpu.memref_slice %arg7[%dma_start3A_1212, %dma_start3A_1213] : memref<512x64xf32, #tpu.memory_space<vmem>> -> memref<16x64xf32, #tpu.memory_space<vmem>>
      %dma_start3A_1215 = arith.constant 0 : i32
      %dma_start3A_1216 = arith.constant 0 : i32
      %dma_start3A_1217 = tpu.memref_slice %arg2[%dma_start3A_1215, %dma_start3A_1216] : memref<1000000x64xf32, #tpu.memory_space<hbm>> -> memref<1000000x64xf32, #tpu.memory_space<hbm>>
      tpu.enqueue_indirect_dma source(%dma_start3A_1217 : memref<1000000x64xf32, #tpu.memory_space<hbm>>) target(%dma_start3A_1214 : memref<16x64xf32, #tpu.memory_space<vmem>>) offsets(%get3A_1211 : vector<16xi32>) semaphore(%arg9 : memref<!tpu.dma_semaphore, #tpu.memory_space<semaphore_mem>>)
      %add3A_1218 = arith.constant 96 : i32
      %add3A_1219 = arith.addi %multiple_of3A_1151, %add3A_1218 : i32
      %get3A_1220 = arith.index_cast %add3A_1219 : i32 to index
      %get3A_1221 = tpu.vector_load %arg5[%get3A_1220] {strides = array<i32>} : memref<25600xi32, #tpu.memory_space<vmem>>, vector<16xi32>,
      %get3A_1222 = vector.shape_cast %get3A_1221 : vector<16xi32> to vector<16xi32>
      %dma_start3A_1223 = arith.constant 96 : i32
      %dma_start3A_1224 = arith.constant 0 : i32
      %dma_start3A_1225 = tpu.memref_slice %arg7[%dma_start3A_1223, %dma_start3A_1224] : memref<512x64xf32, #tpu.memory_space<vmem>> -> memref<16x64xf32, #tpu.memory_space<vmem>>
      %dma_start3A_1226 = arith.constant 0 : i32
      %dma_start3A_1227 = arith.constant 0 : i32
      %dma_start3A_1228 = tpu.memref_slice %arg2[%dma_start3A_1226, %dma_start3A_1227] : memref<1000000x64xf32, #tpu.memory_space<hbm>> -> memref<1000000x64xf32, #tpu.memory_space<hbm>>
      tpu.enqueue_indirect_dma source(%dma_start3A_1228 : memref<1000000x64xf32, #tpu.memory_space<hbm>>) target(%dma_start3A_1225 : memref<16x64xf32, #tpu.memory_space<vmem>>) offsets(%get3A_1222 : vector<16xi32>) semaphore(%arg9 : memref<!tpu.dma_semaphore, #tpu.memory_space<semaphore_mem>>)
      %add3A_1229 = arith.constant 112 : i32
      %add3A_1230 = arith.addi %multiple_of3A_1151, %add3A_1229 : i32
      %get3A_1231 = arith.index_cast %add3A_1230 : i32 to index
      %get3A_1232 = tpu.vector_load %arg5[%get3A_1231] {strides = array<i32>} : memref<25600xi32, #tpu.memory_space<vmem>>, vector<16xi32>,
      %get3A_1233 = vector.shape_cast %get3A_1232 : vector<16xi32> to vector<16xi32>
      %dma_start3A_1234 = arith.constant 112 : i32
      %dma_start3A_1235 = arith.constant 0 : i32
      %dma_start3A_1236 = tpu.memref_slice %arg7[%dma_start3A_1234, %dma_start3A_1235] : memref<512x64xf32, #tpu.memory_space<vmem>> -> memref<16x64xf32, #tpu.memory_space<vmem>>
      %dma_start3A_1237 = arith.constant 0 : i32
      %dma_start3A_1238 = arith.constant 0 : i32
      %dma_start3A_1239 = tpu.memref_slice %arg2[%dma_start3A_1237, %dma_start3A_1238] : memref<1000000x64xf32, #tpu.memory_space<hbm>> -> memref<1000000x64xf32, #tpu.memory_space<hbm>>
      tpu.enqueue_indirect_dma source(%dma_start3A_1239 : memref<1000000x64xf32, #tpu.memory_space<hbm>>) target(%dma_start3A_1236 : memref<16x64xf32, #tpu.memory_space<vmem>>) offsets(%get3A_1233 : vector<16xi32>) semaphore(%arg9 : memref<!tpu.dma_semaphore, #tpu.memory_space<semaphore_mem>>)
      %add3A_1240 = arith.constant 128 : i32
      %add3A_1241 = arith.addi %multiple_of3A_1151, %add3A_1240 : i32
      %get3A_1242 = arith.index_cast %add3A_1241 : i32 to index
      %get3A_1243 = tpu.vector_load %arg5[%get3A_1242] {strides = array<i32>} : memref<25600xi32, #tpu.memory_space<vmem>>, vector<16xi32>,
      %get3A_1244 = vector.shape_cast %get3A_1243 : vector<16xi32> to vector<16xi32>
      %dma_start3A_1245 = arith.constant 128 : i32
      %dma_start3A_1246 = arith.constant 0 : i32
      %dma_start3A_1247 = tpu.memref_slice %arg7[%dma_start3A_1245, %dma_start3A_1246] : memref<512x64xf32, #tpu.memory_space<vmem>> -> memref<16x64xf32, #tpu.memory_space<vmem>>
      %dma_start3A_1248 = arith.constant 0 : i32
      %dma_start3A_1249 = arith.constant 0 : i32
      %dma_start3A_1250 = tpu.memref_slice %arg2[%dma_start3A_1248, %dma_start3A_1249] : memref<1000000x64xf32, #tpu.memory_space<hbm>> -> memref<1000000x64xf32, #tpu.memory_space<hbm>>
      tpu.enqueue_indirect_dma source(%dma_start3A_1250 : memref<1000000x64xf32, #tpu.memory_space<hbm>>) target(%dma_start3A_1247 : memref<16x64xf32, #tpu.memory_space<vmem>>) offsets(%get3A_1244 : vector<16xi32>) semaphore(%arg9 : memref<!tpu.dma_semaphore, #tpu.memory_space<semaphore_mem>>)
      %add3A_1251 = arith.constant 144 : i32
      %add3A_1252 = arith.addi %multiple_of3A_1151, %add3A_1251 : i32
      %get3A_1253 = arith.index_cast %add3A_1252 : i32 to index
      %get3A_1254 = tpu.vector_load %arg5[%get3A_1253] {strides = array<i32>} : memref<25600xi32, #tpu.memory_space<vmem>>, vector<16xi32>,
      %get3A_1255 = vector.shape_cast %get3A_1254 : vector<16xi32> to vector<16xi32>
      %dma_start3A_1256 = arith.constant 144 : i32
      %dma_start3A_1257 = arith.constant 0 : i32
      %dma_start3A_1258 = tpu.memref_slice %arg7[%dma_start3A_1256, %dma_start3A_1257] : memref<512x64xf32, #tpu.memory_space<vmem>> -> memref<16x64xf32, #tpu.memory_space<vmem>>
      %dma_start3A_1259 = arith.constant 0 : i32
      %dma_start3A_1260 = arith.constant 0 : i32
      %dma_start3A_1261 = tpu.memref_slice %arg2[%dma_start3A_1259, %dma_start3A_1260] : memref<1000000x64xf32, #tpu.memory_space<hbm>> -> memref<1000000x64xf32, #tpu.memory_space<hbm>>
      tpu.enqueue_indirect_dma source(%dma_start3A_1261 : memref<1000000x64xf32, #tpu.memory_space<hbm>>) target(%dma_start3A_1258 : memref<16x64xf32, #tpu.memory_space<vmem>>) offsets(%get3A_1255 : vector<16xi32>) semaphore(%arg9 : memref<!tpu.dma_semaphore, #tpu.memory_space<semaphore_mem>>)
      %add3A_1262 = arith.constant 160 : i32
      %add3A_1263 = arith.addi %multiple_of3A_1151, %add3A_1262 : i32
      %get3A_1264 = arith.index_cast %add3A_1263 : i32 to index
      %get3A_1265 = tpu.vector_load %arg5[%get3A_1264] {strides = array<i32>} : memref<25600xi32, #tpu.memory_space<vmem>>, vector<16xi32>,
      %get3A_1266 = vector.shape_cast %get3A_1265 : vector<16xi32> to vector<16xi32>
      %dma_start3A_1267 = arith.constant 160 : i32
      %dma_start3A_1268 = arith.constant 0 : i32
      %dma_start3A_1269 = tpu.memref_slice %arg7[%dma_start3A_1267, %dma_start3A_1268] : memref<512x64xf32, #tpu.memory_space<vmem>> -> memref<16x64xf32, #tpu.memory_space<vmem>>
      %dma_start3A_1270 = arith.constant 0 : i32
      %dma_start3A_1271 = arith.constant 0 : i32
      %dma_start3A_1272 = tpu.memref_slice %arg2[%dma_start3A_1270, %dma_start3A_1271] : memref<1000000x64xf32, #tpu.memory_space<hbm>> -> memref<1000000x64xf32, #tpu.memory_space<hbm>>
      tpu.enqueue_indirect_dma source(%dma_start3A_1272 : memref<1000000x64xf32, #tpu.memory_space<hbm>>) target(%dma_start3A_1269 : memref<16x64xf32, #tpu.memory_space<vmem>>) offsets(%get3A_1266 : vector<16xi32>) semaphore(%arg9 : memref<!tpu.dma_semaphore, #tpu.memory_space<semaphore_mem>>)
      %add3A_1273 = arith.constant 176 : i32
      %add3A_1274 = arith.addi %multiple_of3A_1151, %add3A_1273 : i32
      %get3A_1275 = arith.index_cast %add3A_1274 : i32 to index
      %get3A_1276 = tpu.vector_load %arg5[%get3A_1275] {strides = array<i32>} : memref<25600xi32, #tpu.memory_space<vmem>>, vector<16xi32>,
      %get3A_1277 = vector.shape_cast %get3A_1276 : vector<16xi32> to vector<16xi32>
      %dma_start3A_1278 = arith.constant 176 : i32
      %dma_start3A_1279 = arith.constant 0 : i32
      %dma_start3A_1280 = tpu.memref_slice %arg7[%dma_start3A_1278, %dma_start3A_1279] : memref<512x64xf32, #tpu.memory_space<vmem>> -> memref<16x64xf32, #tpu.memory_space<vmem>>
      %dma_start3A_1281 = arith.constant 0 : i32
      %dma_start3A_1282 = arith.constant 0 : i32
      %dma_start3A_1283 = tpu.memref_slice %arg2[%dma_start3A_1281, %dma_start3A_1282] : memref<1000000x64xf32, #tpu.memory_space<hbm>> -> memref<1000000x64xf32, #tpu.memory_space<hbm>>
      tpu.enqueue_indirect_dma source(%dma_start3A_1283 : memref<1000000x64xf32, #tpu.memory_space<hbm>>) target(%dma_start3A_1280 : memref<16x64xf32, #tpu.memory_space<vmem>>) offsets(%get3A_1277 : vector<16xi32>) semaphore(%arg9 : memref<!tpu.dma_semaphore, #tpu.memory_space<semaphore_mem>>)
      %add3A_1284 = arith.constant 192 : i32
      %add3A_1285 = arith.addi %multiple_of3A_1151, %add3A_1284 : i32
      %get3A_1286 = arith.index_cast %add3A_1285 : i32 to index
      %get3A_1287 = tpu.vector_load %arg5[%get3A_1286] {strides = array<i32>} : memref<25600xi32, #tpu.memory_space<vmem>>, vector<16xi32>,
      %get3A_1288 = vector.shape_cast %get3A_1287 : vector<16xi32> to vector<16xi32>
      %dma_start3A_1289 = arith.constant 192 : i32
      %dma_start3A_1290 = arith.constant 0 : i32
      %dma_start3A_1291 = tpu.memref_slice %arg7[%dma_start3A_1289, %dma_start3A_1290] : memref<512x64xf32, #tpu.memory_space<vmem>> -> memref<16x64xf32, #tpu.memory_space<vmem>>
      %dma_start3A_1292 = arith.constant 0 : i32
      %dma_start3A_1293 = arith.constant 0 : i32
      %dma_start3A_1294 = tpu.memref_slice %arg2[%dma_start3A_1292, %dma_start3A_1293] : memref<1000000x64xf32, #tpu.memory_space<hbm>> -> memref<1000000x64xf32, #tpu.memory_space<hbm>>
      tpu.enqueue_indirect_dma source(%dma_start3A_1294 : memref<1000000x64xf32, #tpu.memory_space<hbm>>) target(%dma_start3A_1291 : memref<16x64xf32, #tpu.memory_space<vmem>>) offsets(%get3A_1288 : vector<16xi32>) semaphore(%arg9 : memref<!tpu.dma_semaphore, #tpu.memory_space<semaphore_mem>>)
      %add3A_1295 = arith.constant 208 : i32
      %add3A_1296 = arith.addi %multiple_of3A_1151, %add3A_1295 : i32
      %get3A_1297 = arith.index_cast %add3A_1296 : i32 to index
      %get3A_1298 = tpu.vector_load %arg5[%get3A_1297] {strides = array<i32>} : memref<25600xi32, #tpu.memory_space<vmem>>, vector<16xi32>,
      %get3A_1299 = vector.shape_cast %get3A_1298 : vector<16xi32> to vector<16xi32>
      %dma_start3A_1300 = arith.constant 208 : i32
      %dma_start3A_1301 = arith.constant 0 : i32
      %dma_start3A_1302 = tpu.memref_slice %arg7[%dma_start3A_1300, %dma_start3A_1301] : memref<512x64xf32, #tpu.memory_space<vmem>> -> memref<16x64xf32, #tpu.memory_space<vmem>>
      %dma_start3A_1303 = arith.constant 0 : i32
      %dma_start3A_1304 = arith.constant 0 : i32
      %dma_start3A_1305 = tpu.memref_slice %arg2[%dma_start3A_1303, %dma_start3A_1304] : memref<1000000x64xf32, #tpu.memory_space<hbm>> -> memref<1000000x64xf32, #tpu.memory_space<hbm>>
      tpu.enqueue_indirect_dma source(%dma_start3A_1305 : memref<1000000x64xf32, #tpu.memory_space<hbm>>) target(%dma_start3A_1302 : memref<16x64xf32, #tpu.memory_space<vmem>>) offsets(%get3A_1299 : vector<16xi32>) semaphore(%arg9 : memref<!tpu.dma_semaphore, #tpu.memory_space<semaphore_mem>>)
      %add3A_1306 = arith.constant 224 : i32
      %add3A_1307 = arith.addi %multiple_of3A_1151, %add3A_1306 : i32
      %get3A_1308 = arith.index_cast %add3A_1307 : i32 to index
      %get3A_1309 = tpu.vector_load %arg5[%get3A_1308] {strides = array<i32>} : memref<25600xi32, #tpu.memory_space<vmem>>, vector<16xi32>,
      %get3A_1310 = vector.shape_cast %get3A_1309 : vector<16xi32> to vector<16xi32>
      %dma_start3A_1311 = arith.constant 224 : i32
      %dma_start3A_1312 = arith.constant 0 : i32
      %dma_start3A_1313 = tpu.memref_slice %arg7[%dma_start3A_1311, %dma_start3A_1312] : memref<512x64xf32, #tpu.memory_space<vmem>> -> memref<16x64xf32, #tpu.memory_space<vmem>>
      %dma_start3A_1314 = arith.constant 0 : i32
      %dma_start3A_1315 = arith.constant 0 : i32
      %dma_start3A_1316 = tpu.memref_slice %arg2[%dma_start3A_1314, %dma_start3A_1315] : memref<1000000x64xf32, #tpu.memory_space<hbm>> -> memref<1000000x64xf32, #tpu.memory_space<hbm>>
      tpu.enqueue_indirect_dma source(%dma_start3A_1316 : memref<1000000x64xf32, #tpu.memory_space<hbm>>) target(%dma_start3A_1313 : memref<16x64xf32, #tpu.memory_space<vmem>>) offsets(%get3A_1310 : vector<16xi32>) semaphore(%arg9 : memref<!tpu.dma_semaphore, #tpu.memory_space<semaphore_mem>>)
      %add3A_1317 = arith.constant 240 : i32
      %add3A_1318 = arith.addi %multiple_of3A_1151, %add3A_1317 : i32
      %get3A_1319 = arith.index_cast %add3A_1318 : i32 to index
      %get3A_1320 = tpu.vector_load %arg5[%get3A_1319] {strides = array<i32>} : memref<25600xi32, #tpu.memory_space<vmem>>, vector<16xi32>,
      %get3A_1321 = vector.shape_cast %get3A_1320 : vector<16xi32> to vector<16xi32>
      %dma_start3A_1322 = arith.constant 240 : i32
      %dma_start3A_1323 = arith.constant 0 : i32
      %dma_start3A_1324 = tpu.memref_slice %arg7[%dma_start3A_1322, %dma_start3A_1323] : memref<512x64xf32, #tpu.memory_space<vmem>> -> memref<16x64xf32, #tpu.memory_space<vmem>>
      %dma_start3A_1325 = arith.constant 0 : i32
      %dma_start3A_1326 = arith.constant 0 : i32
      %dma_start3A_1327 = tpu.memref_slice %arg2[%dma_start3A_1325, %dma_start3A_1326] : memref<1000000x64xf32, #tpu.memory_space<hbm>> -> memref<1000000x64xf32, #tpu.memory_space<hbm>>
      tpu.enqueue_indirect_dma source(%dma_start3A_1327 : memref<1000000x64xf32, #tpu.memory_space<hbm>>) target(%dma_start3A_1324 : memref<16x64xf32, #tpu.memory_space<vmem>>) offsets(%get3A_1321 : vector<16xi32>) semaphore(%arg9 : memref<!tpu.dma_semaphore, #tpu.memory_space<semaphore_mem>>)
      %add3A_1328 = arith.constant 256 : i32
      %add3A_1329 = arith.addi %multiple_of3A_1151, %add3A_1328 : i32
      %get3A_1330 = arith.index_cast %add3A_1329 : i32 to index
      %get3A_1331 = tpu.vector_load %arg5[%get3A_1330] {strides = array<i32>} : memref<25600xi32, #tpu.memory_space<vmem>>, vector<16xi32>,
      %get3A_1332 = vector.shape_cast %get3A_1331 : vector<16xi32> to vector<16xi32>
      %dma_start3A_1333 = arith.constant 256 : i32
      %dma_start3A_1334 = arith.constant 0 : i32
      %dma_start3A_1335 = tpu.memref_slice %arg7[%dma_start3A_1333, %dma_start3A_1334] : memref<512x64xf32, #tpu.memory_space<vmem>> -> memref<16x64xf32, #tpu.memory_space<vmem>>
      %dma_start3A_1336 = arith.constant 0 : i32
      %dma_start3A_1337 = arith.constant 0 : i32
      %dma_start3A_1338 = tpu.memref_slice %arg2[%dma_start3A_1336, %dma_start3A_1337] : memref<1000000x64xf32, #tpu.memory_space<hbm>> -> memref<1000000x64xf32, #tpu.memory_space<hbm>>
      tpu.enqueue_indirect_dma source(%dma_start3A_1338 : memref<1000000x64xf32, #tpu.memory_space<hbm>>) target(%dma_start3A_1335 : memref<16x64xf32, #tpu.memory_space<vmem>>) offsets(%get3A_1332 : vector<16xi32>) semaphore(%arg9 : memref<!tpu.dma_semaphore, #tpu.memory_space<semaphore_mem>>)
      %add3A_1339 = arith.constant 272 : i32
      %add3A_1340 = arith.addi %multiple_of3A_1151, %add3A_1339 : i32
      %get3A_1341 = arith.index_cast %add3A_1340 : i32 to index
      %get3A_1342 = tpu.vector_load %arg5[%get3A_1341] {strides = array<i32>} : memref<25600xi32, #tpu.memory_space<vmem>>, vector<16xi32>,
      %get3A_1343 = vector.shape_cast %get3A_1342 : vector<16xi32> to vector<16xi32>
      %dma_start3A_1344 = arith.constant 272 : i32
      %dma_start3A_1345 = arith.constant 0 : i32
      %dma_start3A_1346 = tpu.memref_slice %arg7[%dma_start3A_1344, %dma_start3A_1345] : memref<512x64xf32, #tpu.memory_space<vmem>> -> memref<16x64xf32, #tpu.memory_space<vmem>>
      %dma_start3A_1347 = arith.constant 0 : i32
      %dma_start3A_1348 = arith.constant 0 : i32
      %dma_start3A_1349 = tpu.memref_slice %arg2[%dma_start3A_1347, %dma_start3A_1348] : memref<1000000x64xf32, #tpu.memory_space<hbm>> -> memref<1000000x64xf32, #tpu.memory_space<hbm>>
      tpu.enqueue_indirect_dma source(%dma_start3A_1349 : memref<1000000x64xf32, #tpu.memory_space<hbm>>) target(%dma_start3A_1346 : memref<16x64xf32, #tpu.memory_space<vmem>>) offsets(%get3A_1343 : vector<16xi32>) semaphore(%arg9 : memref<!tpu.dma_semaphore, #tpu.memory_space<semaphore_mem>>)
      %add3A_1350 = arith.constant 288 : i32
      %add3A_1351 = arith.addi %multiple_of3A_1151, %add3A_1350 : i32
      %get3A_1352 = arith.index_cast %add3A_1351 : i32 to index
      %get3A_1353 = tpu.vector_load %arg5[%get3A_1352] {strides = array<i32>} : memref<25600xi32, #tpu.memory_space<vmem>>, vector<16xi32>,
      %get3A_1354 = vector.shape_cast %get3A_1353 : vector<16xi32> to vector<16xi32>
      %dma_start3A_1355 = arith.constant 288 : i32
      %dma_start3A_1356 = arith.constant 0 : i32
      %dma_start3A_1357 = tpu.memref_slice %arg7[%dma_start3A_1355, %dma_start3A_1356] : memref<512x64xf32, #tpu.memory_space<vmem>> -> memref<16x64xf32, #tpu.memory_space<vmem>>
      %dma_start3A_1358 = arith.constant 0 : i32
      %dma_start3A_1359 = arith.constant 0 : i32
      %dma_start3A_1360 = tpu.memref_slice %arg2[%dma_start3A_1358, %dma_start3A_1359] : memref<1000000x64xf32, #tpu.memory_space<hbm>> -> memref<1000000x64xf32, #tpu.memory_space<hbm>>
      tpu.enqueue_indirect_dma source(%dma_start3A_1360 : memref<1000000x64xf32, #tpu.memory_space<hbm>>) target(%dma_start3A_1357 : memref<16x64xf32, #tpu.memory_space<vmem>>) offsets(%get3A_1354 : vector<16xi32>) semaphore(%arg9 : memref<!tpu.dma_semaphore, #tpu.memory_space<semaphore_mem>>)
      %add3A_1361 = arith.constant 304 : i32
      %add3A_1362 = arith.addi %multiple_of3A_1151, %add3A_1361 : i32
      %get3A_1363 = arith.index_cast %add3A_1362 : i32 to index
      %get3A_1364 = tpu.vector_load %arg5[%get3A_1363] {strides = array<i32>} : memref<25600xi32, #tpu.memory_space<vmem>>, vector<16xi32>,
      %get3A_1365 = vector.shape_cast %get3A_1364 : vector<16xi32> to vector<16xi32>
      %dma_start3A_1366 = arith.constant 304 : i32
      %dma_start3A_1367 = arith.constant 0 : i32
      %dma_start3A_1368 = tpu.memref_slice %arg7[%dma_start3A_1366, %dma_start3A_1367] : memref<512x64xf32, #tpu.memory_space<vmem>> -> memref<16x64xf32, #tpu.memory_space<vmem>>
      %dma_start3A_1369 = arith.constant 0 : i32
      %dma_start3A_1370 = arith.constant 0 : i32
      %dma_start3A_1371 = tpu.memref_slice %arg2[%dma_start3A_1369, %dma_start3A_1370] : memref<1000000x64xf32, #tpu.memory_space<hbm>> -> memref<1000000x64xf32, #tpu.memory_space<hbm>>
      tpu.enqueue_indirect_dma source(%dma_start3A_1371 : memref<1000000x64xf32, #tpu.memory_space<hbm>>) target(%dma_start3A_1368 : memref<16x64xf32, #tpu.memory_space<vmem>>) offsets(%get3A_1365 : vector<16xi32>) semaphore(%arg9 : memref<!tpu.dma_semaphore, #tpu.memory_space<semaphore_mem>>)
      %add3A_1372 = arith.constant 320 : i32
      %add3A_1373 = arith.addi %multiple_of3A_1151, %add3A_1372 : i32
      %get3A_1374 = arith.index_cast %add3A_1373 : i32 to index
      %get3A_1375 = tpu.vector_load %arg5[%get3A_1374] {strides = array<i32>} : memref<25600xi32, #tpu.memory_space<vmem>>, vector<16xi32>,
      %get3A_1376 = vector.shape_cast %get3A_1375 : vector<16xi32> to vector<16xi32>
      %dma_start3A_1377 = arith.constant 320 : i32
      %dma_start3A_1378 = arith.constant 0 : i32
      %dma_start3A_1379 = tpu.memref_slice %arg7[%dma_start3A_1377, %dma_start3A_1378] : memref<512x64xf32, #tpu.memory_space<vmem>> -> memref<16x64xf32, #tpu.memory_space<vmem>>
      %dma_start3A_1380 = arith.constant 0 : i32
      %dma_start3A_1381 = arith.constant 0 : i32
      %dma_start3A_1382 = tpu.memref_slice %arg2[%dma_start3A_1380, %dma_start3A_1381] : memref<1000000x64xf32, #tpu.memory_space<hbm>> -> memref<1000000x64xf32, #tpu.memory_space<hbm>>
      tpu.enqueue_indirect_dma source(%dma_start3A_1382 : memref<1000000x64xf32, #tpu.memory_space<hbm>>) target(%dma_start3A_1379 : memref<16x64xf32, #tpu.memory_space<vmem>>) offsets(%get3A_1376 : vector<16xi32>) semaphore(%arg9 : memref<!tpu.dma_semaphore, #tpu.memory_space<semaphore_mem>>)
      %add3A_1383 = arith.constant 336 : i32
      %add3A_1384 = arith.addi %multiple_of3A_1151, %add3A_1383 : i32
      %get3A_1385 = arith.index_cast %add3A_1384 : i32 to index
      %get3A_1386 = tpu.vector_load %arg5[%get3A_1385] {strides = array<i32>} : memref<25600xi32, #tpu.memory_space<vmem>>, vector<16xi32>,
      %get3A_1387 = vector.shape_cast %get3A_1386 : vector<16xi32> to vector<16xi32>
      %dma_start3A_1388 = arith.constant 336 : i32
      %dma_start3A_1389 = arith.constant 0 : i32
      %dma_start3A_1390 = tpu.memref_slice %arg7[%dma_start3A_1388, %dma_start3A_1389] : memref<512x64xf32, #tpu.memory_space<vmem>> -> memref<16x64xf32, #tpu.memory_space<vmem>>
      %dma_start3A_1391 = arith.constant 0 : i32
      %dma_start3A_1392 = arith.constant 0 : i32
      %dma_start3A_1393 = tpu.memref_slice %arg2[%dma_start3A_1391, %dma_start3A_1392] : memref<1000000x64xf32, #tpu.memory_space<hbm>> -> memref<1000000x64xf32, #tpu.memory_space<hbm>>
      tpu.enqueue_indirect_dma source(%dma_start3A_1393 : memref<1000000x64xf32, #tpu.memory_space<hbm>>) target(%dma_start3A_1390 : memref<16x64xf32, #tpu.memory_space<vmem>>) offsets(%get3A_1387 : vector<16xi32>) semaphore(%arg9 : memref<!tpu.dma_semaphore, #tpu.memory_space<semaphore_mem>>)
      %add3A_1394 = arith.constant 352 : i32
      %add3A_1395 = arith.addi %multiple_of3A_1151, %add3A_1394 : i32
      %get3A_1396 = arith.index_cast %add3A_1395 : i32 to index
      %get3A_1397 = tpu.vector_load %arg5[%get3A_1396] {strides = array<i32>} : memref<25600xi32, #tpu.memory_space<vmem>>, vector<16xi32>,
      %get3A_1398 = vector.shape_cast %get3A_1397 : vector<16xi32> to vector<16xi32>
      %dma_start3A_1399 = arith.constant 352 : i32
      %dma_start3A_1400 = arith.constant 0 : i32
      %dma_start3A_1401 = tpu.memref_slice %arg7[%dma_start3A_1399, %dma_start3A_1400] : memref<512x64xf32, #tpu.memory_space<vmem>> -> memref<16x64xf32, #tpu.memory_space<vmem>>
      %dma_start3A_1402 = arith.constant 0 : i32
      %dma_start3A_1403 = arith.constant 0 : i32
      %dma_start3A_1404 = tpu.memref_slice %arg2[%dma_start3A_1402, %dma_start3A_1403] : memref<1000000x64xf32, #tpu.memory_space<hbm>> -> memref<1000000x64xf32, #tpu.memory_space<hbm>>
      tpu.enqueue_indirect_dma source(%dma_start3A_1404 : memref<1000000x64xf32, #tpu.memory_space<hbm>>) target(%dma_start3A_1401 : memref<16x64xf32, #tpu.memory_space<vmem>>) offsets(%get3A_1398 : vector<16xi32>) semaphore(%arg9 : memref<!tpu.dma_semaphore, #tpu.memory_space<semaphore_mem>>)
      %add3A_1405 = arith.constant 368 : i32
      %add3A_1406 = arith.addi %multiple_of3A_1151, %add3A_1405 : i32
      %get3A_1407 = arith.index_cast %add3A_1406 : i32 to index
      %get3A_1408 = tpu.vector_load %arg5[%get3A_1407] {strides = array<i32>} : memref<25600xi32, #tpu.memory_space<vmem>>, vector<16xi32>,
      %get3A_1409 = vector.shape_cast %get3A_1408 : vector<16xi32> to vector<16xi32>
      %dma_start3A_1410 = arith.constant 368 : i32
      %dma_start3A_1411 = arith.constant 0 : i32
      %dma_start3A_1412 = tpu.memref_slice %arg7[%dma_start3A_1410, %dma_start3A_1411] : memref<512x64xf32, #tpu.memory_space<vmem>> -> memref<16x64xf32, #tpu.memory_space<vmem>>
      %dma_start3A_1413 = arith.constant 0 : i32
      %dma_start3A_1414 = arith.constant 0 : i32
      %dma_start3A_1415 = tpu.memref_slice %arg2[%dma_start3A_1413, %dma_start3A_1414] : memref<1000000x64xf32, #tpu.memory_space<hbm>> -> memref<1000000x64xf32, #tpu.memory_space<hbm>>
      tpu.enqueue_indirect_dma source(%dma_start3A_1415 : memref<1000000x64xf32, #tpu.memory_space<hbm>>) target(%dma_start3A_1412 : memref<16x64xf32, #tpu.memory_space<vmem>>) offsets(%get3A_1409 : vector<16xi32>) semaphore(%arg9 : memref<!tpu.dma_semaphore, #tpu.memory_space<semaphore_mem>>)
      %add3A_1416 = arith.constant 384 : i32
      %add3A_1417 = arith.addi %multiple_of3A_1151, %add3A_1416 : i32
      %get3A_1418 = arith.index_cast %add3A_1417 : i32 to index
      %get3A_1419 = tpu.vector_load %arg5[%get3A_1418] {strides = array<i32>} : memref<25600xi32, #tpu.memory_space<vmem>>, vector<16xi32>,
      %get3A_1420 = vector.shape_cast %get3A_1419 : vector<16xi32> to vector<16xi32>
      %dma_start3A_1421 = arith.constant 384 : i32
      %dma_start3A_1422 = arith.constant 0 : i32
      %dma_start3A_1423 = tpu.memref_slice %arg7[%dma_start3A_1421, %dma_start3A_1422] : memref<512x64xf32, #tpu.memory_space<vmem>> -> memref<16x64xf32, #tpu.memory_space<vmem>>
      %dma_start3A_1424 = arith.constant 0 : i32
      %dma_start3A_1425 = arith.constant 0 : i32
      %dma_start3A_1426 = tpu.memref_slice %arg2[%dma_start3A_1424, %dma_start3A_1425] : memref<1000000x64xf32, #tpu.memory_space<hbm>> -> memref<1000000x64xf32, #tpu.memory_space<hbm>>
      tpu.enqueue_indirect_dma source(%dma_start3A_1426 : memref<1000000x64xf32, #tpu.memory_space<hbm>>) target(%dma_start3A_1423 : memref<16x64xf32, #tpu.memory_space<vmem>>) offsets(%get3A_1420 : vector<16xi32>) semaphore(%arg9 : memref<!tpu.dma_semaphore, #tpu.memory_space<semaphore_mem>>)
      %add3A_1427 = arith.constant 400 : i32
      %add3A_1428 = arith.addi %multiple_of3A_1151, %add3A_1427 : i32
      %get3A_1429 = arith.index_cast %add3A_1428 : i32 to index
      %get3A_1430 = tpu.vector_load %arg5[%get3A_1429] {strides = array<i32>} : memref<25600xi32, #tpu.memory_space<vmem>>, vector<16xi32>,
      %get3A_1431 = vector.shape_cast %get3A_1430 : vector<16xi32> to vector<16xi32>
      %dma_start3A_1432 = arith.constant 400 : i32
      %dma_start3A_1433 = arith.constant 0 : i32
      %dma_start3A_1434 = tpu.memref_slice %arg7[%dma_start3A_1432, %dma_start3A_1433] : memref<512x64xf32, #tpu.memory_space<vmem>> -> memref<16x64xf32, #tpu.memory_space<vmem>>
      %dma_start3A_1435 = arith.constant 0 : i32
      %dma_start3A_1436 = arith.constant 0 : i32
      %dma_start3A_1437 = tpu.memref_slice %arg2[%dma_start3A_1435, %dma_start3A_1436] : memref<1000000x64xf32, #tpu.memory_space<hbm>> -> memref<1000000x64xf32, #tpu.memory_space<hbm>>
      tpu.enqueue_indirect_dma source(%dma_start3A_1437 : memref<1000000x64xf32, #tpu.memory_space<hbm>>) target(%dma_start3A_1434 : memref<16x64xf32, #tpu.memory_space<vmem>>) offsets(%get3A_1431 : vector<16xi32>) semaphore(%arg9 : memref<!tpu.dma_semaphore, #tpu.memory_space<semaphore_mem>>)
      %add3A_1438 = arith.constant 416 : i32
      %add3A_1439 = arith.addi %multiple_of3A_1151, %add3A_1438 : i32
      %get3A_1440 = arith.index_cast %add3A_1439 : i32 to index
      %get3A_1441 = tpu.vector_load %arg5[%get3A_1440] {strides = array<i32>} : memref<25600xi32, #tpu.memory_space<vmem>>, vector<16xi32>,
      %get3A_1442 = vector.shape_cast %get3A_1441 : vector<16xi32> to vector<16xi32>
      %dma_start3A_1443 = arith.constant 416 : i32
      %dma_start3A_1444 = arith.constant 0 : i32
      %dma_start3A_1445 = tpu.memref_slice %arg7[%dma_start3A_1443, %dma_start3A_1444] : memref<512x64xf32, #tpu.memory_space<vmem>> -> memref<16x64xf32, #tpu.memory_space<vmem>>
      %dma_start3A_1446 = arith.constant 0 : i32
      %dma_start3A_1447 = arith.constant 0 : i32
      %dma_start3A_1448 = tpu.memref_slice %arg2[%dma_start3A_1446, %dma_start3A_1447] : memref<1000000x64xf32, #tpu.memory_space<hbm>> -> memref<1000000x64xf32, #tpu.memory_space<hbm>>
      tpu.enqueue_indirect_dma source(%dma_start3A_1448 : memref<1000000x64xf32, #tpu.memory_space<hbm>>) target(%dma_start3A_1445 : memref<16x64xf32, #tpu.memory_space<vmem>>) offsets(%get3A_1442 : vector<16xi32>) semaphore(%arg9 : memref<!tpu.dma_semaphore, #tpu.memory_space<semaphore_mem>>)
      %add3A_1449 = arith.constant 432 : i32
      %add3A_1450 = arith.addi %multiple_of3A_1151, %add3A_1449 : i32
      %get3A_1451 = arith.index_cast %add3A_1450 : i32 to index
      %get3A_1452 = tpu.vector_load %arg5[%get3A_1451] {strides = array<i32>} : memref<25600xi32, #tpu.memory_space<vmem>>, vector<16xi32>,
      %get3A_1453 = vector.shape_cast %get3A_1452 : vector<16xi32> to vector<16xi32>
      %dma_start3A_1454 = arith.constant 432 : i32
      %dma_start3A_1455 = arith.constant 0 : i32
      %dma_start3A_1456 = tpu.memref_slice %arg7[%dma_start3A_1454, %dma_start3A_1455] : memref<512x64xf32, #tpu.memory_space<vmem>> -> memref<16x64xf32, #tpu.memory_space<vmem>>
      %dma_start3A_1457 = arith.constant 0 : i32
      %dma_start3A_1458 = arith.constant 0 : i32
      %dma_start3A_1459 = tpu.memref_slice %arg2[%dma_start3A_1457, %dma_start3A_1458] : memref<1000000x64xf32, #tpu.memory_space<hbm>> -> memref<1000000x64xf32, #tpu.memory_space<hbm>>
      tpu.enqueue_indirect_dma source(%dma_start3A_1459 : memref<1000000x64xf32, #tpu.memory_space<hbm>>) target(%dma_start3A_1456 : memref<16x64xf32, #tpu.memory_space<vmem>>) offsets(%get3A_1453 : vector<16xi32>) semaphore(%arg9 : memref<!tpu.dma_semaphore, #tpu.memory_space<semaphore_mem>>)
      %add3A_1460 = arith.constant 448 : i32
      %add3A_1461 = arith.addi %multiple_of3A_1151, %add3A_1460 : i32
      %get3A_1462 = arith.index_cast %add3A_1461 : i32 to index
      %get3A_1463 = tpu.vector_load %arg5[%get3A_1462] {strides = array<i32>} : memref<25600xi32, #tpu.memory_space<vmem>>, vector<16xi32>,
      %get3A_1464 = vector.shape_cast %get3A_1463 : vector<16xi32> to vector<16xi32>
      %dma_start3A_1465 = arith.constant 448 : i32
      %dma_start3A_1466 = arith.constant 0 : i32
      %dma_start3A_1467 = tpu.memref_slice %arg7[%dma_start3A_1465, %dma_start3A_1466] : memref<512x64xf32, #tpu.memory_space<vmem>> -> memref<16x64xf32, #tpu.memory_space<vmem>>
      %dma_start3A_1468 = arith.constant 0 : i32
      %dma_start3A_1469 = arith.constant 0 : i32
      %dma_start3A_1470 = tpu.memref_slice %arg2[%dma_start3A_1468, %dma_start3A_1469] : memref<1000000x64xf32, #tpu.memory_space<hbm>> -> memref<1000000x64xf32, #tpu.memory_space<hbm>>
      tpu.enqueue_indirect_dma source(%dma_start3A_1470 : memref<1000000x64xf32, #tpu.memory_space<hbm>>) target(%dma_start3A_1467 : memref<16x64xf32, #tpu.memory_space<vmem>>) offsets(%get3A_1464 : vector<16xi32>) semaphore(%arg9 : memref<!tpu.dma_semaphore, #tpu.memory_space<semaphore_mem>>)
      %add3A_1471 = arith.constant 464 : i32
      %add3A_1472 = arith.addi %multiple_of3A_1151, %add3A_1471 : i32
      %get3A_1473 = arith.index_cast %add3A_1472 : i32 to index
      %get3A_1474 = tpu.vector_load %arg5[%get3A_1473] {strides = array<i32>} : memref<25600xi32, #tpu.memory_space<vmem>>, vector<16xi32>,
      %get3A_1475 = vector.shape_cast %get3A_1474 : vector<16xi32> to vector<16xi32>
      %dma_start3A_1476 = arith.constant 464 : i32
      %dma_start3A_1477 = arith.constant 0 : i32
      %dma_start3A_1478 = tpu.memref_slice %arg7[%dma_start3A_1476, %dma_start3A_1477] : memref<512x64xf32, #tpu.memory_space<vmem>> -> memref<16x64xf32, #tpu.memory_space<vmem>>
      %dma_start3A_1479 = arith.constant 0 : i32
      %dma_start3A_1480 = arith.constant 0 : i32
      %dma_start3A_1481 = tpu.memref_slice %arg2[%dma_start3A_1479, %dma_start3A_1480] : memref<1000000x64xf32, #tpu.memory_space<hbm>> -> memref<1000000x64xf32, #tpu.memory_space<hbm>>
      tpu.enqueue_indirect_dma source(%dma_start3A_1481 : memref<1000000x64xf32, #tpu.memory_space<hbm>>) target(%dma_start3A_1478 : memref<16x64xf32, #tpu.memory_space<vmem>>) offsets(%get3A_1475 : vector<16xi32>) semaphore(%arg9 : memref<!tpu.dma_semaphore, #tpu.memory_space<semaphore_mem>>)
      %add3A_1482 = arith.constant 480 : i32
      %add3A_1483 = arith.addi %multiple_of3A_1151, %add3A_1482 : i32
      %get3A_1484 = arith.index_cast %add3A_1483 : i32 to index
      %get3A_1485 = tpu.vector_load %arg5[%get3A_1484] {strides = array<i32>} : memref<25600xi32, #tpu.memory_space<vmem>>, vector<16xi32>,
      %get3A_1486 = vector.shape_cast %get3A_1485 : vector<16xi32> to vector<16xi32>
      %dma_start3A_1487 = arith.constant 480 : i32
      %dma_start3A_1488 = arith.constant 0 : i32
      %dma_start3A_1489 = tpu.memref_slice %arg7[%dma_start3A_1487, %dma_start3A_1488] : memref<512x64xf32, #tpu.memory_space<vmem>> -> memref<16x64xf32, #tpu.memory_space<vmem>>
      %dma_start3A_1490 = arith.constant 0 : i32
      %dma_start3A_1491 = arith.constant 0 : i32
      %dma_start3A_1492 = tpu.memref_slice %arg2[%dma_start3A_1490, %dma_start3A_1491] : memref<1000000x64xf32, #tpu.memory_space<hbm>> -> memref<1000000x64xf32, #tpu.memory_space<hbm>>
      tpu.enqueue_indirect_dma source(%dma_start3A_1492 : memref<1000000x64xf32, #tpu.memory_space<hbm>>) target(%dma_start3A_1489 : memref<16x64xf32, #tpu.memory_space<vmem>>) offsets(%get3A_1486 : vector<16xi32>) semaphore(%arg9 : memref<!tpu.dma_semaphore, #tpu.memory_space<semaphore_mem>>)
      %add3A_1493 = arith.constant 496 : i32
      %add3A_1494 = arith.addi %multiple_of3A_1151, %add3A_1493 : i32
      %get3A_1495 = arith.index_cast %add3A_1494 : i32 to index
      %get3A_1496 = tpu.vector_load %arg5[%get3A_1495] {strides = array<i32>} : memref<25600xi32, #tpu.memory_space<vmem>>, vector<16xi32>,
      %get3A_1497 = vector.shape_cast %get3A_1496 : vector<16xi32> to vector<16xi32>
      %dma_start3A_1498 = arith.constant 496 : i32
      %dma_start3A_1499 = arith.constant 0 : i32
      %dma_start3A_1500 = tpu.memref_slice %arg7[%dma_start3A_1498, %dma_start3A_1499] : memref<512x64xf32, #tpu.memory_space<vmem>> -> memref<16x64xf32, #tpu.memory_space<vmem>>
      %dma_start3A_1501 = arith.constant 0 : i32
      %dma_start3A_1502 = arith.constant 0 : i32
      %dma_start3A_1503 = tpu.memref_slice %arg2[%dma_start3A_1501, %dma_start3A_1502] : memref<1000000x64xf32, #tpu.memory_space<hbm>> -> memref<1000000x64xf32, #tpu.memory_space<hbm>>
      tpu.enqueue_indirect_dma source(%dma_start3A_1503 : memref<1000000x64xf32, #tpu.memory_space<hbm>>) target(%dma_start3A_1500 : memref<16x64xf32, #tpu.memory_space<vmem>>) offsets(%get3A_1497 : vector<16xi32>) semaphore(%arg9 : memref<!tpu.dma_semaphore, #tpu.memory_space<semaphore_mem>>)
      %dma_wait3A_1504 = arith.constant 0 : i32
      %dma_wait3A_1505 = arith.constant 0 : i32
      %dma_wait3A_1506 = tpu.memref_slice %arg2[%dma_wait3A_1504, %dma_wait3A_1505] : memref<1000000x64xf32, #tpu.memory_space<hbm>> -> memref<512x64xf32, #tpu.memory_space<hbm>>
      %dma_wait3A_1507 = arith.constant 0 : i32
      %dma_wait3A_1508 = arith.constant 0 : i32
      %dma_wait3A_1509 = tpu.memref_slice %arg2[%dma_wait3A_1507, %dma_wait3A_1508] : memref<1000000x64xf32, #tpu.memory_space<hbm>> -> memref<512x64xf32, #tpu.memory_space<hbm>>
      tpu.wait_dma2 semaphore(%arg8 : memref<!tpu.dma_semaphore, #tpu.memory_space<semaphore_mem>>) src(%dma_wait3A_1509 : memref<512x64xf32, #tpu.memory_space<hbm>>) dst(%arg6 : memref<512x64xf32, #tpu.memory_space<vmem>>)
      %mul3A_1510 = arith.constant 512 : i32
      %mul3A_1511 = arith.muli %add3A_1140, %mul3A_1510 : i32
      %add3A_1512 = arith.addi %multiple_of3A, %mul3A_1511 : i32
      %multiple_of3A_1513 = tpu.assume_multiple %add3A_1512, 512 : i32
      %dma_start3A_1514 = arith.constant 0 : i32
      %dma_start3A_1515 = tpu.memref_slice %arg4[%multiple_of3A_1513, %dma_start3A_1514] : memref<819200x64xf32, #tpu.memory_space<hbm>> -> memref<512x64xf32, #tpu.memory_space<hbm>>
      %dma_start3A_1516 = arith.constant 0 : i32
      %dma_start3A_1517 = tpu.memref_slice %arg4[%multiple_of3A_1513, %dma_start3A_1516] : memref<819200x64xf32, #tpu.memory_space<hbm>> -> memref<512x64xf32, #tpu.memory_space<hbm>>
      tpu.enqueue_dma source(%arg6 : memref<512x64xf32, #tpu.memory_space<vmem>>) target(%dma_start3A_1517 : memref<512x64xf32, #tpu.memory_space<hbm>>) target_semaphore(%arg10 : memref<!tpu.dma_semaphore, #tpu.memory_space<semaphore_mem>>)
    }
    %scan3A_725 = arith.constant 24 : i32
    %dma_wait3A_726 = arith.constant 0 : i32
    %dma_wait3A_727 = arith.constant 0 : i32
    %dma_wait3A_728 = tpu.memref_slice %arg2[%dma_wait3A_726, %dma_wait3A_727] : memref<1000000x64xf32, #tpu.memory_space<hbm>> -> memref<512x64xf32, #tpu.memory_space<hbm>>
    %dma_wait3A_729 = arith.constant 0 : i32
    %dma_wait3A_730 = arith.constant 0 : i32
    %dma_wait3A_731 = tpu.memref_slice %arg2[%dma_wait3A_729, %dma_wait3A_730] : memref<1000000x64xf32, #tpu.memory_space<hbm>> -> memref<512x64xf32, #tpu.memory_space<hbm>>
    tpu.wait_dma2 semaphore(%arg9 : memref<!tpu.dma_semaphore, #tpu.memory_space<semaphore_mem>>) src(%dma_wait3A_731 : memref<512x64xf32, #tpu.memory_space<hbm>>) dst(%arg7 : memref<512x64xf32, #tpu.memory_space<vmem>>)
    %add3A_732 = arith.constant 25088 : i32
    %add3A_733 = arith.addi %multiple_of3A, %add3A_732 : i32
    %multiple_of3A_734 = tpu.assume_multiple %add3A_733, 512 : i32
    %dma_start3A_735 = arith.constant 0 : i32
    %dma_start3A_736 = tpu.memref_slice %arg4[%multiple_of3A_734, %dma_start3A_735] : memref<819200x64xf32, #tpu.memory_space<hbm>> -> memref<512x64xf32, #tpu.memory_space<hbm>>
    %dma_start3A_737 = arith.constant 0 : i32
    %dma_start3A_738 = tpu.memref_slice %arg4[%multiple_of3A_734, %dma_start3A_737] : memref<819200x64xf32, #tpu.memory_space<hbm>> -> memref<512x64xf32, #tpu.memory_space<hbm>>
    tpu.enqueue_dma source(%arg7 : memref<512x64xf32, #tpu.memory_space<vmem>>) target(%dma_start3A_738 : memref<512x64xf32, #tpu.memory_space<hbm>>) target_semaphore(%arg11 : memref<!tpu.dma_semaphore, #tpu.memory_space<semaphore_mem>>)
    %dma_wait3A_739 = arith.constant 0 : i32
    %dma_wait3A_740 = arith.constant 0 : i32
    %dma_wait3A_741 = tpu.memref_slice %arg4[%dma_wait3A_739, %dma_wait3A_740] : memref<819200x64xf32, #tpu.memory_space<hbm>> -> memref<512x64xf32, #tpu.memory_space<hbm>>
    %dma_wait3A_742 = arith.constant 0 : i32
    %dma_wait3A_743 = arith.constant 0 : i32
    %dma_wait3A_744 = tpu.memref_slice %arg4[%dma_wait3A_742, %dma_wait3A_743] : memref<819200x64xf32, #tpu.memory_space<hbm>> -> memref<512x64xf32, #tpu.memory_space<hbm>>
    tpu.wait_dma2 semaphore(%arg10 : memref<!tpu.dma_semaphore, #tpu.memory_space<semaphore_mem>>) src(%arg6 : memref<512x64xf32, #tpu.memory_space<vmem>>) dst(%dma_wait3A_744 : memref<512x64xf32, #tpu.memory_space<hbm>>)
    %dma_wait3A_745 = arith.constant 0 : i32
    %dma_wait3A_746 = arith.constant 0 : i32
    %dma_wait3A_747 = tpu.memref_slice %arg4[%dma_wait3A_745, %dma_wait3A_746] : memref<819200x64xf32, #tpu.memory_space<hbm>> -> memref<512x64xf32, #tpu.memory_space<hbm>>
    %dma_wait3A_748 = arith.constant 0 : i32
    %dma_wait3A_749 = arith.constant 0 : i32
    %dma_wait3A_750 = tpu.memref_slice %arg4[%dma_wait3A_748, %dma_wait3A_749] : memref<819200x64xf32, #tpu.memory_space<hbm>> -> memref<512x64xf32, #tpu.memory_space<hbm>>
    tpu.wait_dma2 semaphore(%arg11 : memref<!tpu.dma_semaphore, #tpu.memory_space<semaphore_mem>>) src(%arg7 : memref<512x64xf32, #tpu.memory_space<vmem>>) dst(%dma_wait3A_750 : memref<512x64xf32, #tpu.memory_space<hbm>>)
    return
  }
}

</mosaic_0001>

<sc_bundles>
// kernel: kernel.3.cloned.1.call-start
scs
__scs_entry_jumppad:
0x0: {  	(pc) =	sbr.rel $0x88, $3  }
0x1: {  	(tag) =	ssettag $0x0;
	lr =	simm.s32 $0x1  }
0x2: {  	[smem:$0x3F9F] =	sst lr;
	_ =	strace $0xD0000000  }
0x3: {  	_ = 	snop  }
0x4: {  	_ = 	snop  }
0x5: {  	_ = 	snop  }
0x6: {  	_ = 	snop  }
0x7: {  	_ = 	snop  }
__scs_overlays_trampoline_lowered:
0x8: {  	[smem:$0x3FAE] =	sst s0  }
0x9: {  	[smem:$0x3FAF] =	sst s1  }
0xa: {  	[smem:$0x3FB0] =	sst s2  }
0xb: {  	[smem:$0x3FB1] =	sst s3  }
0xc: {  	[smem:$0x3FB2] =	sst s4  }
0xd: {  	[smem:$0x3FB3] =	sst s5  }
0xe: {  	[smem:$0x3FB4] =	sst s6  }
0xf: {  	[smem:$0x3FB5] =	sst s7  }
0x10: {  	[smem:$0x3FB6] =	sst s8  }
0x11: {  	[smem:$0x3FB7] =	sst s9;
	s0 =	simm.s32 @!p0 $0x0  }
0x12: {  	s1 =	sld [smem:$0x3F9D];
	s0 =	simm.s32 @p0 $0x1  }
0x13: {  	[smem:$0x3FB8] =	sst s0;
	s0 =	simm.s32 @!p1 $0x0  }
0x14: {  	s2 =	sld [smem:$0x3F9C];
	s0 =	simm.s32 @p1 $0x1  }
0x15: {  	[smem:$0x3FB9] =	sst s0;
	s0 =	simm.s32 @!p2 $0x0  }
0x16: {  	s3 =	sld [smem:$0x3FDB];
	s0 =	simm.s32 @p2 $0x1  }
0x17: {  	s4 =	simm.s32 $0x1BF5;
	[smem:$0x3FBB] =	sst s0  }
0x18: {  	s0 =	sld [smem:$0x3F9E];
	_ =	swait.ge [sflag:s4], $0x0  }
0x19: {  	s7 =	sld [smem:$0x3F9F]  }
0x1a: {  	s8 =	sadd.s32 $0xFFFFE003, lr  }
0x1b: {  	s9 =	sadd.s32 $0xFFFFFEF7, lr;
	s5 =	simm.s32 $0xFFFFFFFF;
	p2 =	slt.u32 s8, $0xFFFFF086  }
0x1c: {  	p1 =	slt.u32 s9, $0xF7A;
	s5 =	simm.s32 @!p2 $0x0  }
0x1d: {  	s5 =	simm.s32 @p1 $0x1;
	p0 =	seq.s32 s7, s2  }
0x1e: {  	s7 =	smul.u32 @!p0 $0xF7A, s2;
	p2 =	seq.s32 @!p0 s5, $0x0  }
0x1f: {  	s9 =	smul.u32 $0xF7A, s1;
	s8 =	simm.s32 @!p0 $0x1BF5;
	p2 =	por !p2, p0  }
0x20: {  	[sflag:s8] =	ssyncset.s32 @!p0 $0xFFFFF086;
	s6 =	sadd.s32 @!p0 s3, s7;
	s7 =	simm.s32 @!p0 $0x108  }
0x21: {  	s3 =	sadd.s32 s3, s9;
	s6 =	sadd.s32 @!p0 $0x88, s6;
	s7 =	simm.s32 @p2 $0x1082  }
0x22: {  	[simem:s7], [sflag:s8] =	dma.local @!p0 [hbm:s6], $0xF7A  }
0x23: {  	s9 =	sor.u32 $0xD0000000, s2;
	s6 =	simm.s32 $0x108;
	_ =	swait.ge @!p0 [sflag:s8], $0x0  }
0x24: {  	s3 =	sadd.s32 $0x88, s3;
	s6 =	simm.s32 @!p1 $0x1082;
	[sflag:s4] =	ssyncset.s32 $0xFFFFF086  }
0x25: {  	[simem:s6], [sflag:s4] =	dma.local [hbm:s3], $0xF7A  }
0x26: {  	[smem:$0x3F9F] =	sst s1;
	(tag) =	ssettag s2;
	_ =	strace s9  }
0x27: {  	s1 =	sld [smem:$0x3FAF]  }
0x28: {  	s2 =	sld [smem:$0x3FB0]  }
0x29: {  	s4 =	sld [smem:$0x3FB2]  }
0x2a: {  	p0 =	seq.s32 s5, $0x0;
	s5 =	sld [smem:$0x3FB3]  }
0x2b: {  	s6 =	sld [smem:$0x3FB4]  }
0x2c: {  	s7 =	sld [smem:$0x3FB5]  }
0x2d: {  	s3 =	simm.s32 $0x108;
	s8 =	sld [smem:$0x3FB6]  }
0x2e: {  	s3 =	simm.s32 @!p0 $0x1082;
	s9 =	sld [smem:$0x3FB7]  }
0x2f: {  	lr =	sadd.s32 s0, s3;
	s0 =	sld [smem:$0x3FAE]  }
0x30: {  	s3 =	sld [smem:$0x3FB1]  }
0x31: {  	[smem:$0x3FBA] =	sst s10  }
0x32: {  	s10 =	sld [smem:$0x3FB8];
	_ =	sdelay $0x3  }
0x33: {  	p0 =	seq.s32 s10, $0x1;
	s10 =	sld [smem:$0x3FBA];
	_ =	sdelay $0x3  }
0x34: {  	[smem:$0x3FBA] =	sst s10  }
0x35: {  	s10 =	sld [smem:$0x3FB9];
	_ =	sdelay $0x3  }
0x36: {  	p1 =	seq.s32 s10, $0x1;
	s10 =	sld [smem:$0x3FBA];
	_ =	sdelay $0x3  }
0x37: {  	[smem:$0x3FBA] =	sst s10  }
0x38: {  	s10 =	sld [smem:$0x3FBB]  }
0x39: {  	_ = 	snop;
	(pc) =	sbr.ind lr, $3  }
0x3a: {  	_ = 	snop  }
0x3b: {  	_ = 	snop  }
0x3c: {  	p2 =	seq.s32 s10, $0x1;
	s10 =	sld [smem:$0x3FBA]  }
0x3d: {  	_ =	shalt  }
0x3e: {  	_ =	shalt  }
0x3f: {  	_ =	shalt  }
0x40: {  	_ =	shalt  }
0x41: {  	_ =	shalt  }
0x42: {  	_ =	shalt  }
0x43: {  	_ =	shalt  }
0x44: {  	_ =	shalt  }
0x45: {  	_ =	shalt  }
0x46: {  	_ =	shalt  }
0x47: {  	_ =	shalt  }
0x48: {  	_ =	shalt  }
0x49: {  	_ =	shalt  }
0x4a: {  	_ =	shalt  }
0x4b: {  	_ =	shalt  }
0x4c: {  	_ =	shalt  }
0x4d: {  	_ =	shalt  }
0x4e: {  	_ =	shalt  }
0x4f: {  	_ =	shalt  }
0x50: {  	_ =	shalt  }
0x51: {  	_ =	shalt  }
0x52: {  	_ =	shalt  }
0x53: {  	_ =	shalt  }
0x54: {  	_ =	shalt  }
0x55: {  	_ =	shalt  }
0x56: {  	_ =	shalt  }
0x57: {  	_ =	shalt  }
0x58: {  	_ =	shalt  }
0x59: {  	_ =	shalt  }
0x5a: {  	_ =	shalt  }
0x5b: {  	_ =	shalt  }
0x5c: {  	_ =	shalt  }
0x5d: {  	_ =	shalt  }
0x5e: {  	_ =	shalt  }
0x5f: {  	_ =	shalt  }
0x60: {  	_ =	shalt  }
0x61: {  	_ =	shalt  }
0x62: {  	_ =	shalt  }
0x63: {  	_ =	shalt  }
0x64: {  	_ =	shalt  }
0x65: {  	_ =	shalt  }
0x66: {  	_ =	shalt  }
0x67: {  	_ =	shalt  }
0x68: {  	_ =	shalt  }
0x69: {  	_ =	shalt  }
0x6a: {  	_ =	shalt  }
0x6b: {  	_ =	shalt  }
0x6c: {  	_ =	shalt  }
0x6d: {  	_ =	shalt  }
0x6e: {  	_ =	shalt  }
0x6f: {  	_ =	shalt  }
0x70: {  	_ =	shalt  }
0x71: {  	_ =	shalt  }
0x72: {  	_ =	shalt  }
0x73: {  	_ =	shalt  }
0x74: {  	_ =	shalt  }
0x75: {  	_ =	shalt  }
0x76: {  	_ =	shalt  }
0x77: {  	_ =	shalt  }
0x78: {  	_ =	shalt  }
0x79: {  	_ =	shalt  }
0x7a: {  	_ =	shalt  }
0x7b: {  	_ =	shalt  }
0x7c: {  	_ =	shalt  }
0x7d: {  	_ =	shalt  }
0x7e: {  	_ =	shalt  }
0x7f: {  	_ =	shalt  }
0x80: {  	_ =	shalt  }
0x81: {  	_ =	shalt  }
0x82: {  	_ =	shalt  }
0x83: {  	_ =	shalt  }
0x84: {  	_ =	shalt  }
0x85: {  	_ =	shalt  }
0x86: {  	_ =	shalt  }
0x87: {  	_ =	shalt  }
.Lfunc_end0:
.L_simem_size_0:
called_computation.1_lowered:
.L_overlay_start_0:
0x88: {  	s2 =	sld [smem:$0x3FD9]  }
0x89: {  	s3 =	sld [smem:$0x3FFE];
	_ =	sdelay $0x1  }
0x8a: {  	s1 =	srdreg.scid  }
0x8b: {  	s0 =	sand.u32 $0x1, s1  }
0x8c: {  	s17 =	sshll.u32 s0, $0xA;
	s2 =	sadd.s32 s3, s2  }
0x8d: {  	s2 =	sadd.s32 s2, s17  }
0x8e: {  	[smem:$0x3FC6] =	sst s2  }
0x8f: {  	_ = 	snop  }
0x90: {  	s2 =	sld [smem:$0x3FD0];
	(tm) =	ssettm $0x1  }
0x91: {  	s18 =	sld [smem:$0x3FFB];
	_ =	sdelay $0x3  }
0x92: {  	_ =	strace s18  }
0x93: {  	s3 =	sld [smem:$0x3FFC];
	_ =	sdelay $0x3  }
0x94: {  	_ =	strace s3  }
0x95: {  	s3 =	sld [smem:$0x3FFD];
	_ =	sdelay $0x3  }
0x96: {  	_ =	strace s3  }
0x97: {  	_ =	strace $0x8FFFFFFF  }
0x98: {  	s19 =	sld [smem:$0x3FDB];
	_ =	sdelay $0x1  }
0x99: {  	s4 =	simm.s32 $_scs_section_size  }
0x9a: {  	s5 =	simm.s32 $_size__tile_overlayer_lowered;
	s6 =	simm.s32 $_tile_overlayer_lowered  }
0x9b: {  	s22 =	simm.s32 $0x1BFF;
	s21 =	sshll.u32 s6, $0x1;
	s3 =	sadd.s32 s4, s19  }
0x9c: {  	s7 =	simm.s32 $0x0;
	s20 =	sshll.u32 s5, $0x1;
	s5 =	sadd.s32 s21, s3  }
0x9d: {  	[timem:s7], [sflag:s22] =	dma.local [hbm:s5], s20  }
0x9e: {  	_ =	swait.ge [sflag:s22], s20  }
0x9f: {  	s4 =	ssub.s32 $0x0, s20;
	[sflag:s22] =	ssyncset.done $0x0  }
0xa0: {  	[sflag:s22] =	ssyncadd.s32 s4;
	_ =	sdelay $0x1  }
0xa1: {  	s23 =	simm.s32 $0x1B8B  }
0xa2: {  	_ =	swait.ge [sflag:s23], $0x1  }
0xa3: {  	[sflag:s23] =	ssyncset.done $0x0  }
0xa4: {  	s25 =	simm.s32 $0x1B8E;
	s24 =	sld [smem:$0x3FFE];
	[sflag:s23] =	ssyncadd.s32 $0xFFFFFFFF  }
0xa5: {  	s26 =	simm.s32 $execute0_lowered;
	[smem:$0x3FD2] =	sst s25  }
0xa6: {  	s5 =	sshll.u32 s26, $0x1;
	_ =	strace $0x80000046;
	[dreg:$0x1] =	wrdreg $0xFFFFFFFF  }
0xa7: {  	s28 =	simm.s32 $_size_execute0_lowered;
	s3 =	sadd.s32 s3, s5;
	[dreg:$0x0] =	wrdreg $0x0  }
0xa8: {  	s5 =	sshll.u32 s28, $0x1;
	[dreg:$0x2] =	wrdreg s3  }
0xa9: {  	[dreg:$0x3] =	wrdreg s5  }
0xaa: {  	[dreg:$0x4] =	wrdreg $0xC0  }
0xab: {  	_ =	task [dreg:s7], $0x5FFFF  }
0xac: {  	[dreg:$0x1] =	wrdreg $0xFFFFFFFF  }
0xad: {  	[dreg:$0x0] =	wrdreg $0x60  }
0xae: {  	[dreg:$0x2] =	wrdreg s24  }
0xaf: {  	[dreg:$0x3] =	wrdreg s2  }
0xb0: {  	[dreg:$0x4] =	wrdreg $0x9  }
0xb1: {  	_ =	task.clear_ibuf [dreg:s7], $0x5FFFF;
	_ =	strace $0x90000046  }
0xb2: {  	s29 =	simm.s32 $0x9;
	_ =	strace $0x80000048  }
0xb3: {  	_ =	swait.ge [sflag:s29], $0x1  }
0xb4: {  	[sflag:s29] =	ssyncadd.s32 $0xFFFFFFFF  }
0xb5: {  	_ =	strace $0x90000048  }
0xb6: {  	_ =	sfence  }
0xb7: {  	s30 =	sld [smem:$0x0];
	_ =	sdelay $0x2  }
0xb8: {  	s31 =	sshll.u32 s1, $0xD;
	s1 =	sshrl.u32 s1, $0x2  }
0xb9: {  	s3 =	sand.u32 $0x4000, s31;
	s1 =	sadd.s32 s1, s30  }
0xba: {  	s0 =	sor.u32 s3, s0;
	s1 =	sshll.u32 s1, $0x11  }
0xbb: {  	s0 =	sor.u32 s1, s0  }
0xbc: {  	s0 =	sadd.s32 $0x8F2B, s0  }
0xbd: {  	[sflag:s0] =	ssyncadd.remote.s32 $0x1  }
0xbe: {  	_ =	sfence.sel $0xFFFF  }
0xbf: {  	[dreg:$0x0] =	wrdreg $0xFFFFFFFF;
	(pc) =	sbr.abs _section_cstart, $3  }
0xc0: {  	[dreg:$0x1] =	wrdreg $0xFFFFFFFF  }
0xc1: {  	_ =	task.clear_ibuf [dreg:s7], $0x2FFFF;
	_ =	strace $0x9FFFFFFF  }
0xc2: {  	(tm) =	ssettm $0x7FFFFFFF  }
0xc3: {  	_ =	shalt  }
tec
execute0_lowered:
.L_overlay_start_1:
0x0: {  	(tag) =	ssettag $0x1  }
0x1: {  	s0 =	srdreg.scid;
	s1 =	rddreg [dreg:$0x0]  }
0x2: {  	s6 =	stileid.u32;
	s4 =	rddreg [dreg:$0x1];
	s28 =	simm.s32 $0x7800  }
0x3: {  	s31 =	simm.s32 $0x7C00;
	s30 =	simm.s32 $0x8000;
	s10 =	simm.s32 $0xA000  }
0x4: {  	s11 =	simm.s32 $0xA400;
	s12 =	simm.s32 $0xA800;
	s14 =	simm.s32 $0xAC00  }
0x5: {  	s15 =	simm.s32 $0xB000;
	s16 =	simm.s32 $0xB400;
	s17 =	simm.s32 $0xB800  }
0x6: {  	s13 =	simm.s32 $0xC000;
	s29 =	simm.s32 $0xE400;
	s18 =	simm.s32 $0x1  }
0x7: {  	s19 =	simm.s32 $0x3;
	s20 =	simm.s32 $0x2;
	s21 =	simm.s32 $0x4  }
0x8: {  	s0 =	sand.u32 $0x1, s0;
	s2 =	sshll.u32 s6, $0x1;
	s6 =	smul.u32 $0xC800, s6  }
0x9: {  	s22 =	simm.s32 $0x0;
	s5 =	sor.u32 s0, s2;
	s8 =	smul.u32 $0x6400, s0  }
0xa: {  	s2 =	simm.s32 $0x0;
	s0 =	ssub.s32 $0x2, s0;
	s3 =	smul.u32 $0x6400, s5  }
0xb: {  	[smem:$0x7FF] =	sst s2;
	s23 =	sshrl.u32 s0, $0x1;
	s9 =	smul.u32 $0x190000, s5  }
0xc: {  	s5 =	smul.u32 $0x32000, s5;
	_ =	strace $0x80000047;
	s6 =	sadd.s32 s8, s6  }
0xd: {  	s0 =	ssub.s32 s0, s23;
	s23 =	simm.s32 $0x6C00;
	s8 =	simm.s32 $0x9C00  }
0xe: {  	[dreg:$0x9] =	wrdreg s22;
	s7 =	sshrl.u32 s3, $0x3;
	s3 =	sadd.s32 $0xF42E00, s1  }
0xf: {  	s6 =	sshll.u32 s6, $0x3;
	s24 =	sshrl.u32 s9, $0x3;
	s5 =	sadd.s32 s4, s5  }
0x10: {  	s0 =	smax.u32 s0, $0x1;
	s9 =	simm.s32 $0xBC00;
	[dreg:$0x6] =	wrdreg s5  }
0x11: {  	s1 =	sadd.s32 s7, s1;
	s6 =	sadd.s32 s4, s6;
	[dreg:$0x8] =	wrdreg s0  }
0x12: {  	s0 =	simm.s32 $0x8800;
	s5 =	simm.s32 $0x9000;
	s1 =	sadd.s32 $0xA00, s1  }
0x13: {  	s7 =	simm.s32 $0x9800;
	s25 =	sadd.s32 $0x1000, s6;
	[dreg:$0x5] =	wrdreg s1  }
0x14: {  	s26 =	sadd.s32 $0x2000, s6;
	s6 =	simm.s32 $0x9400;
	[dreg:$0x3] =	wrdreg s25  }
0x15: {  	s1 =	sadd.s32 s4, s24;
	[dreg:$0x4] =	wrdreg s26;
	s24 =	simm.s32 $0x6800  }
0x16: {  	s25 =	simm.s32 $0x7000;
	s26 =	simm.s32 $0x7400;
	s1 =	sadd.s32 $0x31000, s1  }
0x17: {  	vm0 =	vmmov $0xffff;
	s4 =	simm.s32 $0x8C00;
	[dreg:$0x7] =	wrdreg s1;
	s1 =	simm.s32 $0x8400  }
.LBB2_1:
0x18: {  	s22 =	rddreg [dreg:$0x5]  }
0x19: {  	[tilespmem:s2], [sflag:$0x5] =	stream.linear.gather [hbm4b:s22+s2], $0x6400, $0x38;
	[tilespmem:$0x16400] =	vst v63  }
0x1a: {  	s22 =	simm.s32 $0x5  }
0x1b: {  	_ =	swait.ge [sflag:s22], $0x6400  }
0x1c: {  	[sflag:s22] =	ssyncset.done $0x0  }
0x1d: {  	[sflag:s22] =	ssyncadd.s32 $0xFFFF9C00  }
0x1e: {  	v0 =	vld [tilespmem:$0x0];
	_ =	sdelay $0x6  }
0x1f: {  	s22 =	simm.s32 $0x6400  }
0x20: {  	[tilespmem:s22], [sflag:$0x1] =	stream.indirect_vreg.gather [hbm4b:s3+s2], $0x40, v0, vm0, $0xb8;
	[tilespmem:$0x16400] =	vst v63  }
0x21: {  	v0 =	vld [tilespmem:$0x10];
	_ =	sdelay $0x7  }
0x22: {  	[tilespmem:s24], [sflag:$0x1] =	stream.indirect_vreg.gather [hbm4b:s3+s2], $0x40, v0, vm0, $0xb8;
	[tilespmem:$0x16400] =	vst v63  }
0x23: {  	v0 =	vld [tilespmem:$0x20];
	_ =	sdelay $0x7  }
0x24: {  	[tilespmem:s23], [sflag:$0x1] =	stream.indirect_vreg.gather [hbm4b:s3+s2], $0x40, v0, vm0, $0xb8;
	[tilespmem:$0x16400] =	vst v63  }
0x25: {  	v0 =	vld [tilespmem:$0x30];
	_ =	sdelay $0x7  }
0x26: {  	[tilespmem:s25], [sflag:$0x1] =	stream.indirect_vreg.gather [hbm4b:s3+s2], $0x40, v0, vm0, $0xb8;
	[tilespmem:$0x16400] =	vst v63  }
0x27: {  	v0 =	vld [tilespmem:$0x40];
	_ =	sdelay $0x7  }
0x28: {  	[tilespmem:s26], [sflag:$0x1] =	stream.indirect_vreg.gather [hbm4b:s3+s2], $0x40, v0, vm0, $0xb8;
	[tilespmem:$0x16400] =	vst v63  }
0x29: {  	v0 =	vld [tilespmem:$0x50];
	_ =	sdelay $0x7  }
0x2a: {  	[tilespmem:s28], [sflag:$0x1] =	stream.indirect_vreg.gather [hbm4b:s3+s2], $0x40, v0, vm0, $0xb8;
	[tilespmem:$0x16400] =	vst v63  }
0x2b: {  	v0 =	vld [tilespmem:$0x60];
	_ =	sdelay $0x7  }
0x2c: {  	[tilespmem:s31], [sflag:$0x1] =	stream.indirect_vreg.gather [hbm4b:s3+s2], $0x40, v0, vm0, $0xb8;
	[tilespmem:$0x16400] =	vst v63  }
0x2d: {  	v0 =	vld [tilespmem:$0x70];
	_ =	sdelay $0x7  }
0x2e: {  	[tilespmem:s30], [sflag:$0x1] =	stream.indirect_vreg.gather [hbm4b:s3+s2], $0x40, v0, vm0, $0xb8;
	[tilespmem:$0x16400] =	vst v63  }
0x2f: {  	v0 =	vld [tilespmem:$0x80];
	_ =	sdelay $0x7  }
0x30: {  	[tilespmem:s1], [sflag:$0x1] =	stream.indirect_vreg.gather [hbm4b:s3+s2], $0x40, v0, vm0, $0xb8;
	[tilespmem:$0x16400] =	vst v63  }
0x31: {  	v0 =	vld [tilespmem:$0x90];
	_ =	sdelay $0x7  }
0x32: {  	[tilespmem:s0], [sflag:$0x1] =	stream.indirect_vreg.gather [hbm4b:s3+s2], $0x40, v0, vm0, $0xb8;
	[tilespmem:$0x16400] =	vst v63  }
0x33: {  	v0 =	vld [tilespmem:$0xA0];
	_ =	sdelay $0x7  }
0x34: {  	[tilespmem:s4], [sflag:$0x1] =	stream.indirect_vreg.gather [hbm4b:s3+s2], $0x40, v0, vm0, $0xb8;
	[tilespmem:$0x16400] =	vst v63  }
0x35: {  	v0 =	vld [tilespmem:$0xB0];
	_ =	sdelay $0x7  }
0x36: {  	[tilespmem:s5], [sflag:$0x1] =	stream.indirect_vreg.gather [hbm4b:s3+s2], $0x40, v0, vm0, $0xb8;
	[tilespmem:$0x16400] =	vst v63  }
0x37: {  	v0 =	vld [tilespmem:$0xC0];
	_ =	sdelay $0x7  }
0x38: {  	[tilespmem:s6], [sflag:$0x1] =	stream.indirect_vreg.gather [hbm4b:s3+s2], $0x40, v0, vm0, $0xb8;
	[tilespmem:$0x16400] =	vst v63  }
0x39: {  	v0 =	vld [tilespmem:$0xD0];
	_ =	sdelay $0x7  }
0x3a: {  	[tilespmem:s7], [sflag:$0x1] =	stream.indirect_vreg.gather [hbm4b:s3+s2], $0x40, v0, vm0, $0xb8;
	[tilespmem:$0x16400] =	vst v63  }
0x3b: {  	v0 =	vld [tilespmem:$0xE0];
	_ =	sdelay $0x7  }
0x3c: {  	[tilespmem:s8], [sflag:$0x1] =	stream.indirect_vreg.gather [hbm4b:s3+s2], $0x40, v0, vm0, $0xb8;
	[tilespmem:$0x16400] =	vst v63  }
0x3d: {  	v0 =	vld [tilespmem:$0xF0];
	_ =	sdelay $0x7  }
0x3e: {  	[tilespmem:s10], [sflag:$0x1] =	stream.indirect_vreg.gather [hbm4b:s3+s2], $0x40, v0, vm0, $0xb8;
	[tilespmem:$0x16400] =	vst v63  }
0x3f: {  	v0 =	vld [tilespmem:$0x100];
	_ =	sdelay $0x7  }
0x40: {  	[tilespmem:s11], [sflag:$0x1] =	stream.indirect_vreg.gather [hbm4b:s3+s2], $0x40, v0, vm0, $0xb8;
	[tilespmem:$0x16400] =	vst v63  }
0x41: {  	v0 =	vld [tilespmem:$0x110];
	_ =	sdelay $0x7  }
0x42: {  	[tilespmem:s12], [sflag:$0x1] =	stream.indirect_vreg.gather [hbm4b:s3+s2], $0x40, v0, vm0, $0xb8;
	[tilespmem:$0x16400] =	vst v63  }
0x43: {  	v0 =	vld [tilespmem:$0x120];
	_ =	sdelay $0x7  }
0x44: {  	[tilespmem:s14], [sflag:$0x1] =	stream.indirect_vreg.gather [hbm4b:s3+s2], $0x40, v0, vm0, $0xb8;
	[tilespmem:$0x16400] =	vst v63  }
0x45: {  	v0 =	vld [tilespmem:$0x130];
	_ =	sdelay $0x7  }
0x46: {  	[tilespmem:s15], [sflag:$0x1] =	stream.indirect_vreg.gather [hbm4b:s3+s2], $0x40, v0, vm0, $0xb8;
	[tilespmem:$0x16400] =	vst v63  }
0x47: {  	v0 =	vld [tilespmem:$0x140];
	_ =	sdelay $0x7  }
0x48: {  	[tilespmem:s16], [sflag:$0x1] =	stream.indirect_vreg.gather [hbm4b:s3+s2], $0x40, v0, vm0, $0xb8;
	[tilespmem:$0x16400] =	vst v63  }
0x49: {  	v0 =	vld [tilespmem:$0x150];
	_ =	sdelay $0x7  }
0x4a: {  	[tilespmem:s17], [sflag:$0x1] =	stream.indirect_vreg.gather [hbm4b:s3+s2], $0x40, v0, vm0, $0xb8;
	[tilespmem:$0x16400] =	vst v63  }
0x4b: {  	v0 =	vld [tilespmem:$0x160];
	_ =	sdelay $0x7  }
0x4c: {  	[tilespmem:s9], [sflag:$0x1] =	stream.indirect_vreg.gather [hbm4b:s3+s2], $0x40, v0, vm0, $0xb8;
	[tilespmem:$0x16400] =	vst v63  }
0x4d: {  	v0 =	vld [tilespmem:$0x170];
	_ =	sdelay $0x7  }
0x4e: {  	[tilespmem:s13], [sflag:$0x1] =	stream.indirect_vreg.gather [hbm4b:s3+s2], $0x40, v0, vm0, $0xb8;
	[tilespmem:$0x16400] =	vst v63  }
0x4f: {  	v0 =	vld [tilespmem:$0x180];
	_ =	sdelay $0x6  }
0x50: {  	s4 =	simm.s32 $0xC400  }
0x51: {  	[tilespmem:s4], [sflag:$0x1] =	stream.indirect_vreg.gather [hbm4b:s3+s2], $0x40, v0, vm0, $0xb8;
	[tilespmem:$0x16400] =	vst v63  }
0x52: {  	v0 =	vld [tilespmem:$0x190];
	_ =	sdelay $0x6  }
0x53: {  	s5 =	simm.s32 $0xC800  }
0x54: {  	[tilespmem:s5], [sflag:$0x1] =	stream.indirect_vreg.gather [hbm4b:s3+s2], $0x40, v0, vm0, $0xb8;
	[tilespmem:$0x16400] =	vst v63  }
0x55: {  	v0 =	vld [tilespmem:$0x1A0];
	_ =	sdelay $0x6  }
0x56: {  	s6 =	simm.s32 $0xCC00  }
0x57: {  	[tilespmem:s6], [sflag:$0x1] =	stream.indirect_vreg.gather [hbm4b:s3+s2], $0x40, v0, vm0, $0xb8;
	[tilespmem:$0x16400] =	vst v63  }
0x58: {  	v0 =	vld [tilespmem:$0x1B0];
	_ =	sdelay $0x6  }
0x59: {  	s7 =	simm.s32 $0xD000  }
0x5a: {  	[tilespmem:s7], [sflag:$0x1] =	stream.indirect_vreg.gather [hbm4b:s3+s2], $0x40, v0, vm0, $0xb8;
	[tilespmem:$0x16400] =	vst v63  }
0x5b: {  	v0 =	vld [tilespmem:$0x1C0];
	_ =	sdelay $0x6  }
0x5c: {  	s8 =	simm.s32 $0xD400  }
0x5d: {  	[tilespmem:s8], [sflag:$0x1] =	stream.indirect_vreg.gather [hbm4b:s3+s2], $0x40, v0, vm0, $0xb8;
	[tilespmem:$0x16400] =	vst v63  }
0x5e: {  	v0 =	vld [tilespmem:$0x1D0];
	_ =	sdelay $0x6  }
0x5f: {  	s9 =	simm.s32 $0xD800  }
0x60: {  	[tilespmem:s9], [sflag:$0x1] =	stream.indirect_vreg.gather [hbm4b:s3+s2], $0x40, v0, vm0, $0xb8;
	[tilespmem:$0x16400] =	vst v63  }
0x61: {  	v0 =	vld [tilespmem:$0x1E0];
	_ =	sdelay $0x6  }
0x62: {  	s10 =	simm.s32 $0xDC00  }
0x63: {  	[tilespmem:s10], [sflag:$0x1] =	stream.indirect_vreg.gather [hbm4b:s3+s2], $0x40, v0, vm0, $0xb8;
	[tilespmem:$0x16400] =	vst v63  }
0x64: {  	v0 =	vld [tilespmem:$0x1F0];
	_ =	sdelay $0x6  }
0x65: {  	s11 =	simm.s32 $0xE000  }
0x66: {  	[tilespmem:s11], [sflag:$0x1] =	stream.indirect_vreg.gather [hbm4b:s3+s2], $0x40, v0, vm0, $0xb8;
	[tilespmem:$0x16400] =	vst v63  }
0x67: {  	v0 =	vld [tilespmem:$0x200];
	_ =	sdelay $0x7  }
0x68: {  	[tilespmem:s29], [sflag:$0x2] =	stream.indirect_vreg.gather [hbm4b:s3+s2], $0x40, v0, vm0, $0xb8;
	[tilespmem:$0x16400] =	vst v63  }
0x69: {  	v0 =	vld [tilespmem:$0x210];
	_ =	sdelay $0x6  }
0x6a: {  	s12 =	simm.s32 $0xE800  }
0x6b: {  	[tilespmem:s12], [sflag:$0x2] =	stream.indirect_vreg.gather [hbm4b:s3+s2], $0x40, v0, vm0, $0xb8;
	[tilespmem:$0x16400] =	vst v63  }
0x6c: {  	v0 =	vld [tilespmem:$0x220];
	_ =	sdelay $0x6  }
0x6d: {  	s13 =	simm.s32 $0xEC00  }
0x6e: {  	[tilespmem:s13], [sflag:$0x2] =	stream.indirect_vreg.gather [hbm4b:s3+s2], $0x40, v0, vm0, $0xb8;
	[tilespmem:$0x16400] =	vst v63  }
0x6f: {  	v0 =	vld [tilespmem:$0x230];
	_ =	sdelay $0x6  }
0x70: {  	s14 =	simm.s32 $0xF000  }
0x71: {  	[tilespmem:s14], [sflag:$0x2] =	stream.indirect_vreg.gather [hbm4b:s3+s2], $0x40, v0, vm0, $0xb8;
	[tilespmem:$0x16400] =	vst v63  }
0x72: {  	v0 =	vld [tilespmem:$0x240];
	_ =	sdelay $0x6  }
0x73: {  	s15 =	simm.s32 $0xF400  }
0x74: {  	[tilespmem:s15], [sflag:$0x2] =	stream.indirect_vreg.gather [hbm4b:s3+s2], $0x40, v0, vm0, $0xb8;
	[tilespmem:$0x16400] =	vst v63  }
0x75: {  	v0 =	vld [tilespmem:$0x250];
	_ =	sdelay $0x6  }
0x76: {  	s16 =	simm.s32 $0xF800  }
0x77: {  	[tilespmem:s16], [sflag:$0x2] =	stream.indirect_vreg.gather [hbm4b:s3+s2], $0x40, v0, vm0, $0xb8;
	[tilespmem:$0x16400] =	vst v63  }
0x78: {  	v0 =	vld [tilespmem:$0x260];
	_ =	sdelay $0x6  }
0x79: {  	s17 =	simm.s32 $0xFC00  }
0x7a: {  	[tilespmem:s17], [sflag:$0x2] =	stream.indirect_vreg.gather [hbm4b:s3+s2], $0x40, v0, vm0, $0xb8;
	[tilespmem:$0x16400] =	vst v63  }
0x7b: {  	v0 =	vld [tilespmem:$0x270];
	_ =	sdelay $0x6  }
0x7c: {  	s22 =	simm.s32 $0x10000  }
0x7d: {  	[tilespmem:s22], [sflag:$0x2] =	stream.indirect_vreg.gather [hbm4b:s3+s2], $0x40, v0, vm0, $0xb8;
	[tilespmem:$0x16400] =	vst v63  }
0x7e: {  	v0 =	vld [tilespmem:$0x280];
	_ =	sdelay $0x6  }
0x7f: {  	s23 =	simm.s32 $0x10400  }
0x80: {  	[tilespmem:s23], [sflag:$0x2] =	stream.indirect_vreg.gather [hbm4b:s3+s2], $0x40, v0, vm0, $0xb8;
	[tilespmem:$0x16400] =	vst v63  }
0x81: {  	v0 =	vld [tilespmem:$0x290];
	_ =	sdelay $0x6  }
0x82: {  	s25 =	simm.s32 $0x10800  }
0x83: {  	[tilespmem:s25], [sflag:$0x2] =	stream.indirect_vreg.gather [hbm4b:s3+s2], $0x40, v0, vm0, $0xb8;
	[tilespmem:$0x16400] =	vst v63  }
0x84: {  	v0 =	vld [tilespmem:$0x2A0];
	_ =	sdelay $0x6  }
0x85: {  	s26 =	simm.s32 $0x10C00  }
0x86: {  	[tilespmem:s26], [sflag:$0x2] =	stream.indirect_vreg.gather [hbm4b:s3+s2], $0x40, v0, vm0, $0xb8;
	[tilespmem:$0x16400] =	vst v63  }
0x87: {  	v0 =	vld [tilespmem:$0x2B0];
	_ =	sdelay $0x6  }
0x88: {  	s29 =	simm.s32 $0x11000  }
0x89: {  	[tilespmem:s29], [sflag:$0x2] =	stream.indirect_vreg.gather [hbm4b:s3+s2], $0x40, v0, vm0, $0xb8;
	[tilespmem:$0x16400] =	vst v63  }
0x8a: {  	v0 =	vld [tilespmem:$0x2C0];
	_ =	sdelay $0x6  }
0x8b: {  	s31 =	simm.s32 $0x11400  }
0x8c: {  	[tilespmem:s31], [sflag:$0x2] =	stream.indirect_vreg.gather [hbm4b:s3+s2], $0x40, v0, vm0, $0xb8;
	[tilespmem:$0x16400] =	vst v63  }
0x8d: {  	v0 =	vld [tilespmem:$0x2D0];
	_ =	sdelay $0x6  }
0x8e: {  	s1 =	simm.s32 $0x11800  }
0x8f: {  	[tilespmem:s1], [sflag:$0x2] =	stream.indirect_vreg.gather [hbm4b:s3+s2], $0x40, v0, vm0, $0xb8;
	[tilespmem:$0x16400] =	vst v63  }
0x90: {  	v0 =	vld [tilespmem:$0x2E0];
	_ =	sdelay $0x6  }
0x91: {  	s4 =	simm.s32 $0x11C00  }
0x92: {  	[tilespmem:s4], [sflag:$0x2] =	stream.indirect_vreg.gather [hbm4b:s3+s2], $0x40, v0, vm0, $0xb8;
	[tilespmem:$0x16400] =	vst v63  }
0x93: {  	v0 =	vld [tilespmem:$0x2F0];
	_ =	sdelay $0x6  }
0x94: {  	s5 =	simm.s32 $0x12000  }
0x95: {  	[tilespmem:s5], [sflag:$0x2] =	stream.indirect_vreg.gather [hbm4b:s3+s2], $0x40, v0, vm0, $0xb8;
	[tilespmem:$0x16400] =	vst v63  }
0x96: {  	v0 =	vld [tilespmem:$0x300];
	_ =	sdelay $0x6  }
0x97: {  	s6 =	simm.s32 $0x12400  }
0x98: {  	[tilespmem:s6], [sflag:$0x2] =	stream.indirect_vreg.gather [hbm4b:s3+s2], $0x40, v0, vm0, $0xb8;
	[tilespmem:$0x16400] =	vst v63  }
0x99: {  	v0 =	vld [tilespmem:$0x310];
	_ =	sdelay $0x6  }
0x9a: {  	s7 =	simm.s32 $0x12800  }
0x9b: {  	[tilespmem:s7], [sflag:$0x2] =	stream.indirect_vreg.gather [hbm4b:s3+s2], $0x40, v0, vm0, $0xb8;
	[tilespmem:$0x16400] =	vst v63  }
0x9c: {  	v0 =	vld [tilespmem:$0x320];
	_ =	sdelay $0x6  }
0x9d: {  	s8 =	simm.s32 $0x12C00  }
0x9e: {  	[tilespmem:s8], [sflag:$0x2] =	stream.indirect_vreg.gather [hbm4b:s3+s2], $0x40, v0, vm0, $0xb8;
	[tilespmem:$0x16400] =	vst v63  }
0x9f: {  	v0 =	vld [tilespmem:$0x330];
	_ =	sdelay $0x6  }
0xa0: {  	s9 =	simm.s32 $0x13000  }
0xa1: {  	[tilespmem:s9], [sflag:$0x2] =	stream.indirect_vreg.gather [hbm4b:s3+s2], $0x40, v0, vm0, $0xb8;
	[tilespmem:$0x16400] =	vst v63  }
0xa2: {  	v0 =	vld [tilespmem:$0x340];
	_ =	sdelay $0x6  }
0xa3: {  	s10 =	simm.s32 $0x13400  }
0xa4: {  	[tilespmem:s10], [sflag:$0x2] =	stream.indirect_vreg.gather [hbm4b:s3+s2], $0x40, v0, vm0, $0xb8;
	[tilespmem:$0x16400] =	vst v63  }
0xa5: {  	v0 =	vld [tilespmem:$0x350];
	_ =	sdelay $0x6  }
0xa6: {  	s11 =	simm.s32 $0x13800  }
0xa7: {  	[tilespmem:s11], [sflag:$0x2] =	stream.indirect_vreg.gather [hbm4b:s3+s2], $0x40, v0, vm0, $0xb8;
	[tilespmem:$0x16400] =	vst v63  }
0xa8: {  	v0 =	vld [tilespmem:$0x360];
	_ =	sdelay $0x6  }
0xa9: {  	s12 =	simm.s32 $0x13C00  }
0xaa: {  	[tilespmem:s12], [sflag:$0x2] =	stream.indirect_vreg.gather [hbm4b:s3+s2], $0x40, v0, vm0, $0xb8;
	[tilespmem:$0x16400] =	vst v63  }
0xab: {  	v0 =	vld [tilespmem:$0x370];
	_ =	sdelay $0x6  }
0xac: {  	s13 =	simm.s32 $0x14000  }
0xad: {  	[tilespmem:s13], [sflag:$0x2] =	stream.indirect_vreg.gather [hbm4b:s3+s2], $0x40, v0, vm0, $0xb8;
	[tilespmem:$0x16400] =	vst v63  }
0xae: {  	v0 =	vld [tilespmem:$0x380];
	_ =	sdelay $0x6  }
0xaf: {  	s14 =	simm.s32 $0x14400  }
0xb0: {  	[tilespmem:s14], [sflag:$0x2] =	stream.indirect_vreg.gather [hbm4b:s3+s2], $0x40, v0, vm0, $0xb8;
	[tilespmem:$0x16400] =	vst v63  }
0xb1: {  	v0 =	vld [tilespmem:$0x390];
	_ =	sdelay $0x6  }
0xb2: {  	s15 =	simm.s32 $0x14800  }
0xb3: {  	[tilespmem:s15], [sflag:$0x2] =	stream.indirect_vreg.gather [hbm4b:s3+s2], $0x40, v0, vm0, $0xb8;
	[tilespmem:$0x16400] =	vst v63  }
0xb4: {  	v0 =	vld [tilespmem:$0x3A0];
	_ =	sdelay $0x6  }
0xb5: {  	s16 =	simm.s32 $0x14C00  }
0xb6: {  	[tilespmem:s16], [sflag:$0x2] =	stream.indirect_vreg.gather [hbm4b:s3+s2], $0x40, v0, vm0, $0xb8;
	[tilespmem:$0x16400] =	vst v63  }
0xb7: {  	v0 =	vld [tilespmem:$0x3B0];
	_ =	sdelay $0x6  }
0xb8: {  	s17 =	simm.s32 $0x15000  }
0xb9: {  	[tilespmem:s17], [sflag:$0x2] =	stream.indirect_vreg.gather [hbm4b:s3+s2], $0x40, v0, vm0, $0xb8;
	[tilespmem:$0x16400] =	vst v63  }
0xba: {  	v0 =	vld [tilespmem:$0x3C0];
	_ =	sdelay $0x6  }
0xbb: {  	s22 =	simm.s32 $0x15400  }
0xbc: {  	[tilespmem:s22], [sflag:$0x2] =	stream.indirect_vreg.gather [hbm4b:s3+s2], $0x40, v0, vm0, $0xb8;
	[tilespmem:$0x16400] =	vst v63  }
0xbd: {  	v0 =	vld [tilespmem:$0x3D0];
	_ =	sdelay $0x6  }
0xbe: {  	s23 =	simm.s32 $0x15800  }
0xbf: {  	[tilespmem:s23], [sflag:$0x2] =	stream.indirect_vreg.gather [hbm4b:s3+s2], $0x40, v0, vm0, $0xb8;
	[tilespmem:$0x16400] =	vst v63  }
0xc0: {  	v0 =	vld [tilespmem:$0x3E0];
	_ =	sdelay $0x6  }
0xc1: {  	s25 =	simm.s32 $0x15C00  }
0xc2: {  	[tilespmem:s25], [sflag:$0x2] =	stream.indirect_vreg.gather [hbm4b:s3+s2], $0x40, v0, vm0, $0xb8;
	[tilespmem:$0x16400] =	vst v63  }
0xc3: {  	v0 =	vld [tilespmem:$0x3F0]  }
0xc4: {  	s28 =	simm.s32 $0x7400  }
0xc5: {  	s30 =	simm.s32 $0x7C00;
	s0 =	simm.s32 $0x8800;
	s26 =	simm.s32 $0x16000  }
0xc6: {  	s31 =	simm.s32 $0x6400;
	s1 =	simm.s32 $0x8400;
	s4 =	simm.s32 $0x8C00  }
0xc7: {  	s5 =	simm.s32 $0x9000;
	s6 =	simm.s32 $0x9400;
	s7 =	simm.s32 $0x9800  }
0xc8: {  	s8 =	simm.s32 $0x9C00;
	s9 =	simm.s32 $0xBC00;
	s10 =	simm.s32 $0xA000  }
0xc9: {  	s11 =	simm.s32 $0xA400;
	s12 =	simm.s32 $0xA800;
	s13 =	simm.s32 $0x6400  }
0xca: {  	s14 =	simm.s32 $0xAC00;
	s15 =	simm.s32 $0xB000;
	s16 =	simm.s32 $0xB400  }
0xcb: {  	[tilespmem:s26], [sflag:$0x2] =	stream.indirect_vreg.gather [hbm4b:s3+s2], $0x40, v0, vm0, $0xb8;
	[tilespmem:$0x16400] =	vst v63  }
0xcc: {  	s17 =	simm.s32 $0xB800;
	s22 =	simm.s32 $0x7F0;
	_ =	swait.ge [sflag:s18], $0x8000  }
0xcd: {  	s23 =	simm.s32 $0x0;
	s25 =	simm.s32 $0x6C00;
	[sflag:s18] =	ssyncset.done $0x0  }
0xce: {  	s26 =	simm.s32 $0xC000;
	s29 =	rddreg [dreg:$0x6];
	[sflag:s18] =	ssyncadd.s32 $0xFFFF8000  }
0xcf: {  	[hbm4b:s29+s2] =	stream.linear.scatter [tilespmem:s31], [sflag:$0x3], $0x8000, $0x38;
	[tilespmem:$0x16400] =	vst v63  }
.LBB2_2:
0xd0: {  	_ =	swait.ge [sflag:s19], $0x8000  }
0xd1: {  	[sflag:s19] =	ssyncset.done $0x0  }
0xd2: {  	[sflag:s19] =	ssyncadd.s32 $0xFFFF8000  }
0xd3: {  	v0 =	vld [tilespmem:s22+$0xFFFFFC10];
	_ =	sdelay $0x7  }
0xd4: {  	[tilespmem:s13], [sflag:$0x1] =	stream.indirect_vreg.gather [hbm4b:s3+s2], $0x40, v0, vm0, $0xb8;
	[tilespmem:$0x16400] =	vst v63  }
0xd5: {  	v0 =	vld [tilespmem:s22+$0xFFFFFC20];
	_ =	sdelay $0x7  }
0xd6: {  	[tilespmem:s24], [sflag:$0x1] =	stream.indirect_vreg.gather [hbm4b:s3+s2], $0x40, v0, vm0, $0xb8;
	[tilespmem:$0x16400] =	vst v63  }
0xd7: {  	v0 =	vld [tilespmem:s22+$0xFFFFFC30];
	_ =	sdelay $0x7  }
0xd8: {  	[tilespmem:s25], [sflag:$0x1] =	stream.indirect_vreg.gather [hbm4b:s3+s2], $0x40, v0, vm0, $0xb8;
	[tilespmem:$0x16400] =	vst v63  }
0xd9: {  	v0 =	vld [tilespmem:s22+$0xFFFFFC40];
	_ =	sdelay $0x6  }
0xda: {  	s31 =	simm.s32 $0x7000  }
0xdb: {  	[tilespmem:s31], [sflag:$0x1] =	stream.indirect_vreg.gather [hbm4b:s3+s2], $0x40, v0, vm0, $0xb8;
	[tilespmem:$0x16400] =	vst v63  }
0xdc: {  	v0 =	vld [tilespmem:s22+$0xFFFFFC50];
	_ =	sdelay $0x7  }
0xdd: {  	[tilespmem:s28], [sflag:$0x1] =	stream.indirect_vreg.gather [hbm4b:s3+s2], $0x40, v0, vm0, $0xb8;
	[tilespmem:$0x16400] =	vst v63  }
0xde: {  	v0 =	vld [tilespmem:s22+$0xFFFFFC60];
	_ =	sdelay $0x6  }
0xdf: {  	s31 =	simm.s32 $0x7800  }
0xe0: {  	[tilespmem:s31], [sflag:$0x1] =	stream.indirect_vreg.gather [hbm4b:s3+s2], $0x40, v0, vm0, $0xb8;
	[tilespmem:$0x16400] =	vst v63  }
0xe1: {  	v0 =	vld [tilespmem:s22+$0xFFFFFC70];
	_ =	sdelay $0x7  }
0xe2: {  	[tilespmem:s30], [sflag:$0x1] =	stream.indirect_vreg.gather [hbm4b:s3+s2], $0x40, v0, vm0, $0xb8;
	[tilespmem:$0x16400] =	vst v63  }
0xe3: {  	v0 =	vld [tilespmem:s22+$0xFFFFFC80];
	_ =	sdelay $0x6  }
0xe4: {  	s31 =	simm.s32 $0x8000  }
0xe5: {  	[tilespmem:s31], [sflag:$0x1] =	stream.indirect_vreg.gather [hbm4b:s3+s2], $0x40, v0, vm0, $0xb8;
	[tilespmem:$0x16400] =	vst v63  }
0xe6: {  	v0 =	vld [tilespmem:s22+$0xFFFFFC90];
	_ =	sdelay $0x7  }
0xe7: {  	[tilespmem:s1], [sflag:$0x1] =	stream.indirect_vreg.gather [hbm4b:s3+s2], $0x40, v0, vm0, $0xb8;
	[tilespmem:$0x16400] =	vst v63  }
0xe8: {  	v0 =	vld [tilespmem:s22+$0xFFFFFCA0];
	_ =	sdelay $0x7  }
0xe9: {  	[tilespmem:s0], [sflag:$0x1] =	stream.indirect_vreg.gather [hbm4b:s3+s2], $0x40, v0, vm0, $0xb8;
	[tilespmem:$0x16400] =	vst v63  }
0xea: {  	v0 =	vld [tilespmem:s22+$0xFFFFFCB0];
	_ =	sdelay $0x7  }
0xeb: {  	[tilespmem:s4], [sflag:$0x1] =	stream.indirect_vreg.gather [hbm4b:s3+s2], $0x40, v0, vm0, $0xb8;
	[tilespmem:$0x16400] =	vst v63  }
0xec: {  	v0 =	vld [tilespmem:s22+$0xFFFFFCC0];
	_ =	sdelay $0x7  }
0xed: {  	[tilespmem:s5], [sflag:$0x1] =	stream.indirect_vreg.gather [hbm4b:s3+s2], $0x40, v0, vm0, $0xb8;
	[tilespmem:$0x16400] =	vst v63  }
0xee: {  	v0 =	vld [tilespmem:s22+$0xFFFFFCD0];
	_ =	sdelay $0x7  }
0xef: {  	[tilespmem:s6], [sflag:$0x1] =	stream.indirect_vreg.gather [hbm4b:s3+s2], $0x40, v0, vm0, $0xb8;
	[tilespmem:$0x16400] =	vst v63  }
0xf0: {  	v0 =	vld [tilespmem:s22+$0xFFFFFCE0];
	_ =	sdelay $0x7  }
0xf1: {  	[tilespmem:s7], [sflag:$0x1] =	stream.indirect_vreg.gather [hbm4b:s3+s2], $0x40, v0, vm0, $0xb8;
	[tilespmem:$0x16400] =	vst v63  }
0xf2: {  	v0 =	vld [tilespmem:s22+$0xFFFFFCF0];
	_ =	sdelay $0x7  }
0xf3: {  	[tilespmem:s8], [sflag:$0x1] =	stream.indirect_vreg.gather [hbm4b:s3+s2], $0x40, v0, vm0, $0xb8;
	[tilespmem:$0x16400] =	vst v63  }
0xf4: {  	v0 =	vld [tilespmem:s22+$0xFFFFFD00];
	_ =	sdelay $0x7  }
0xf5: {  	[tilespmem:s10], [sflag:$0x1] =	stream.indirect_vreg.gather [hbm4b:s3+s2], $0x40, v0, vm0, $0xb8;
	[tilespmem:$0x16400] =	vst v63  }
0xf6: {  	v0 =	vld [tilespmem:s22+$0xFFFFFD10];
	_ =	sdelay $0x7  }
0xf7: {  	[tilespmem:s11], [sflag:$0x1] =	stream.indirect_vreg.gather [hbm4b:s3+s2], $0x40, v0, vm0, $0xb8;
	[tilespmem:$0x16400] =	vst v63  }
0xf8: {  	v0 =	vld [tilespmem:s22+$0xFFFFFD20];
	_ =	sdelay $0x7  }
0xf9: {  	[tilespmem:s12], [sflag:$0x1] =	stream.indirect_vreg.gather [hbm4b:s3+s2], $0x40, v0, vm0, $0xb8;
	[tilespmem:$0x16400] =	vst v63  }
0xfa: {  	v0 =	vld [tilespmem:s22+$0xFFFFFD30];
	_ =	sdelay $0x7  }
0xfb: {  	[tilespmem:s14], [sflag:$0x1] =	stream.indirect_vreg.gather [hbm4b:s3+s2], $0x40, v0, vm0, $0xb8;
	[tilespmem:$0x16400] =	vst v63  }
0xfc: {  	v0 =	vld [tilespmem:s22+$0xFFFFFD40];
	_ =	sdelay $0x7  }
0xfd: {  	[tilespmem:s15], [sflag:$0x1] =	stream.indirect_vreg.gather [hbm4b:s3+s2], $0x40, v0, vm0, $0xb8;
	[tilespmem:$0x16400] =	vst v63  }
0xfe: {  	v0 =	vld [tilespmem:s22+$0xFFFFFD50];
	_ =	sdelay $0x7  }
0xff: {  	[tilespmem:s16], [sflag:$0x1] =	stream.indirect_vreg.gather [hbm4b:s3+s2], $0x40, v0, vm0, $0xb8;
	[tilespmem:$0x16400] =	vst v63  }
0x100: {  	v0 =	vld [tilespmem:s22+$0xFFFFFD60];
	_ =	sdelay $0x7  }
0x101: {  	[tilespmem:s17], [sflag:$0x1] =	stream.indirect_vreg.gather [hbm4b:s3+s2], $0x40, v0, vm0, $0xb8;
	[tilespmem:$0x16400] =	vst v63  }
0x102: {  	v0 =	vld [tilespmem:s22+$0xFFFFFD70];
	_ =	sdelay $0x7  }
0x103: {  	[tilespmem:s9], [sflag:$0x1] =	stream.indirect_vreg.gather [hbm4b:s3+s2], $0x40, v0, vm0, $0xb8;
	[tilespmem:$0x16400] =	vst v63  }
0x104: {  	v0 =	vld [tilespmem:s22+$0xFFFFFD80];
	_ =	sdelay $0x7  }
0x105: {  	[tilespmem:s26], [sflag:$0x1] =	stream.indirect_vreg.gather [hbm4b:s3+s2], $0x40, v0, vm0, $0xb8;
	[tilespmem:$0x16400] =	vst v63  }
0x106: {  	v0 =	vld [tilespmem:s22+$0xFFFFFD90];
	_ =	sdelay $0x6  }
0x107: {  	s31 =	simm.s32 $0xC400  }
0x108: {  	[tilespmem:s31], [sflag:$0x1] =	stream.indirect_vreg.gather [hbm4b:s3+s2], $0x40, v0, vm0, $0xb8;
	[tilespmem:$0x16400] =	vst v63  }
0x109: {  	v0 =	vld [tilespmem:s22+$0xFFFFFDA0];
	_ =	sdelay $0x6  }
0x10a: {  	s31 =	simm.s32 $0xC800  }
0x10b: {  	[tilespmem:s31], [sflag:$0x1] =	stream.indirect_vreg.gather [hbm4b:s3+s2], $0x40, v0, vm0, $0xb8;
	[tilespmem:$0x16400] =	vst v63  }
0x10c: {  	v0 =	vld [tilespmem:s22+$0xFFFFFDB0];
	_ =	sdelay $0x6  }
0x10d: {  	s31 =	simm.s32 $0xCC00  }
0x10e: {  	[tilespmem:s31], [sflag:$0x1] =	stream.indirect_vreg.gather [hbm4b:s3+s2], $0x40, v0, vm0, $0xb8;
	[tilespmem:$0x16400] =	vst v63  }
0x10f: {  	v0 =	vld [tilespmem:s22+$0xFFFFFDC0];
	_ =	sdelay $0x6  }
0x110: {  	s31 =	simm.s32 $0xD000  }
0x111: {  	[tilespmem:s31], [sflag:$0x1] =	stream.indirect_vreg.gather [hbm4b:s3+s2], $0x40, v0, vm0, $0xb8;
	[tilespmem:$0x16400] =	vst v63  }
0x112: {  	v0 =	vld [tilespmem:s22+$0xFFFFFDD0];
	_ =	sdelay $0x6  }
0x113: {  	s31 =	simm.s32 $0xD400  }
0x114: {  	[tilespmem:s31], [sflag:$0x1] =	stream.indirect_vreg.gather [hbm4b:s3+s2], $0x40, v0, vm0, $0xb8;
	[tilespmem:$0x16400] =	vst v63  }
0x115: {  	v0 =	vld [tilespmem:s22+$0xFFFFFDE0];
	_ =	sdelay $0x6  }
0x116: {  	s31 =	simm.s32 $0xD800  }
0x117: {  	[tilespmem:s31], [sflag:$0x1] =	stream.indirect_vreg.gather [hbm4b:s3+s2], $0x40, v0, vm0, $0xb8;
	[tilespmem:$0x16400] =	vst v63  }
0x118: {  	v0 =	vld [tilespmem:s22+$0xFFFFFDF0];
	_ =	sdelay $0x6  }
0x119: {  	s31 =	simm.s32 $0xDC00  }
0x11a: {  	[tilespmem:s31], [sflag:$0x1] =	stream.indirect_vreg.gather [hbm4b:s3+s2], $0x40, v0, vm0, $0xb8;
	[tilespmem:$0x16400] =	vst v63  }
0x11b: {  	v0 =	vld [tilespmem:s22+$0xFFFFFE00];
	_ =	sdelay $0x6  }
0x11c: {  	s31 =	simm.s32 $0xE000  }
0x11d: {  	[tilespmem:s31], [sflag:$0x1] =	stream.indirect_vreg.gather [hbm4b:s3+s2], $0x40, v0, vm0, $0xb8;
	[tilespmem:$0x16400] =	vst v63  }
0x11e: {  	_ =	swait.ge [sflag:s20], $0x8000  }
0x11f: {  	s31 =	rddreg [dreg:$0x3];
	[sflag:s20] =	ssyncset.done $0x0  }
0x120: {  	[sflag:s20] =	ssyncadd.s32 $0xFFFF8000;
	s24 =	sadd.s32 s23, s31;
	s31 =	simm.s32 $0xE400  }
0x121: {  	[hbm4b:s24+s2] =	stream.linear.scatter [tilespmem:s31], [sflag:$0x4], $0x8000, $0x38;
	[tilespmem:$0x16400] =	vst v63  }
0x122: {  	_ =	swait.ge [sflag:s21], $0x8000  }
0x123: {  	[sflag:s21] =	ssyncset.done $0x0  }
0x124: {  	[sflag:s21] =	ssyncadd.s32 $0xFFFF8000  }
0x125: {  	v63 =	vld [tilespmem:s22+$0xFFFFFE10];
	_ =	sdelay $0x7  }
0x126: {  	[tilespmem:s31], [sflag:$0x2] =	stream.indirect_vreg.gather [hbm4b:s3+s2], $0x40, v63, vm0, $0xb8;
	[tilespmem:$0x16400] =	vst v63  }
0x127: {  	v0 =	vld [tilespmem:s22+$0xFFFFFE20];
	_ =	sdelay $0x6  }
0x128: {  	s31 =	simm.s32 $0xE800  }
0x129: {  	[tilespmem:s31], [sflag:$0x2] =	stream.indirect_vreg.gather [hbm4b:s3+s2], $0x40, v0, vm0, $0xb8;
	[tilespmem:$0x16400] =	vst v63  }
0x12a: {  	v0 =	vld [tilespmem:s22+$0xFFFFFE30];
	_ =	sdelay $0x6  }
0x12b: {  	s31 =	simm.s32 $0xEC00  }
0x12c: {  	[tilespmem:s31], [sflag:$0x2] =	stream.indirect_vreg.gather [hbm4b:s3+s2], $0x40, v0, vm0, $0xb8;
	[tilespmem:$0x16400] =	vst v63  }
0x12d: {  	v0 =	vld [tilespmem:s22+$0xFFFFFE40];
	_ =	sdelay $0x6  }
0x12e: {  	s31 =	simm.s32 $0xF000  }
0x12f: {  	[tilespmem:s31], [sflag:$0x2] =	stream.indirect_vreg.gather [hbm4b:s3+s2], $0x40, v0, vm0, $0xb8;
	[tilespmem:$0x16400] =	vst v63  }
0x130: {  	v0 =	vld [tilespmem:s22+$0xFFFFFE50];
	_ =	sdelay $0x6  }
0x131: {  	s31 =	simm.s32 $0xF400  }
0x132: {  	[tilespmem:s31], [sflag:$0x2] =	stream.indirect_vreg.gather [hbm4b:s3+s2], $0x40, v0, vm0, $0xb8;
	[tilespmem:$0x16400] =	vst v63  }
0x133: {  	v0 =	vld [tilespmem:s22+$0xFFFFFE60];
	_ =	sdelay $0x6  }
0x134: {  	s31 =	simm.s32 $0xF800  }
0x135: {  	[tilespmem:s31], [sflag:$0x2] =	stream.indirect_vreg.gather [hbm4b:s3+s2], $0x40, v0, vm0, $0xb8;
	[tilespmem:$0x16400] =	vst v63  }
0x136: {  	v0 =	vld [tilespmem:s22+$0xFFFFFE70];
	_ =	sdelay $0x6  }
0x137: {  	s31 =	simm.s32 $0xFC00  }
0x138: {  	[tilespmem:s31], [sflag:$0x2] =	stream.indirect_vreg.gather [hbm4b:s3+s2], $0x40, v0, vm0, $0xb8;
	[tilespmem:$0x16400] =	vst v63  }
0x139: {  	v0 =	vld [tilespmem:s22+$0xFFFFFE80];
	_ =	sdelay $0x6  }
0x13a: {  	s31 =	simm.s32 $0x10000  }
0x13b: {  	[tilespmem:s31], [sflag:$0x2] =	stream.indirect_vreg.gather [hbm4b:s3+s2], $0x40, v0, vm0, $0xb8;
	[tilespmem:$0x16400] =	vst v63  }
0x13c: {  	v0 =	vld [tilespmem:s22+$0xFFFFFE90];
	_ =	sdelay $0x6  }
0x13d: {  	s31 =	simm.s32 $0x10400  }
0x13e: {  	[tilespmem:s31], [sflag:$0x2] =	stream.indirect_vreg.gather [hbm4b:s3+s2], $0x40, v0, vm0, $0xb8;
	[tilespmem:$0x16400] =	vst v63  }
0x13f: {  	v0 =	vld [tilespmem:s22+$0xFFFFFEA0];
	_ =	sdelay $0x6  }
0x140: {  	s31 =	simm.s32 $0x10800  }
0x141: {  	[tilespmem:s31], [sflag:$0x2] =	stream.indirect_vreg.gather [hbm4b:s3+s2], $0x40, v0, vm0, $0xb8;
	[tilespmem:$0x16400] =	vst v63  }
0x142: {  	v0 =	vld [tilespmem:s22+$0xFFFFFEB0];
	_ =	sdelay $0x6  }
0x143: {  	s31 =	simm.s32 $0x10C00  }
0x144: {  	[tilespmem:s31], [sflag:$0x2] =	stream.indirect_vreg.gather [hbm4b:s3+s2], $0x40, v0, vm0, $0xb8;
	[tilespmem:$0x16400] =	vst v63  }
0x145: {  	v0 =	vld [tilespmem:s22+$0xFFFFFEC0];
	_ =	sdelay $0x6  }
0x146: {  	s31 =	simm.s32 $0x11000  }
0x147: {  	[tilespmem:s31], [sflag:$0x2] =	stream.indirect_vreg.gather [hbm4b:s3+s2], $0x40, v0, vm0, $0xb8;
	[tilespmem:$0x16400] =	vst v63  }
0x148: {  	v0 =	vld [tilespmem:s22+$0xFFFFFED0];
	_ =	sdelay $0x6  }
0x149: {  	s31 =	simm.s32 $0x11400  }
0x14a: {  	[tilespmem:s31], [sflag:$0x2] =	stream.indirect_vreg.gather [hbm4b:s3+s2], $0x40, v0, vm0, $0xb8;
	[tilespmem:$0x16400] =	vst v63  }
0x14b: {  	v0 =	vld [tilespmem:s22+$0xFFFFFEE0];
	_ =	sdelay $0x6  }
0x14c: {  	s31 =	simm.s32 $0x11800  }
0x14d: {  	[tilespmem:s31], [sflag:$0x2] =	stream.indirect_vreg.gather [hbm4b:s3+s2], $0x40, v0, vm0, $0xb8;
	[tilespmem:$0x16400] =	vst v63  }
0x14e: {  	v0 =	vld [tilespmem:s22+$0xFFFFFEF0];
	_ =	sdelay $0x6  }
0x14f: {  	s31 =	simm.s32 $0x11C00  }
0x150: {  	[tilespmem:s31], [sflag:$0x2] =	stream.indirect_vreg.gather [hbm4b:s3+s2], $0x40, v0, vm0, $0xb8;
	[tilespmem:$0x16400] =	vst v63  }
0x151: {  	v0 =	vld [tilespmem:s22+$0xFFFFFF00];
	_ =	sdelay $0x6  }
0x152: {  	s31 =	simm.s32 $0x12000  }
0x153: {  	[tilespmem:s31], [sflag:$0x2] =	stream.indirect_vreg.gather [hbm4b:s3+s2], $0x40, v0, vm0, $0xb8;
	[tilespmem:$0x16400] =	vst v63  }
0x154: {  	v0 =	vld [tilespmem:s22+$0xFFFFFF10];
	_ =	sdelay $0x6  }
0x155: {  	s31 =	simm.s32 $0x12400  }
0x156: {  	[tilespmem:s31], [sflag:$0x2] =	stream.indirect_vreg.gather [hbm4b:s3+s2], $0x40, v0, vm0, $0xb8;
	[tilespmem:$0x16400] =	vst v63  }
0x157: {  	v0 =	vld [tilespmem:s22+$0xFFFFFF20];
	_ =	sdelay $0x6  }
0x158: {  	s31 =	simm.s32 $0x12800  }
0x159: {  	[tilespmem:s31], [sflag:$0x2] =	stream.indirect_vreg.gather [hbm4b:s3+s2], $0x40, v0, vm0, $0xb8;
	[tilespmem:$0x16400] =	vst v63  }
0x15a: {  	v0 =	vld [tilespmem:s22+$0xFFFFFF30];
	_ =	sdelay $0x6  }
0x15b: {  	s31 =	simm.s32 $0x12C00  }
0x15c: {  	[tilespmem:s31], [sflag:$0x2] =	stream.indirect_vreg.gather [hbm4b:s3+s2], $0x40, v0, vm0, $0xb8;
	[tilespmem:$0x16400] =	vst v63  }
0x15d: {  	v0 =	vld [tilespmem:s22+$0xFFFFFF40];
	_ =	sdelay $0x6  }
0x15e: {  	s31 =	simm.s32 $0x13000  }
0x15f: {  	[tilespmem:s31], [sflag:$0x2] =	stream.indirect_vreg.gather [hbm4b:s3+s2], $0x40, v0, vm0, $0xb8;
	[tilespmem:$0x16400] =	vst v63  }
0x160: {  	v0 =	vld [tilespmem:s22+$0xFFFFFF50];
	_ =	sdelay $0x6  }
0x161: {  	s31 =	simm.s32 $0x13400  }
0x162: {  	[tilespmem:s31], [sflag:$0x2] =	stream.indirect_vreg.gather [hbm4b:s3+s2], $0x40, v0, vm0, $0xb8;
	[tilespmem:$0x16400] =	vst v63  }
0x163: {  	v0 =	vld [tilespmem:s22+$0xFFFFFF60];
	_ =	sdelay $0x6  }
0x164: {  	s31 =	simm.s32 $0x13800  }
0x165: {  	[tilespmem:s31], [sflag:$0x2] =	stream.indirect_vreg.gather [hbm4b:s3+s2], $0x40, v0, vm0, $0xb8;
	[tilespmem:$0x16400] =	vst v63  }
0x166: {  	v0 =	vld [tilespmem:s22+$0xFFFFFF70];
	_ =	sdelay $0x6  }
0x167: {  	s31 =	simm.s32 $0x13C00  }
0x168: {  	[tilespmem:s31], [sflag:$0x2] =	stream.indirect_vreg.gather [hbm4b:s3+s2], $0x40, v0, vm0, $0xb8;
	[tilespmem:$0x16400] =	vst v63  }
0x169: {  	v0 =	vld [tilespmem:s22+$0xFFFFFF80];
	_ =	sdelay $0x6  }
0x16a: {  	s31 =	simm.s32 $0x14000  }
0x16b: {  	[tilespmem:s31], [sflag:$0x2] =	stream.indirect_vreg.gather [hbm4b:s3+s2], $0x40, v0, vm0, $0xb8;
	[tilespmem:$0x16400] =	vst v63  }
0x16c: {  	v0 =	vld [tilespmem:s22+$0xFFFFFF90];
	_ =	sdelay $0x6  }
0x16d: {  	s31 =	simm.s32 $0x14400  }
0x16e: {  	[tilespmem:s31], [sflag:$0x2] =	stream.indirect_vreg.gather [hbm4b:s3+s2], $0x40, v0, vm0, $0xb8;
	[tilespmem:$0x16400] =	vst v63  }
0x16f: {  	v0 =	vld [tilespmem:s22+$0xFFFFFFA0];
	_ =	sdelay $0x6  }
0x170: {  	s31 =	simm.s32 $0x14800  }
0x171: {  	[tilespmem:s31], [sflag:$0x2] =	stream.indirect_vreg.gather [hbm4b:s3+s2], $0x40, v0, vm0, $0xb8;
	[tilespmem:$0x16400] =	vst v63  }
0x172: {  	v0 =	vld [tilespmem:s22+$0xFFFFFFB0];
	_ =	sdelay $0x6  }
0x173: {  	s31 =	simm.s32 $0x14C00  }
0x174: {  	[tilespmem:s31], [sflag:$0x2] =	stream.indirect_vreg.gather [hbm4b:s3+s2], $0x40, v0, vm0, $0xb8;
	[tilespmem:$0x16400] =	vst v63  }
0x175: {  	v0 =	vld [tilespmem:s22+$0xFFFFFFC0];
	_ =	sdelay $0x6  }
0x176: {  	s31 =	simm.s32 $0x15000  }
0x177: {  	[tilespmem:s31], [sflag:$0x2] =	stream.indirect_vreg.gather [hbm4b:s3+s2], $0x40, v0, vm0, $0xb8;
	[tilespmem:$0x16400] =	vst v63  }
0x178: {  	v0 =	vld [tilespmem:s22+$0xFFFFFFD0];
	_ =	sdelay $0x6  }
0x179: {  	s31 =	simm.s32 $0x15400  }
0x17a: {  	[tilespmem:s31], [sflag:$0x2] =	stream.indirect_vreg.gather [hbm4b:s3+s2], $0x40, v0, vm0, $0xb8;
	[tilespmem:$0x16400] =	vst v63  }
0x17b: {  	v0 =	vld [tilespmem:s22+$0xFFFFFFE0];
	_ =	sdelay $0x6  }
0x17c: {  	s31 =	simm.s32 $0x15800  }
0x17d: {  	[tilespmem:s31], [sflag:$0x2] =	stream.indirect_vreg.gather [hbm4b:s3+s2], $0x40, v0, vm0, $0xb8;
	[tilespmem:$0x16400] =	vst v63  }
0x17e: {  	v0 =	vld [tilespmem:s22+$0xFFFFFFF0];
	_ =	sdelay $0x6  }
0x17f: {  	s31 =	simm.s32 $0x15C00  }
0x180: {  	[tilespmem:s31], [sflag:$0x2] =	stream.indirect_vreg.gather [hbm4b:s3+s2], $0x40, v0, vm0, $0xb8;
	[tilespmem:$0x16400] =	vst v63  }
0x181: {  	v0 =	vld [tilespmem:s22+$0x0];
	_ =	sdelay $0x6  }
0x182: {  	p0 =	sne.s32 s23, $0x2E000;
	s31 =	simm.s32 $0x16000  }
0x183: {  	[tilespmem:s31], [sflag:$0x2] =	stream.indirect_vreg.gather [hbm4b:s3+s2], $0x40, v0, vm0, $0xb8;
	[tilespmem:$0x16400] =	vst v63  }
.Ltmp0:
0x184: {  	_ =	swait.ge [sflag:s18], $0x8000;
	(pc) =	sbr.rel @p0 .LBB2_2-.Ltmp0, $4  }
0x185: {  	s31 =	rddreg [dreg:$0x4];
	[sflag:s18] =	ssyncset.done $0x0  }
0x186: {  	s29 =	simm.s32 $0xE400;
	[sflag:s18] =	ssyncadd.s32 $0xFFFF8000;
	s24 =	sadd.s32 s23, s31  }
0x187: {  	[hbm4b:s24+s2] =	stream.linear.scatter [tilespmem:s13], [sflag:$0x3], $0x8000, $0x38;
	[tilespmem:$0x16400] =	vst v63  }
0x188: {  	s22 =	sadd.s32 $0x400, s22;
	s23 =	sadd.s32 $0x2000, s23;
	s24 =	simm.s32 $0x6800  }
0x189: {  	_ =	swait.ge [sflag:s20], $0x8000  }
0x18a: {  	[sflag:s20] =	ssyncset.done $0x0  }
0x18b: {  	s22 =	rddreg [dreg:$0x7];
	[sflag:s20] =	ssyncadd.s32 $0xFFFF8000  }
0x18c: {  	[hbm4b:s22+s2] =	stream.linear.scatter [tilespmem:s29], [sflag:$0x4], $0x8000, $0x38;
	[tilespmem:$0x16400] =	vst v63  }
0x18d: {  	_ =	swait.ge [sflag:s19], $0x8000  }
0x18e: {  	s23 =	simm.s32 $0x6C00;
	s25 =	simm.s32 $0x7000;
	[sflag:s19] =	ssyncset.done $0x0  }
0x18f: {  	s28 =	simm.s32 $0x7800;
	s31 =	simm.s32 $0x7C00;
	[sflag:s19] =	ssyncadd.s32 $0xFFFF8000  }
0x190: {  	s30 =	simm.s32 $0x8000;
	s1 =	simm.s32 $0x8400;
	_ =	swait.ge [sflag:s21], $0x8000  }
0x191: {  	s4 =	simm.s32 $0x8C00;
	s5 =	simm.s32 $0x9000;
	s0 =	rddreg [dreg:$0x9]  }
0x192: {  	s6 =	simm.s32 $0x9400;
	s26 =	rddreg [dreg:$0x8];
	s0 =	sadd.s32 $0x1, s0  }
0x193: {  	s7 =	simm.s32 $0x9800;
	s8 =	simm.s32 $0x9C00;
	p0 =	sne.s32 s0, s26  }
.Ltmp1:
0x194: {  	s10 =	simm.s32 $0xA000;
	s11 =	simm.s32 $0xA400;
	(pc) =	sbr.rel @p0 .LBB2_1-.Ltmp1, $4  }
0x195: {  	s12 =	simm.s32 $0xA800;
	s14 =	simm.s32 $0xAC00;
	s15 =	simm.s32 $0xB000  }
0x196: {  	s16 =	simm.s32 $0xB400;
	s17 =	simm.s32 $0xB800;
	[sflag:s21] =	ssyncset.done $0x0  }
0x197: {  	s9 =	simm.s32 $0xBC00;
	s13 =	simm.s32 $0xC000;
	[sflag:s21] =	ssyncadd.s32 $0xFFFF8000  }
0x198: {  	[dreg:$0x9] =	wrdreg s0;
	s26 =	simm.s32 $0x7400;
	s0 =	simm.s32 $0x8800  }
0x199: {  	_ =	sfence.sel $0x180000  }
0x19a: {  	[bflag:$0x0] =	sbarrier.arrive $0xFFFF  }
0x19b: {  	_ =	strace $0x90000047  }
0x19c: {  	s0 =	stileid.u32;
	[bflag:$0x2] =	sbarrier.arrive $0xFFFF  }
0x19d: {  	p0 =	sne.s32 s0, $0x0;
	s0 =	rddreg [dreg:$0x2]  }
0x19e: {  	s0 =	sadd.s32 @!p0 $0x100000, s0  }
0x19f: {  	[sflag:s0] =	ssyncadd.tile.s32 @!p0 $0x1;
	_ =	shalt  }
.Lfunc_end2:
_tile_overlayer_lowered:
.L_overlay_start_2:
0x1a0: {  	(tag) =	ssettag $0x2  }
0x1a1: {  	s0 =	rddreg [dreg:$0x0];
	s2 =	stileid.u32  }
0x1a2: {  	s1 =	rddreg [dreg:$0x1];
	p0 =	sne.s32 s2, $0x0  }
0x1a3: {  	s3 =	rddreg [dreg:$0x2];
	[bflag:$0x3] =	sbarrier.arrive $0xFFFF;
	s2 =	simm.s32 @!p0 $0x1C05  }
0x1a4: {  	[timem:s3], [sflag:s2] =	dma.local @!p0 [hbm:s0], s1  }
0x1a5: {  	s0 =	simm.s32 @!p0 $0x5  }
0x1a6: {  	_ =	swait.ge @!p0 [sflag:s0], s1  }
0x1a7: {  	s1 =	ssub.s32 @!p0 $0x0, s1;
	[sflag:s0] =	ssyncset.done @!p0 $0x0  }
0x1a8: {  	[sflag:s0] =	ssyncadd.s32 @!p0 s1  }
0x1a9: {  	[bflag:$0x3] =	sbarrier.arrive $0xFFFF  }
0x1aa: {  	_ =	shalt  }

// kernel: sparse-core-data-format-call.cloned.1.call-start
scs
called_computation_lowered:
.L_overlay_start_0:
0x0: {  	s2 =	sld [smem:$0x3FD9]  }
0x1: {  	s3 =	sld [smem:$0x3FFE];
	_ =	sdelay $0x1  }
0x2: {  	s1 =	srdreg.scid  }
0x3: {  	s0 =	sand.u32 $0x1, s1  }
0x4: {  	s18 =	sshll.u32 s0, $0xA;
	s2 =	sadd.s32 s3, s2  }
0x5: {  	s2 =	sadd.s32 s2, s18  }
0x6: {  	[smem:$0x3FC6] =	sst s2  }
0x7: {  	_ = 	snop  }
0x8: {  	s2 =	sld [smem:$0x3FD0];
	(tm) =	ssettm $0x1  }
0x9: {  	s19 =	sld [smem:$0x3FFB];
	_ =	sdelay $0x3  }
0xa: {  	_ =	strace s19  }
0xb: {  	s3 =	sld [smem:$0x3FFC];
	_ =	sdelay $0x3  }
0xc: {  	_ =	strace s3  }
0xd: {  	s3 =	sld [smem:$0x3FFD];
	_ =	sdelay $0x3  }
0xe: {  	_ =	strace s3  }
0xf: {  	_ =	strace $0x8FFFFFFF  }
0x10: {  	s20 =	sld [smem:$0x3FDB];
	_ =	sdelay $0x1  }
0x11: {  	s4 =	simm.s32 $_scs_section_size  }
0x12: {  	s5 =	simm.s32 $_size__tile_overlayer_lowered;
	s6 =	simm.s32 $_tile_overlayer_lowered  }
0x13: {  	s23 =	simm.s32 $0x1BFF;
	s22 =	sshll.u32 s6, $0x1;
	s3 =	sadd.s32 s4, s20  }
0x14: {  	s7 =	simm.s32 $0x0;
	s21 =	sshll.u32 s5, $0x1;
	s5 =	sadd.s32 s22, s3  }
0x15: {  	[timem:s7], [sflag:s23] =	dma.local [hbm:s5], s21  }
0x16: {  	_ =	swait.ge [sflag:s23], s21  }
0x17: {  	s4 =	ssub.s32 $0x0, s21;
	[sflag:s23] =	ssyncset.done $0x0  }
0x18: {  	[sflag:s23] =	ssyncadd.s32 s4;
	_ =	sdelay $0x1  }
0x19: {  	s24 =	simm.s32 $0x1B8B  }
0x1a: {  	_ =	swait.ge [sflag:s24], $0x1  }
0x1b: {  	[sflag:s24] =	ssyncset.done $0x0  }
0x1c: {  	s26 =	simm.s32 $0x1B8E;
	s25 =	sld [smem:$0x3FFE];
	[sflag:s24] =	ssyncadd.s32 $0xFFFFFFFF  }
0x1d: {  	s27 =	simm.s32 $execute0_lowered;
	[smem:$0x3FD2] =	sst s26  }
0x1e: {  	s5 =	sshll.u32 s27, $0x1;
	_ =	strace $0x80000049;
	[dreg:$0x1] =	wrdreg $0xFFFFFFFF  }
0x1f: {  	s28 =	simm.s32 $_size_execute0_lowered;
	s3 =	sadd.s32 s3, s5;
	[dreg:$0x0] =	wrdreg $0x0  }
0x20: {  	s5 =	sshll.u32 s28, $0x1;
	[dreg:$0x2] =	wrdreg s3  }
0x21: {  	[dreg:$0x3] =	wrdreg s5  }
0x22: {  	[dreg:$0x4] =	wrdreg $0xC0  }
0x23: {  	_ =	task [dreg:s7], $0x5FFFF  }
0x24: {  	[dreg:$0x1] =	wrdreg $0xFFFFFFFF  }
0x25: {  	[dreg:$0x0] =	wrdreg $0x60  }
0x26: {  	[dreg:$0x2] =	wrdreg s25  }
0x27: {  	[dreg:$0x3] =	wrdreg s2  }
0x28: {  	[dreg:$0x4] =	wrdreg $0x9  }
0x29: {  	_ =	task.clear_ibuf [dreg:s7], $0x5FFFF;
	_ =	strace $0x90000049  }
0x2a: {  	s29 =	simm.s32 $0x9;
	_ =	strace $0x8000004B  }
0x2b: {  	_ =	swait.ge [sflag:s29], $0x1  }
0x2c: {  	[sflag:s29] =	ssyncadd.s32 $0xFFFFFFFF  }
0x2d: {  	_ =	strace $0x9000004B  }
0x2e: {  	_ =	sfence  }
0x2f: {  	s30 =	sld [smem:$0x0];
	_ =	sdelay $0x2  }
0x30: {  	s31 =	sshll.u32 s1, $0xD;
	s1 =	sshrl.u32 s1, $0x2  }
0x31: {  	s3 =	sand.u32 $0x4000, s31;
	s1 =	sadd.s32 s1, s30  }
0x32: {  	s0 =	sor.u32 s3, s0;
	s1 =	sshll.u32 s1, $0x11  }
0x33: {  	s0 =	sor.u32 s1, s0  }
0x34: {  	s0 =	sadd.s32 $0x8F2B, s0  }
0x35: {  	[sflag:s0] =	ssyncadd.remote.s32 $0x1  }
0x36: {  	_ =	sfence.sel $0xFFFF  }
0x37: {  	[dreg:$0x0] =	wrdreg $0xFFFFFFFF;
	(pc) =	sbr.abs _section_cstart, $3  }
0x38: {  	[dreg:$0x1] =	wrdreg $0xFFFFFFFF  }
0x39: {  	_ =	task.clear_ibuf [dreg:s7], $0x2FFFF;
	_ =	strace $0x9FFFFFFF  }
0x3a: {  	(tm) =	ssettm $0x7FFFFFFF  }
0x3b: {  	_ =	shalt  }
tec
execute0_lowered:
.L_overlay_start_1:
0x0: {  	(tag) =	ssettag $0x1  }
0x1: {  	s0 =	srdreg.scid  }
0x2: {  	s1 =	sshll.u32 s0, $0x4  }
0x3: {  	s0 =	stileid.u32;
	s1 =	sand.u32 $0x10, s1  }
0x4: {  	s1 =	sor.u32 s0, s1  }
0x5: {  	s6 =	rddreg [dreg:$0x0];
	s4 =	simm.s32 $0x1;
	s2 =	sshll.u32 s1, $0x7  }
0x6: {  	s7 =	simm.s32 $0x2;
	s12 =	simm.s32 $0x0;
	s1 =	ssub.s32 $0x1000, s2  }
0x7: {  	s8 =	simm.s32 $0x8000;
	s13 =	simm.s32 $0x0;
	s3 =	sand.u32 $0xF80, s1  }
0x8: {  	s9 =	simm.s32 $0x0;
	s5 =	sshrl.u32 s1, $0xC;
	p0 =	sne.s32 s3, $0x0  }
.Ltmp0:
0x9: {  	s1 =	rddreg [dreg:$0x2];
	s4 =	simm.s32 @!p0 $0x0;
	(pc) =	sbr.rel .LBB1_1-.Ltmp0, $4  }
0xa: {  	s11 =	simm.s32 $0x0;
	s3 =	rddreg [dreg:$0x1];
	s5 =	sadd.s32 s4, s5  }
0xb: {  	_ =	strace $0x8000004A;
	s4 =	simm.s32 $0x1;
	s5 =	smul.u32 $0xC8, s5  }
0xc: {  	s6 =	sadd.s32 $0xA00, s6;
	s10 =	smov.u32 s2;
	[sflag:s4] =	ssyncpa.u1 $0x0  }
0xd: {  	p0 =	por $0x0, $0x0;
	[sflag:s7] =	ssyncpa.u1 $0x0;
	s7 =	sor.u32 $0x1, s5  }
.LBB1_4:
0xe: {  	s16 =	sshll.u32 s13, $0x3;
	s17 =	sand.u32 $0x78, s13  }
0xf: {  	s30 =	sand.u32 $0x7E00, s13;
	s12 =	sshll.u32 s12, $0xF;
	s16 =	sand.u32 $0xC00, s16  }
0x10: {  	[tilespmem:s15+$0x810 ss:$0x81] =	vst.msk $0xffff, v2;
	s31 =	sand.u32 $0x7, s13;
	s16 =	sor.u32 s17, s16;
	s17 =	sadd.s32 s3, s30  }
0x11: {  	[tilespmem:s15+$0x1020 ss:$0x81] =	vst.msk $0xffff, v0;
	s13 =	sshll.u32 s31, $0x12;
	s12 =	sadd.s32 s12, s17;
	s16 =	sshrl.u32 s16, $0x3  }
0x12: {  	[tilespmem:s15+$0x0 ss:$0x81] =	vst.msk $0xffff, v1;
	s13 =	sor.u32 $0x400, s13;
	s12 =	sadd.s32 s16, s12  }
0x13: {  	[hbm4b:s12+s13] =	stream.strided.scatter [tilespmem:s14], [sflag:$0x2], $0x2000, s8, s13, $0x20;
	[tilespmem:$0x8080] =	vst v63  }
.LBB1_5:
0x14: {  	s14 =	sadd.s32 $0x1, s9  }
0x15: {  	s12 =	sadd.s32 $0x1000, s10;
	s16 =	smov.u32 s10;
	p2 =	sgt.s32 s14, $0xC7  }
0x16: {  	s16 =	smov.u32 @p2 s12  }
0x17: {  	s14 =	simm.s32 @p2 $0x0;
	p2 =	sgt.s32 s16, $0xFFF  }
0x18: {  	s16 =	smov.u32 @p2 s2;
	p2 =	sne.s32 s11, s7  }
.Ltmp1:
0x19: {  	p1 =	slt.u32 s11, $0x2;
	(pc) =	sbr.rel @!p2 .LBB1_6-.Ltmp1, $4  }
0x1a: {  	s15 =	simm.s32 @!p1 $0x2  }
0x1b: {  	s13 =	smov.u32 s10;
	p0 =	por !p0, !p0;
	_ =	swait.ge @!p1 [sflag:s15], $0x2000  }
0x1c: {  	s12 =	smov.u32 s9;
	[sflag:s15] =	ssyncset.done @!p1 $0x0;
	s9 =	smov.u32 s14  }
0x1d: {  	s11 =	sadd.s32 $0x1, s11;
	[sflag:s15] =	ssyncadd.s32 @!p1 $0xFFFFE000;
	s10 =	smov.u32 s16  }
.LBB1_1:
0x1e: {  	p1 =	sge.u32 s11, s5  }
0x1f: {  	s14 =	sand.u32 @!p1 $0x1FFFFFF, s9  }
0x20: {  	s15 =	smulhi.u32 @!p1 $0x147AE15, s14;
	_ =	sdelay $0x1  }
0x21: {  	s15 =	smul.u32 @!p1 $0xC8, s15  }
0x22: {  	s16 =	sxor.u32 @!p1 $0xFFFFFFFF, s11;
	s17 =	smul.u32 @!p1 $0xC80, s10  }
0x23: {  	s31 =	sadd.s32 $0xFFFFFFFF, s11;
	s16 =	sshll.u32 @!p1 s16, $0xD;
	s14 =	ssub.s32 @!p1 s14, s15  }
0x24: {  	s15 =	sand.u32 @!p1 $0x2000, s16;
	s16 =	sadd.s32 @!p1 s6, s17;
	s14 =	sshll.u32 @!p1 s14, $0x4  }
0x25: {  	s17 =	simm.s32 @!p1 $0x6400;
	s14 =	sadd.s32 @!p1 s14, s16;
	s16 =	simm.s32 @!p1 $0x40  }
0x26: {  	[tilespmem:s15], [sflag:$0x1] =	stream.strided.gather @!p1 [hbm4b:s14+s16], $0x2000, s17, s16, $0x38;
	[tilespmem:$0x8080] =	vst v63  }
0x27: {  	p1 =	sge.u32 s31, s5  }
.Ltmp2:
0x28: {  	_ = 	snop;
	(pc) =	sbr.rel @p1 .LBB1_5-.Ltmp2, $1  }
0x29: {  	_ =	sdelay $0x3  }
0x2a: {  	s14 =	simm.s32 $0x1  }
0x2b: {  	_ =	swait.ge [sflag:s4], $0x2000;
	s14 =	simm.s32 @!p0 $0x0  }
0x2c: {  	[sflag:s4] =	ssyncset.done $0x0;
	s15 =	sshll.u32 s14, $0xD  }
0x2d: {  	[sflag:s4] =	ssyncadd.s32 $0xFFFFE000;
	s18 =	sor.u32 $0x20, s15  }
0x2e: {  	s14 =	smul.u32 $0x8100, s14;
	v3 =	vld [tilespmem:s18+$0x10]  }
0x2f: {  	s30 =	sand.u32 $0x1, s11;
	v2 =	vld [tilespmem:s18+$0xFFFFFFF0]  }
0x30: {  	s15 =	smul.u32 $0x8100, s30;
	s14 =	sshrl.u32 s14, $0x2;
	v0 =	vld [tilespmem:s18+$0x0]  }
0x31: {  	v1 =	vld [tilespmem:s18+$0xFFFFFFE0];
	s16 =	sor.u32 $0x4000, s14  }
0x32: {  	s31 =	sshrl.u32 s15, $0x2;
	s15 =	sadd.s32 $0x0, s16  }
0x33: {  	s17 =	simm.s32 $0x4;
	s18 =	sadd.s32 $0x40, s18;
	s14 =	sor.u32 $0x4000, s31;
	[tilespmem:s15+$0x1830 ss:$0x81] =	vst.msk $0xffff, v3  }
.LBB1_3:
0x34: {  	v3 =	vld [tilespmem:s18+$0x10];
	p1 =	sne.s32 s17, $0x1FC;
	[tilespmem:s15+$0x810 ss:$0x81] =	vst.msk $0xffff, v2;
	s19 =	smov.u32 s17;
	s17 =	sadd.s32 $0x4, s17  }
.Ltmp3:
0x35: {  	v2 =	vld [tilespmem:s18+$0xFFFFFFF0];
	[tilespmem:s15+$0x1020 ss:$0x81] =	vst.msk $0xffff, v0;
	(pc) =	sbr.rel @p1 .LBB1_3-.Ltmp3, $4  }
0x36: {  	v0 =	vld [tilespmem:s18+$0x0];
	[tilespmem:s15+$0x0 ss:$0x81] =	vst.msk $0xffff, v1  }
0x37: {  	s15 =	sshra.s32 s19, $0x2;
	v1 =	vld [tilespmem:s18+$0xFFFFFFE0]  }
0x38: {  	s15 =	sadd.s32 s15, s16  }
0x39: {  	s18 =	sadd.s32 $0x40, s18;
	[tilespmem:s15+$0x1830 ss:$0x81] =	vst.msk $0xffff, v3  }
.Ltmp4:
0x3a: {  	_ = 	snop;
	(pc) =	sbr.rel .LBB1_4-.Ltmp4, $1  }
0x3b: {  	_ =	sdelay $0x3  }
.LBB1_6:
0x3c: {  	_ =	sfence.sel $0x180000  }
0x3d: {  	s2 =	simm.s32 $0x1;
	[bflag:$0x0] =	sbarrier.arrive $0xFFFF  }
0x3e: {  	s31 =	simm.s32 $0x2;
	[sflag:s2] =	ssyncpa.u1 $0x1  }
0x3f: {  	[sflag:s31] =	ssyncpa.u1 $0x1  }
0x40: {  	p0 =	sne.s32 s0, $0x0;
	_ =	strace $0x9000004A  }
0x41: {  	s0 =	sadd.s32 @!p0 $0x100000, s1;
	[bflag:$0x2] =	sbarrier.arrive $0xFFFF  }
0x42: {  	[sflag:s0] =	ssyncadd.tile.s32 @!p0 $0x1;
	_ =	shalt  }
.Lfunc_end1:
_tile_overlayer_lowered:
.L_overlay_start_2:
0x43: {  	(tag) =	ssettag $0x2  }
0x44: {  	s0 =	rddreg [dreg:$0x0];
	s2 =	stileid.u32  }
0x45: {  	s1 =	rddreg [dreg:$0x1];
	p0 =	sne.s32 s2, $0x0  }
0x46: {  	s3 =	rddreg [dreg:$0x2];
	[bflag:$0x3] =	sbarrier.arrive $0xFFFF;
	s2 =	simm.s32 @!p0 $0x1C01  }
0x47: {  	[timem:s3], [sflag:s2] =	dma.local @!p0 [hbm:s0], s1  }
0x48: {  	s0 =	simm.s32 @!p0 $0x1  }
0x49: {  	_ =	swait.ge @!p0 [sflag:s0], s1  }
0x4a: {  	s1 =	ssub.s32 @!p0 $0x0, s1;
	[sflag:s0] =	ssyncset.done @!p0 $0x0  }
0x4b: {  	[sflag:s0] =	ssyncadd.s32 @!p0 s1  }
0x4c: {  	[bflag:$0x3] =	sbarrier.arrive $0xFFFF  }
0x4d: {  	_ =	shalt  }

</sc_bundles>
